<compile_context>
chip_gen: v7x
topology: tpu7x:2x2x1
jax: 0.10.2.dev20260603
libtpu: 0.0.44.dev20260713+nightly
codegen_flags: <defaults>
</compile_context>

<pallas_src>
import functools

import jax
import jax.numpy as jnp
from jax.experimental import pallas as pl
from jax.experimental.pallas import tpu as pltpu
from jax.experimental.pallas import tpu_sc as plsc

TOPK = 100
SCALE = 4.0


def _topk_kernel(hm_ref, out_ref, *scrs, B, C, H, W):
    hm_scrs = scrs[:B]
    rowmax_scrs = scrs[B:]
    NROWS = C * H
    s = pl.program_id(0)

    for b in range(B):

        @pl.when(s == b)
        def _maxpool(b=b):
            x = hm_ref[0].reshape(NROWS, W)
            NEG = jnp.float32(-3.0e38)
            yc = jax.lax.broadcasted_iota(jnp.int32, (NROWS, W), 0) % H
            ln = jax.lax.broadcasted_iota(jnp.int32, (NROWS, W), 1)
            xm1 = pltpu.roll(x, 1, 0)
            xp1 = pltpu.roll(x, NROWS - 1, 0)
            vmax = jnp.maximum(x, jnp.maximum(
                jnp.where(yc == 0, NEG, xm1),
                jnp.where(yc == H - 1, NEG, xp1)))
            hl = pltpu.roll(vmax, 1, 1)
            hr = pltpu.roll(vmax, W - 1, 1)
            hmax = jnp.maximum(vmax, jnp.maximum(
                jnp.where(ln == 0, NEG, hl),
                jnp.where(ln == W - 1, NEG, hr)))

            hm = jnp.where(hmax == x, x, jnp.float32(0.0))
            hm_scrs[b][...] = hm
            rowmax_scrs[b][...] = jnp.max(hm.reshape(C, H, W), axis=2)

    @pl.when(s == B)
    def _rounds():
        lane = jax.lax.broadcasted_iota(jnp.int32, (1, W), 1)
        lane_h = jax.lax.broadcasted_iota(jnp.int32, (1, H), 1)
        ridx = (jax.lax.broadcasted_iota(jnp.int32, (C, H), 0) * H
                + jax.lax.broadcasted_iota(jnp.int32, (C, H), 1))
        R = range(B)

        def round_body(k, carries):
            rms = [rowmax_scrs[b][...] for b in R]
            ms = [jnp.max(rms[b]) for b in R]
            rs = [jnp.min(jnp.where(rms[b] == ms[b], ridx, NROWS)) for b in R]
            rows = [hm_scrs[b][pl.ds(rs[b], 1), :] for b in R]
            xqs = [jnp.min(jnp.where(rows[b] == ms[b], lane, W),
                           axis=1, keepdims=True) for b in R]
            newrows = [jnp.where(lane == xqs[b], jnp.float32(-1.0), rows[b])
                       for b in R]
            for b in R:
                hm_scrs[b][pl.ds(rs[b], 1), :] = newrows[b]
            nrms = [jnp.max(newrows[b], axis=1, keepdims=True) for b in R]
            cs = [rs[b] // H for b in R]
            ys = [rs[b] - cs[b] * H for b in R]
            rmrows = [rowmax_scrs[b][pl.ds(cs[b], 1), :] for b in R]
            for b in R:
                rowmax_scrs[b][pl.ds(cs[b], 1), :] = jnp.where(
                    lane_h == ys[b], nrms[b], rmrows[b])

            km = (lane == k)
            out = []
            for b in R:
                sc_v, r_v, x_v = carries[b]
                out.append((
                    jnp.where(km, ms[b], sc_v),
                    jnp.where(km, rs[b].astype(jnp.float32), r_v),
                    jnp.where(km, xqs[b].astype(jnp.float32), x_v),
                ))
            return tuple(out)

        z = jnp.zeros((1, W), jnp.float32)
        init = tuple((z, z, z) for _ in range(B))
        outs = jax.lax.fori_loop(0, TOPK, round_body, init, unroll=4)
        zz = jnp.zeros((5, W), jnp.float32)
        for b in range(B):
            out_ref[b] = jnp.concatenate(list(outs[b]) + [zz], axis=0)


def _decode_sc(packed_hbm, off_hbm, wh_hbm, out_hbm,
               score_v, r_v, x_v, idx_v, rows_v, o_v, sem, *, H, W):
    cid = jax.lax.axis_index("c")
    sid = jax.lax.axis_index("s")
    wid = sid * 2 + cid
    b = wid // 8
    base = (wid - b * 8) * 16

    pltpu.sync_copy(packed_hbm.at[b, 0, pl.ds(base, 16)], score_v)
    pltpu.sync_copy(packed_hbm.at[b, 1, pl.ds(base, 16)], r_v)
    pltpu.sync_copy(packed_hbm.at[b, 2, pl.ds(base, 16)], x_v)

    rv = r_v[...].astype(jnp.int32)
    xi = x_v[...].astype(jnp.int32)
    ci = rv // H
    yi = rv - ci * H
    idx_v[...] = yi
    cps = [pltpu.async_copy(src.at[b, ch].at[idx_v], rows_v.at[i], sem)
           for i, (src, ch) in enumerate(
               [(off_hbm, 0), (off_hbm, 1), (wh_hbm, 0), (wh_hbm, 1)])]
    for cp in cps:
        cp.wait()

    io = jax.lax.iota(jnp.int32, 16)
    offx = plsc.load_gather(rows_v.at[0], [io, xi])
    offy = plsc.load_gather(rows_v.at[1], [io, xi])
    bw = plsc.load_gather(rows_v.at[2], [io, xi])
    bh = plsc.load_gather(rows_v.at[3], [io, xi])

    xs = xi.astype(jnp.float32) + offx
    ys = yi.astype(jnp.float32) + offy
    o_v[0, :] = ci.astype(jnp.float32)
    o_v[1, :] = score_v[...]
    o_v[2, :] = (xs - 0.5 * bw) * SCALE
    o_v[3, :] = (ys - 0.5 * bh) * SCALE
    o_v[4, :] = (xs + 0.5 * bw) * SCALE
    o_v[5, :] = (ys + 0.5 * bh) * SCALE
    for i in range(6):
        pltpu.sync_copy(o_v.at[i], out_hbm.at[b, i, pl.ds(base, 16)])


def kernel(heatmap, offset, wh):
    B, C, H, W = heatmap.shape
    packed = pl.pallas_call(
        functools.partial(_topk_kernel, B=B, C=C, H=H, W=W),
        grid=(B + 1,),
        in_specs=[
            pl.BlockSpec((1, C, H, W),
                         lambda s: (jnp.minimum(s, B - 1), 0, 0, 0)),
        ],
        out_specs=pl.BlockSpec((B, 8, W), lambda s: (0, 0, 0)),
        out_shape=jax.ShapeDtypeStruct((B, 8, W), jnp.float32),
        scratch_shapes=(
            [pltpu.VMEM((C * H, W), jnp.float32) for _ in range(B)]
            + [pltpu.VMEM((C, H), jnp.float32) for _ in range(B)]
        ),
    )(heatmap)

    mesh = plsc.VectorSubcoreMesh(core_axis_name="c", subcore_axis_name="s")
    decode = pl.kernel(
        functools.partial(_decode_sc, H=H, W=W),
        out_type=jax.ShapeDtypeStruct((B, 8, W), jnp.float32),
        mesh=mesh,
        scratch_types=[
            pltpu.VMEM((16,), jnp.float32),
            pltpu.VMEM((16,), jnp.float32),
            pltpu.VMEM((16,), jnp.float32),
            pltpu.VMEM((16,), jnp.int32),
            pltpu.VMEM((4, 16, W), jnp.float32),
            pltpu.VMEM((8, 16), jnp.float32),
            pltpu.SemaphoreType.DMA,
        ],
        compiler_params=pltpu.CompilerParams(needs_layout_passes=False,
                                             use_tc_tiling_on_sc=False),
    )
    out = decode(packed, offset, wh)

    ids = out[:, 0, :TOPK][:, :, None]
    scores = out[:, 1, :TOPK][:, :, None]
    bboxes = jnp.transpose(out[:, 2:6, :TOPK], (0, 2, 1))
    return (ids, scores, bboxes)

# --- scband reference (transcript-rebuilt; emitter-appended) ---
"""Pipeline reference for scband-prediction-72241349919288 (READ-ONLY COPY).

The authoritative reference and input builder live on the scoring server;
editing this copy changes nothing except your own understanding.
"""

import jax, jax.numpy as jnp
import numpy as np

TOPK = 100
SCALE = 4.0

def setup_inputs(seed: int = 0) -> dict:
    key = jax.random.key(seed)
    k1, k2, k3 = jax.random.split(key, 3)
    heatmap = jax.random.uniform(k1, (4, 80, 128, 128), dtype=jnp.float32)
    offset = jax.random.uniform(k2, (4, 2, 128, 128), dtype=jnp.float32)
    wh = jax.random.uniform(k3, (4, 2, 128, 128), dtype=jnp.float32)
    return {"heatmap": heatmap, "offset": offset, "wh": wh}

def reference(heatmap, offset, wh):
    B, C, H, W = heatmap.shape
    # 3x3 max-pool, stride 1, padding 1 == SAME -> peak-keypoint NMS
    hmax = jax.lax.reduce_window(heatmap, -jnp.inf, jax.lax.max,
                                 (1, 1, 3, 3), (1, 1, 1, 1), "SAME")
    keep = (hmax == heatmap).astype(heatmap.dtype)
    hm = keep * heatmap
    flat = hm.reshape(B, -1)
    # topk over C*H*W (sorted descending) -- equivalent to argsort + slice
    scores, indices = jax.lax.top_k(flat, TOPK)
    scores3 = scores[:, :, None]
    ids = (indices // (H * W)).astype(jnp.float32)[:, :, None]
    off = jnp.transpose(offset, (0, 2, 3, 1)).reshape(B, -1, 2)
    whp = jnp.transpose(wh, (0, 2, 3, 1)).reshape(B, -1, 2)
    topk_indices = jnp.mod(indices, H * W)
    topk_ys = (topk_indices // W).astype(jnp.float32)
    topk_xs = jnp.mod(topk_indices, W).astype(jnp.float32)
    xs = jnp.take_along_axis(off[:, :, 0], topk_indices, axis=1)
    ys = jnp.take_along_axis(off[:, :, 1], topk_indices, axis=1)
    topk_xs = topk_xs + xs
    topk_ys = topk_ys + ys
    w = jnp.take_along_axis(whp[:, :, 0], topk_indices, axis=1)
    h = jnp.take_along_axis(whp[:, :, 1], topk_indices, axis=1)
    half_w = w / 2.0
    half_h = h / 2.0
    bboxes = jnp.stack([topk_xs - half_w, topk_ys - half_h,
                        topk_xs + half_w, topk_ys + half_h], axis=-1)
    return (ids, scores3, bboxes * SCALE)

if __name__ == "__main__":
    import jax
    _d = setup_inputs()
    print(jax.jit(kernel)(*tuple(_d.values())))

</pallas_src>

<mosaic_0001>
#map = affine_map<(d0, d1) -> (0, 0, 0)>
#map1 = affine_map<(d0, d1) -> (0, 0, 0, 0)>
module attributes {stable_mosaic.version = 14 : i64} {
  func.func @_decode_sc(%arg0: i32, %arg1: i32, %arg2: memref<4x8x128xf32, #tpu.memory_space<hbm>>, %arg3: memref<4x2x128x128xf32, #tpu.memory_space<hbm>>, %arg4: memref<4x2x128x128xf32, #tpu.memory_space<hbm>>, %arg5: memref<4x8x128xf32, #tpu.memory_space<hbm>>, %arg6: memref<16xf32, #tpu.memory_space<vmem>>, %arg7: memref<16xf32, #tpu.memory_space<vmem>>, %arg8: memref<16xf32, #tpu.memory_space<vmem>>, %arg9: memref<16xi32, #tpu.memory_space<vmem>>, %arg10: memref<4x16x128xf32, #tpu.memory_space<vmem>>, %arg11: memref<8x16xf32, #tpu.memory_space<vmem>>, %arg12: memref<!tpu.dma_semaphore, #tpu.memory_space<semaphore_mem>>) attributes {dimension_semantics = [#tpu.dimension_semantics<core_parallel>, #tpu.dimension_semantics<subcore_parallel>], iteration_bounds = array<i64: 2, 16>, scalar_prefetch = 0 : i64, scratch_operands = 7 : i64, tpu.core_type = #tpu.core_type<sc_vector_subcore>, window_params = [{transform_indices = #map}, {transform_indices = #map1}, {transform_indices = #map1}, {transform_indices = #map}]} {
    %mul3A = arith.constant 2 : i32
    %mul3A_0 = arith.muli %arg1, %mul3A : i32
    %add3A = arith.addi %mul3A_0, %arg0 : i32
    %jit3A = arith.constant 8 : i32
    %div3A = arith.divsi %add3A, %jit3A : i32
    %sign3A = arith.constant 0 : i32
    %sign3A_1 = arith.cmpi sgt, %add3A, %sign3A : i32
    %sign3A_2 = arith.extui %sign3A_1 : i1 to i32
    %sign3A_3 = arith.constant 0 : i32
    %sign3A_4 = arith.cmpi slt, %add3A, %sign3A_3 : i32
    %sign3A_5 = arith.extui %sign3A_4 : i1 to i32
    %sign3A_6 = arith.subi %sign3A_2, %sign3A_5 : i32
    %sign3A_7 = arith.constant 0 : i32
    %sign3A_8 = arith.cmpi sgt, %jit3A, %sign3A_7 : i32
    %sign3A_9 = arith.extui %sign3A_8 : i1 to i32
    %sign3A_10 = arith.constant 0 : i32
    %sign3A_11 = arith.cmpi slt, %jit3A, %sign3A_10 : i32
    %sign3A_12 = arith.extui %sign3A_11 : i1 to i32
    %sign3A_13 = arith.subi %sign3A_9, %sign3A_12 : i32
    %ne3A = arith.cmpi ne, %sign3A_6, %sign3A_13 : i32
    %rem3A = arith.remsi %add3A, %jit3A : i32
    %ne3A_14 = arith.constant 0 : i32
    %ne3A_15 = arith.cmpi ne, %rem3A, %ne3A_14 : i32
    %and3A = arith.andi %ne3A, %ne3A_15 : i1
    %sub3A = arith.constant 1 : i32
    %sub3A_16 = arith.subi %div3A, %sub3A : i32
    %select_n3A = arith.select %and3A, %sub3A_16, %div3A : i32
    %mul3A_17 = arith.constant 8 : i32
    %mul3A_18 = arith.muli %select_n3A, %mul3A_17 : i32
    %sub3A_19 = arith.subi %add3A, %mul3A_18 : i32
    %mul3A_20 = arith.constant 16 : i32
    %mul3A_21 = arith.muli %sub3A_19, %mul3A_20 : i32
    %run_scoped3A = arith.constant 0 : i32
    "tpu.region"() ({
      %run_scoped3A_260 = tpu.sem_alloc : memref<!tpu.dma_semaphore, #tpu.memory_space<semaphore_mem>>
      %dma_start3A_261 = tpu.memref_slice %arg2[%select_n3A, %run_scoped3A, %mul3A_21] : memref<4x8x128xf32, #tpu.memory_space<hbm>> -> memref<1x1x16xf32, #tpu.memory_space<hbm>>
      %dma_start3A_262 = tpu.memref_squeeze %dma_start3A_261 : memref<1x1x16xf32, #tpu.memory_space<hbm>> -> memref<16xf32, #tpu.memory_space<hbm>>
      %dma_start3A_263 = tpu.memref_slice %arg2[%select_n3A, %run_scoped3A, %mul3A_21] : memref<4x8x128xf32, #tpu.memory_space<hbm>> -> memref<1x1x16xf32, #tpu.memory_space<hbm>>
      %dma_start3A_264 = tpu.memref_squeeze %dma_start3A_263 : memref<1x1x16xf32, #tpu.memory_space<hbm>> -> memref<16xf32, #tpu.memory_space<hbm>>
      tpu.enqueue_dma source(%dma_start3A_264 : memref<16xf32, #tpu.memory_space<hbm>>) target(%arg6 : memref<16xf32, #tpu.memory_space<vmem>>) target_semaphore(%run_scoped3A_260 : memref<!tpu.dma_semaphore, #tpu.memory_space<semaphore_mem>>)
      %dma_wait3A_265 = tpu.memref_slice %arg2[%select_n3A, %run_scoped3A, %mul3A_21] : memref<4x8x128xf32, #tpu.memory_space<hbm>> -> memref<1x1x16xf32, #tpu.memory_space<hbm>>
      %dma_wait3A_266 = tpu.memref_squeeze %dma_wait3A_265 : memref<1x1x16xf32, #tpu.memory_space<hbm>> -> memref<16xf32, #tpu.memory_space<hbm>>
      %dma_wait3A_267 = tpu.memref_slice %arg2[%select_n3A, %run_scoped3A, %mul3A_21] : memref<4x8x128xf32, #tpu.memory_space<hbm>> -> memref<1x1x16xf32, #tpu.memory_space<hbm>>
      %dma_wait3A_268 = tpu.memref_squeeze %dma_wait3A_267 : memref<1x1x16xf32, #tpu.memory_space<hbm>> -> memref<16xf32, #tpu.memory_space<hbm>>
      tpu.wait_dma2 semaphore(%run_scoped3A_260 : memref<!tpu.dma_semaphore, #tpu.memory_space<semaphore_mem>>) src(%dma_wait3A_268 : memref<16xf32, #tpu.memory_space<hbm>>) dst(%arg6 : memref<16xf32, #tpu.memory_space<vmem>>)
      tpu.yield
    }) : () -> ()
    %run_scoped3A_22 = arith.constant 1 : i32
    "tpu.region"() ({
      %run_scoped3A_260 = tpu.sem_alloc : memref<!tpu.dma_semaphore, #tpu.memory_space<semaphore_mem>>
      %dma_start3A_261 = tpu.memref_slice %arg2[%select_n3A, %run_scoped3A_22, %mul3A_21] : memref<4x8x128xf32, #tpu.memory_space<hbm>> -> memref<1x1x16xf32, #tpu.memory_space<hbm>>
      %dma_start3A_262 = tpu.memref_squeeze %dma_start3A_261 : memref<1x1x16xf32, #tpu.memory_space<hbm>> -> memref<16xf32, #tpu.memory_space<hbm>>
      %dma_start3A_263 = tpu.memref_slice %arg2[%select_n3A, %run_scoped3A_22, %mul3A_21] : memref<4x8x128xf32, #tpu.memory_space<hbm>> -> memref<1x1x16xf32, #tpu.memory_space<hbm>>
      %dma_start3A_264 = tpu.memref_squeeze %dma_start3A_263 : memref<1x1x16xf32, #tpu.memory_space<hbm>> -> memref<16xf32, #tpu.memory_space<hbm>>
      tpu.enqueue_dma source(%dma_start3A_264 : memref<16xf32, #tpu.memory_space<hbm>>) target(%arg7 : memref<16xf32, #tpu.memory_space<vmem>>) target_semaphore(%run_scoped3A_260 : memref<!tpu.dma_semaphore, #tpu.memory_space<semaphore_mem>>)
      %dma_wait3A_265 = tpu.memref_slice %arg2[%select_n3A, %run_scoped3A_22, %mul3A_21] : memref<4x8x128xf32, #tpu.memory_space<hbm>> -> memref<1x1x16xf32, #tpu.memory_space<hbm>>
      %dma_wait3A_266 = tpu.memref_squeeze %dma_wait3A_265 : memref<1x1x16xf32, #tpu.memory_space<hbm>> -> memref<16xf32, #tpu.memory_space<hbm>>
      %dma_wait3A_267 = tpu.memref_slice %arg2[%select_n3A, %run_scoped3A_22, %mul3A_21] : memref<4x8x128xf32, #tpu.memory_space<hbm>> -> memref<1x1x16xf32, #tpu.memory_space<hbm>>
      %dma_wait3A_268 = tpu.memref_squeeze %dma_wait3A_267 : memref<1x1x16xf32, #tpu.memory_space<hbm>> -> memref<16xf32, #tpu.memory_space<hbm>>
      tpu.wait_dma2 semaphore(%run_scoped3A_260 : memref<!tpu.dma_semaphore, #tpu.memory_space<semaphore_mem>>) src(%dma_wait3A_268 : memref<16xf32, #tpu.memory_space<hbm>>) dst(%arg7 : memref<16xf32, #tpu.memory_space<vmem>>)
      tpu.yield
    }) : () -> ()
    %run_scoped3A_23 = arith.constant 2 : i32
    "tpu.region"() ({
      %run_scoped3A_260 = tpu.sem_alloc : memref<!tpu.dma_semaphore, #tpu.memory_space<semaphore_mem>>
      %dma_start3A_261 = tpu.memref_slice %arg2[%select_n3A, %run_scoped3A_23, %mul3A_21] : memref<4x8x128xf32, #tpu.memory_space<hbm>> -> memref<1x1x16xf32, #tpu.memory_space<hbm>>
      %dma_start3A_262 = tpu.memref_squeeze %dma_start3A_261 : memref<1x1x16xf32, #tpu.memory_space<hbm>> -> memref<16xf32, #tpu.memory_space<hbm>>
      %dma_start3A_263 = tpu.memref_slice %arg2[%select_n3A, %run_scoped3A_23, %mul3A_21] : memref<4x8x128xf32, #tpu.memory_space<hbm>> -> memref<1x1x16xf32, #tpu.memory_space<hbm>>
      %dma_start3A_264 = tpu.memref_squeeze %dma_start3A_263 : memref<1x1x16xf32, #tpu.memory_space<hbm>> -> memref<16xf32, #tpu.memory_space<hbm>>
      tpu.enqueue_dma source(%dma_start3A_264 : memref<16xf32, #tpu.memory_space<hbm>>) target(%arg8 : memref<16xf32, #tpu.memory_space<vmem>>) target_semaphore(%run_scoped3A_260 : memref<!tpu.dma_semaphore, #tpu.memory_space<semaphore_mem>>)
      %dma_wait3A_265 = tpu.memref_slice %arg2[%select_n3A, %run_scoped3A_23, %mul3A_21] : memref<4x8x128xf32, #tpu.memory_space<hbm>> -> memref<1x1x16xf32, #tpu.memory_space<hbm>>
      %dma_wait3A_266 = tpu.memref_squeeze %dma_wait3A_265 : memref<1x1x16xf32, #tpu.memory_space<hbm>> -> memref<16xf32, #tpu.memory_space<hbm>>
      %dma_wait3A_267 = tpu.memref_slice %arg2[%select_n3A, %run_scoped3A_23, %mul3A_21] : memref<4x8x128xf32, #tpu.memory_space<hbm>> -> memref<1x1x16xf32, #tpu.memory_space<hbm>>
      %dma_wait3A_268 = tpu.memref_squeeze %dma_wait3A_267 : memref<1x1x16xf32, #tpu.memory_space<hbm>> -> memref<16xf32, #tpu.memory_space<hbm>>
      tpu.wait_dma2 semaphore(%run_scoped3A_260 : memref<!tpu.dma_semaphore, #tpu.memory_space<semaphore_mem>>) src(%dma_wait3A_268 : memref<16xf32, #tpu.memory_space<hbm>>) dst(%arg8 : memref<16xf32, #tpu.memory_space<vmem>>)
      tpu.yield
    }) : () -> ()
    %get3A = arith.constant 0 : index
    %get3A_24 = tpu.vector_load %arg7[%get3A] {strides = array<i32>} : memref<16xf32, #tpu.memory_space<vmem>>, vector<16xf32>,
    %convert_element_type3A = arith.fptosi %get3A_24 : vector<16xf32> to vector<16xi32>
    %get3A_25 = arith.constant 0 : index
    %get3A_26 = tpu.vector_load %arg8[%get3A_25] {strides = array<i32>} : memref<16xf32, #tpu.memory_space<vmem>>, vector<16xf32>,
    %convert_element_type3A_27 = arith.fptosi %get3A_26 : vector<16xf32> to vector<16xi32>
    %jit3A_28 = arith.constant 128 : i32
    %div3A_29 = vector.broadcast %jit3A_28 : i32 to vector<16xi32>
    %div3A_30 = arith.divsi %convert_element_type3A, %div3A_29 : vector<16xi32>
    %sign3A_31 = arith.constant 0 : i32
    %sign3A_32 = vector.broadcast %sign3A_31 : i32 to vector<16xi32>
    %sign3A_33 = arith.cmpi sgt, %convert_element_type3A, %sign3A_32 : vector<16xi32>
    %sign3A_34 = arith.extui %sign3A_33 : vector<16xi1> to vector<16xi32>
    %sign3A_35 = arith.constant 0 : i32
    %sign3A_36 = vector.broadcast %sign3A_35 : i32 to vector<16xi32>
    %sign3A_37 = arith.cmpi slt, %convert_element_type3A, %sign3A_36 : vector<16xi32>
    %sign3A_38 = arith.extui %sign3A_37 : vector<16xi1> to vector<16xi32>
    %sign3A_39 = arith.subi %sign3A_34, %sign3A_38 : vector<16xi32>
    %sign3A_40 = arith.constant 0 : i32
    %sign3A_41 = arith.cmpi sgt, %jit3A_28, %sign3A_40 : i32
    %sign3A_42 = arith.extui %sign3A_41 : i1 to i32
    %sign3A_43 = arith.constant 0 : i32
    %sign3A_44 = arith.cmpi slt, %jit3A_28, %sign3A_43 : i32
    %sign3A_45 = arith.extui %sign3A_44 : i1 to i32
    %sign3A_46 = arith.subi %sign3A_42, %sign3A_45 : i32
    %ne3A_47 = vector.broadcast %sign3A_46 : i32 to vector<16xi32>
    %ne3A_48 = arith.cmpi ne, %sign3A_39, %ne3A_47 : vector<16xi32>
    %rem3A_49 = vector.broadcast %jit3A_28 : i32 to vector<16xi32>
    %rem3A_50 = arith.remsi %convert_element_type3A, %rem3A_49 : vector<16xi32>
    %ne3A_51 = arith.constant 0 : i32
    %ne3A_52 = vector.broadcast %ne3A_51 : i32 to vector<16xi32>
    %ne3A_53 = arith.cmpi ne, %rem3A_50, %ne3A_52 : vector<16xi32>
    %and3A_54 = arith.andi %ne3A_48, %ne3A_53 : vector<16xi1>
    %sub3A_55 = arith.constant 1 : i32
    %sub3A_56 = vector.broadcast %sub3A_55 : i32 to vector<16xi32>
    %sub3A_57 = arith.subi %div3A_30, %sub3A_56 : vector<16xi32>
    %select_n3A_58 = arith.select %and3A_54, %sub3A_57, %div3A_30 : vector<16xi1>, vector<16xi32>
    %mul3A_59 = arith.constant 128 : i32
    %mul3A_60 = vector.broadcast %mul3A_59 : i32 to vector<16xi32>
    %mul3A_61 = arith.muli %select_n3A_58, %mul3A_60 : vector<16xi32>
    %sub3A_62 = arith.subi %convert_element_type3A, %mul3A_61 : vector<16xi32>
    %swap3A = arith.constant 0 : index
    %swap3A_63 = tpu.vector_load %arg9[%swap3A] {strides = array<i32>} : memref<16xi32, #tpu.memory_space<vmem>>, vector<16xi32>,
    tpu.vector_store %arg9[%swap3A], %sub3A_62 {strides = array<i32>} : memref<16xi32, #tpu.memory_space<vmem>>, vector<16xi32>,
    %dma_start3A = arith.constant 0 : i32
    %dma_start3A_64 = arith.constant 0 : i32
    %dma_start3A_65 = arith.constant 0 : i32
    %dma_start3A_66 = arith.constant 0 : i32
    %dma_start3A_67 = tpu.memref_slice %arg10[%dma_start3A_64, %dma_start3A_65, %dma_start3A_66] : memref<4x16x128xf32, #tpu.memory_space<vmem>> -> memref<1x16x128xf32, #tpu.memory_space<vmem>>
    %dma_start3A_68 = tpu.memref_squeeze %dma_start3A_67 : memref<1x16x128xf32, #tpu.memory_space<vmem>> -> memref<16x128xf32, #tpu.memory_space<vmem>>
    %dma_start3A_69 = arith.constant 0 : i32
    %dma_start3A_70 = arith.constant 0 : i32
    %dma_start3A_71 = tpu.memref_slice %arg3[%select_n3A, %dma_start3A, %dma_start3A_69, %dma_start3A_70] : memref<4x2x128x128xf32, #tpu.memory_space<hbm>> -> memref<1x1x128x128xf32, #tpu.memory_space<hbm>>
    %dma_start3A_72 = tpu.memref_squeeze %dma_start3A_71 : memref<1x1x128x128xf32, #tpu.memory_space<hbm>> -> memref<128x128xf32, #tpu.memory_space<hbm>>
    %dma_start3A_73 = arith.constant 0 : i32
    %dma_start3A_74 = arith.constant 0 : i32
    %dma_start3A_75 = tpu.memref_slice %dma_start3A_72[%dma_start3A_73, %dma_start3A_74] : memref<128x128xf32, #tpu.memory_space<hbm>> -> memref<128x128xf32, #tpu.memory_space<hbm>>
    tpu.enqueue_indirect_dma source(%dma_start3A_75 : memref<128x128xf32, #tpu.memory_space<hbm>>) target(%dma_start3A_68 : memref<16x128xf32, #tpu.memory_space<vmem>>) offsets(%arg9 : memref<16xi32, #tpu.memory_space<vmem>>) semaphore(%arg12 : memref<!tpu.dma_semaphore, #tpu.memory_space<semaphore_mem>>)
    %dma_start3A_76 = arith.constant 1 : i32
    %dma_start3A_77 = arith.constant 1 : i32
    %dma_start3A_78 = arith.constant 0 : i32
    %dma_start3A_79 = arith.constant 0 : i32
    %dma_start3A_80 = tpu.memref_slice %arg10[%dma_start3A_77, %dma_start3A_78, %dma_start3A_79] : memref<4x16x128xf32, #tpu.memory_space<vmem>> -> memref<1x16x128xf32, #tpu.memory_space<vmem>>
    %dma_start3A_81 = tpu.memref_squeeze %dma_start3A_80 : memref<1x16x128xf32, #tpu.memory_space<vmem>> -> memref<16x128xf32, #tpu.memory_space<vmem>>
    %dma_start3A_82 = arith.constant 0 : i32
    %dma_start3A_83 = arith.constant 0 : i32
    %dma_start3A_84 = tpu.memref_slice %arg3[%select_n3A, %dma_start3A_76, %dma_start3A_82, %dma_start3A_83] : memref<4x2x128x128xf32, #tpu.memory_space<hbm>> -> memref<1x1x128x128xf32, #tpu.memory_space<hbm>>
    %dma_start3A_85 = tpu.memref_squeeze %dma_start3A_84 : memref<1x1x128x128xf32, #tpu.memory_space<hbm>> -> memref<128x128xf32, #tpu.memory_space<hbm>>
    %dma_start3A_86 = arith.constant 0 : i32
    %dma_start3A_87 = arith.constant 0 : i32
    %dma_start3A_88 = tpu.memref_slice %dma_start3A_85[%dma_start3A_86, %dma_start3A_87] : memref<128x128xf32, #tpu.memory_space<hbm>> -> memref<128x128xf32, #tpu.memory_space<hbm>>
    tpu.enqueue_indirect_dma source(%dma_start3A_88 : memref<128x128xf32, #tpu.memory_space<hbm>>) target(%dma_start3A_81 : memref<16x128xf32, #tpu.memory_space<vmem>>) offsets(%arg9 : memref<16xi32, #tpu.memory_space<vmem>>) semaphore(%arg12 : memref<!tpu.dma_semaphore, #tpu.memory_space<semaphore_mem>>)
    %dma_start3A_89 = arith.constant 0 : i32
    %dma_start3A_90 = arith.constant 2 : i32
    %dma_start3A_91 = arith.constant 0 : i32
    %dma_start3A_92 = arith.constant 0 : i32
    %dma_start3A_93 = tpu.memref_slice %arg10[%dma_start3A_90, %dma_start3A_91, %dma_start3A_92] : memref<4x16x128xf32, #tpu.memory_space<vmem>> -> memref<1x16x128xf32, #tpu.memory_space<vmem>>
    %dma_start3A_94 = tpu.memref_squeeze %dma_start3A_93 : memref<1x16x128xf32, #tpu.memory_space<vmem>> -> memref<16x128xf32, #tpu.memory_space<vmem>>
    %dma_start3A_95 = arith.constant 0 : i32
    %dma_start3A_96 = arith.constant 0 : i32
    %dma_start3A_97 = tpu.memref_slice %arg4[%select_n3A, %dma_start3A_89, %dma_start3A_95, %dma_start3A_96] : memref<4x2x128x128xf32, #tpu.memory_space<hbm>> -> memref<1x1x128x128xf32, #tpu.memory_space<hbm>>
    %dma_start3A_98 = tpu.memref_squeeze %dma_start3A_97 : memref<1x1x128x128xf32, #tpu.memory_space<hbm>> -> memref<128x128xf32, #tpu.memory_space<hbm>>
    %dma_start3A_99 = arith.constant 0 : i32
    %dma_start3A_100 = arith.constant 0 : i32
    %dma_start3A_101 = tpu.memref_slice %dma_start3A_98[%dma_start3A_99, %dma_start3A_100] : memref<128x128xf32, #tpu.memory_space<hbm>> -> memref<128x128xf32, #tpu.memory_space<hbm>>
    tpu.enqueue_indirect_dma source(%dma_start3A_101 : memref<128x128xf32, #tpu.memory_space<hbm>>) target(%dma_start3A_94 : memref<16x128xf32, #tpu.memory_space<vmem>>) offsets(%arg9 : memref<16xi32, #tpu.memory_space<vmem>>) semaphore(%arg12 : memref<!tpu.dma_semaphore, #tpu.memory_space<semaphore_mem>>)
    %dma_start3A_102 = arith.constant 1 : i32
    %dma_start3A_103 = arith.constant 3 : i32
    %dma_start3A_104 = arith.constant 0 : i32
    %dma_start3A_105 = arith.constant 0 : i32
    %dma_start3A_106 = tpu.memref_slice %arg10[%dma_start3A_103, %dma_start3A_104, %dma_start3A_105] : memref<4x16x128xf32, #tpu.memory_space<vmem>> -> memref<1x16x128xf32, #tpu.memory_space<vmem>>
    %dma_start3A_107 = tpu.memref_squeeze %dma_start3A_106 : memref<1x16x128xf32, #tpu.memory_space<vmem>> -> memref<16x128xf32, #tpu.memory_space<vmem>>
    %dma_start3A_108 = arith.constant 0 : i32
    %dma_start3A_109 = arith.constant 0 : i32
    %dma_start3A_110 = tpu.memref_slice %arg4[%select_n3A, %dma_start3A_102, %dma_start3A_108, %dma_start3A_109] : memref<4x2x128x128xf32, #tpu.memory_space<hbm>> -> memref<1x1x128x128xf32, #tpu.memory_space<hbm>>
    %dma_start3A_111 = tpu.memref_squeeze %dma_start3A_110 : memref<1x1x128x128xf32, #tpu.memory_space<hbm>> -> memref<128x128xf32, #tpu.memory_space<hbm>>
    %dma_start3A_112 = arith.constant 0 : i32
    %dma_start3A_113 = arith.constant 0 : i32
    %dma_start3A_114 = tpu.memref_slice %dma_start3A_111[%dma_start3A_112, %dma_start3A_113] : memref<128x128xf32, #tpu.memory_space<hbm>> -> memref<128x128xf32, #tpu.memory_space<hbm>>
    tpu.enqueue_indirect_dma source(%dma_start3A_114 : memref<128x128xf32, #tpu.memory_space<hbm>>) target(%dma_start3A_107 : memref<16x128xf32, #tpu.memory_space<vmem>>) offsets(%arg9 : memref<16xi32, #tpu.memory_space<vmem>>) semaphore(%arg12 : memref<!tpu.dma_semaphore, #tpu.memory_space<semaphore_mem>>)
    %dma_wait3A = arith.constant 0 : i32
    %dma_wait3A_115 = arith.constant 0 : i32
    %dma_wait3A_116 = arith.constant 0 : i32
    %dma_wait3A_117 = arith.constant 0 : i32
    %dma_wait3A_118 = tpu.memref_slice %arg10[%dma_wait3A_115, %dma_wait3A_116, %dma_wait3A_117] : memref<4x16x128xf32, #tpu.memory_space<vmem>> -> memref<1x16x128xf32, #tpu.memory_space<vmem>>
    %dma_wait3A_119 = tpu.memref_squeeze %dma_wait3A_118 : memref<1x16x128xf32, #tpu.memory_space<vmem>> -> memref<16x128xf32, #tpu.memory_space<vmem>>
    %dma_wait3A_120 = arith.constant 0 : i32
    %dma_wait3A_121 = arith.constant 0 : i32
    %dma_wait3A_122 = tpu.memref_slice %arg3[%select_n3A, %dma_wait3A, %dma_wait3A_120, %dma_wait3A_121] : memref<4x2x128x128xf32, #tpu.memory_space<hbm>> -> memref<1x1x128x128xf32, #tpu.memory_space<hbm>>
    %dma_wait3A_123 = tpu.memref_squeeze %dma_wait3A_122 : memref<1x1x128x128xf32, #tpu.memory_space<hbm>> -> memref<128x128xf32, #tpu.memory_space<hbm>>
    %dma_wait3A_124 = arith.constant 0 : i32
    %dma_wait3A_125 = arith.constant 0 : i32
    %dma_wait3A_126 = tpu.memref_slice %dma_wait3A_123[%dma_wait3A_124, %dma_wait3A_125] : memref<128x128xf32, #tpu.memory_space<hbm>> -> memref<128x128xf32, #tpu.memory_space<hbm>>
    tpu.wait_indirect_dma semaphore(%arg12 : memref<!tpu.dma_semaphore, #tpu.memory_space<semaphore_mem>>) src(%dma_wait3A_126 : memref<128x128xf32, #tpu.memory_space<hbm>>) dst(%dma_wait3A_119 : memref<16x128xf32, #tpu.memory_space<vmem>>)
    %dma_wait3A_127 = arith.constant 1 : i32
    %dma_wait3A_128 = arith.constant 1 : i32
    %dma_wait3A_129 = arith.constant 0 : i32
    %dma_wait3A_130 = arith.constant 0 : i32
    %dma_wait3A_131 = tpu.memref_slice %arg10[%dma_wait3A_128, %dma_wait3A_129, %dma_wait3A_130] : memref<4x16x128xf32, #tpu.memory_space<vmem>> -> memref<1x16x128xf32, #tpu.memory_space<vmem>>
    %dma_wait3A_132 = tpu.memref_squeeze %dma_wait3A_131 : memref<1x16x128xf32, #tpu.memory_space<vmem>> -> memref<16x128xf32, #tpu.memory_space<vmem>>
    %dma_wait3A_133 = arith.constant 0 : i32
    %dma_wait3A_134 = arith.constant 0 : i32
    %dma_wait3A_135 = tpu.memref_slice %arg3[%select_n3A, %dma_wait3A_127, %dma_wait3A_133, %dma_wait3A_134] : memref<4x2x128x128xf32, #tpu.memory_space<hbm>> -> memref<1x1x128x128xf32, #tpu.memory_space<hbm>>
    %dma_wait3A_136 = tpu.memref_squeeze %dma_wait3A_135 : memref<1x1x128x128xf32, #tpu.memory_space<hbm>> -> memref<128x128xf32, #tpu.memory_space<hbm>>
    %dma_wait3A_137 = arith.constant 0 : i32
    %dma_wait3A_138 = arith.constant 0 : i32
    %dma_wait3A_139 = tpu.memref_slice %dma_wait3A_136[%dma_wait3A_137, %dma_wait3A_138] : memref<128x128xf32, #tpu.memory_space<hbm>> -> memref<128x128xf32, #tpu.memory_space<hbm>>
    tpu.wait_indirect_dma semaphore(%arg12 : memref<!tpu.dma_semaphore, #tpu.memory_space<semaphore_mem>>) src(%dma_wait3A_139 : memref<128x128xf32, #tpu.memory_space<hbm>>) dst(%dma_wait3A_132 : memref<16x128xf32, #tpu.memory_space<vmem>>)
    %dma_wait3A_140 = arith.constant 0 : i32
    %dma_wait3A_141 = arith.constant 2 : i32
    %dma_wait3A_142 = arith.constant 0 : i32
    %dma_wait3A_143 = arith.constant 0 : i32
    %dma_wait3A_144 = tpu.memref_slice %arg10[%dma_wait3A_141, %dma_wait3A_142, %dma_wait3A_143] : memref<4x16x128xf32, #tpu.memory_space<vmem>> -> memref<1x16x128xf32, #tpu.memory_space<vmem>>
    %dma_wait3A_145 = tpu.memref_squeeze %dma_wait3A_144 : memref<1x16x128xf32, #tpu.memory_space<vmem>> -> memref<16x128xf32, #tpu.memory_space<vmem>>
    %dma_wait3A_146 = arith.constant 0 : i32
    %dma_wait3A_147 = arith.constant 0 : i32
    %dma_wait3A_148 = tpu.memref_slice %arg4[%select_n3A, %dma_wait3A_140, %dma_wait3A_146, %dma_wait3A_147] : memref<4x2x128x128xf32, #tpu.memory_space<hbm>> -> memref<1x1x128x128xf32, #tpu.memory_space<hbm>>
    %dma_wait3A_149 = tpu.memref_squeeze %dma_wait3A_148 : memref<1x1x128x128xf32, #tpu.memory_space<hbm>> -> memref<128x128xf32, #tpu.memory_space<hbm>>
    %dma_wait3A_150 = arith.constant 0 : i32
    %dma_wait3A_151 = arith.constant 0 : i32
    %dma_wait3A_152 = tpu.memref_slice %dma_wait3A_149[%dma_wait3A_150, %dma_wait3A_151] : memref<128x128xf32, #tpu.memory_space<hbm>> -> memref<128x128xf32, #tpu.memory_space<hbm>>
    tpu.wait_indirect_dma semaphore(%arg12 : memref<!tpu.dma_semaphore, #tpu.memory_space<semaphore_mem>>) src(%dma_wait3A_152 : memref<128x128xf32, #tpu.memory_space<hbm>>) dst(%dma_wait3A_145 : memref<16x128xf32, #tpu.memory_space<vmem>>)
    %dma_wait3A_153 = arith.constant 1 : i32
    %dma_wait3A_154 = arith.constant 3 : i32
    %dma_wait3A_155 = arith.constant 0 : i32
    %dma_wait3A_156 = arith.constant 0 : i32
    %dma_wait3A_157 = tpu.memref_slice %arg10[%dma_wait3A_154, %dma_wait3A_155, %dma_wait3A_156] : memref<4x16x128xf32, #tpu.memory_space<vmem>> -> memref<1x16x128xf32, #tpu.memory_space<vmem>>
    %dma_wait3A_158 = tpu.memref_squeeze %dma_wait3A_157 : memref<1x16x128xf32, #tpu.memory_space<vmem>> -> memref<16x128xf32, #tpu.memory_space<vmem>>
    %dma_wait3A_159 = arith.constant 0 : i32
    %dma_wait3A_160 = arith.constant 0 : i32
    %dma_wait3A_161 = tpu.memref_slice %arg4[%select_n3A, %dma_wait3A_153, %dma_wait3A_159, %dma_wait3A_160] : memref<4x2x128x128xf32, #tpu.memory_space<hbm>> -> memref<1x1x128x128xf32, #tpu.memory_space<hbm>>
    %dma_wait3A_162 = tpu.memref_squeeze %dma_wait3A_161 : memref<1x1x128x128xf32, #tpu.memory_space<hbm>> -> memref<128x128xf32, #tpu.memory_space<hbm>>
    %dma_wait3A_163 = arith.constant 0 : i32
    %dma_wait3A_164 = arith.constant 0 : i32
    %dma_wait3A_165 = tpu.memref_slice %dma_wait3A_162[%dma_wait3A_163, %dma_wait3A_164] : memref<128x128xf32, #tpu.memory_space<hbm>> -> memref<128x128xf32, #tpu.memory_space<hbm>>
    tpu.wait_indirect_dma semaphore(%arg12 : memref<!tpu.dma_semaphore, #tpu.memory_space<semaphore_mem>>) src(%dma_wait3A_165 : memref<128x128xf32, #tpu.memory_space<hbm>>) dst(%dma_wait3A_158 : memref<16x128xf32, #tpu.memory_space<vmem>>)
    %iota3A = tpu.iota {dimensions = array<i32: 0>} : vector<16xi32>
    %gather3A = arith.constant 0 : i32
    %gather3A_166 = arith.constant 0 : i32
    %gather3A_167 = arith.constant 0 : i32
    %gather3A_168 = tpu.memref_slice %arg10[%gather3A, %gather3A_166, %gather3A_167] : memref<4x16x128xf32, #tpu.memory_space<vmem>> -> memref<1x16x128xf32, #tpu.memory_space<vmem>>
    %gather3A_169 = tpu.memref_squeeze %gather3A_168 : memref<1x16x128xf32, #tpu.memory_space<vmem>> -> memref<16x128xf32, #tpu.memory_space<vmem>>
    %gather3A_170 = tpu.vector_load_idx %gather3A_169[%iota3A, %convert_element_type3A_27] : memref<16x128xf32, #tpu.memory_space<vmem>>[vector<16xi32>, vector<16xi32>], vector<16xf32>,
    %gather3A_171 = arith.constant 1 : i32
    %gather3A_172 = arith.constant 0 : i32
    %gather3A_173 = arith.constant 0 : i32
    %gather3A_174 = tpu.memref_slice %arg10[%gather3A_171, %gather3A_172, %gather3A_173] : memref<4x16x128xf32, #tpu.memory_space<vmem>> -> memref<1x16x128xf32, #tpu.memory_space<vmem>>
    %gather3A_175 = tpu.memref_squeeze %gather3A_174 : memref<1x16x128xf32, #tpu.memory_space<vmem>> -> memref<16x128xf32, #tpu.memory_space<vmem>>
    %gather3A_176 = tpu.vector_load_idx %gather3A_175[%iota3A, %convert_element_type3A_27] : memref<16x128xf32, #tpu.memory_space<vmem>>[vector<16xi32>, vector<16xi32>], vector<16xf32>,
    %gather3A_177 = arith.constant 2 : i32
    %gather3A_178 = arith.constant 0 : i32
    %gather3A_179 = arith.constant 0 : i32
    %gather3A_180 = tpu.memref_slice %arg10[%gather3A_177, %gather3A_178, %gather3A_179] : memref<4x16x128xf32, #tpu.memory_space<vmem>> -> memref<1x16x128xf32, #tpu.memory_space<vmem>>
    %gather3A_181 = tpu.memref_squeeze %gather3A_180 : memref<1x16x128xf32, #tpu.memory_space<vmem>> -> memref<16x128xf32, #tpu.memory_space<vmem>>
    %gather3A_182 = tpu.vector_load_idx %gather3A_181[%iota3A, %convert_element_type3A_27] : memref<16x128xf32, #tpu.memory_space<vmem>>[vector<16xi32>, vector<16xi32>], vector<16xf32>,
    %gather3A_183 = arith.constant 3 : i32
    %gather3A_184 = arith.constant 0 : i32
    %gather3A_185 = arith.constant 0 : i32
    %gather3A_186 = tpu.memref_slice %arg10[%gather3A_183, %gather3A_184, %gather3A_185] : memref<4x16x128xf32, #tpu.memory_space<vmem>> -> memref<1x16x128xf32, #tpu.memory_space<vmem>>
    %gather3A_187 = tpu.memref_squeeze %gather3A_186 : memref<1x16x128xf32, #tpu.memory_space<vmem>> -> memref<16x128xf32, #tpu.memory_space<vmem>>
    %gather3A_188 = tpu.vector_load_idx %gather3A_187[%iota3A, %convert_element_type3A_27] : memref<16x128xf32, #tpu.memory_space<vmem>>[vector<16xi32>, vector<16xi32>], vector<16xf32>,
    %convert_element_type3A_189 = arith.sitofp %convert_element_type3A_27 : vector<16xi32> to vector<16xf32>
    %add3A_190 = arith.addf %convert_element_type3A_189, %gather3A_170 : vector<16xf32>
    %convert_element_type3A_191 = arith.sitofp %sub3A_62 : vector<16xi32> to vector<16xf32>
    %add3A_192 = arith.addf %convert_element_type3A_191, %gather3A_176 : vector<16xf32>
    %convert_element_type3A_193 = arith.sitofp %select_n3A_58 : vector<16xi32> to vector<16xf32>
    %swap3A_194 = arith.constant 0 : i32
    %swap3A_195 = arith.index_cast %swap3A_194 : i32 to index
    %swap3A_196 = arith.constant 0 : index
    %swap3A_197 = tpu.vector_load %arg11[%swap3A_195, %swap3A_196] {strides = array<i32>} : memref<8x16xf32, #tpu.memory_space<vmem>>, vector<16xf32>,
    tpu.vector_store %arg11[%swap3A_195, %swap3A_196], %convert_element_type3A_193 {strides = array<i32>} : memref<8x16xf32, #tpu.memory_space<vmem>>, vector<16xf32>,
    %get3A_198 = arith.constant 0 : index
    %get3A_199 = tpu.vector_load %arg6[%get3A_198] {strides = array<i32>} : memref<16xf32, #tpu.memory_space<vmem>>, vector<16xf32>,
    %swap3A_200 = arith.constant 1 : i32
    %swap3A_201 = arith.index_cast %swap3A_200 : i32 to index
    %swap3A_202 = arith.constant 0 : index
    %swap3A_203 = tpu.vector_load %arg11[%swap3A_201, %swap3A_202] {strides = array<i32>} : memref<8x16xf32, #tpu.memory_space<vmem>>, vector<16xf32>,
    tpu.vector_store %arg11[%swap3A_201, %swap3A_202], %get3A_199 {strides = array<i32>} : memref<8x16xf32, #tpu.memory_space<vmem>>, vector<16xf32>,
    %mul3A_204 = arith.constant 5.000000e-01 : f32
    %mul3A_205 = vector.broadcast %mul3A_204 : f32 to vector<16xf32>
    %mul3A_206 = arith.mulf %mul3A_205, %gather3A_182 : vector<16xf32>
    %sub3A_207 = arith.subf %add3A_190, %mul3A_206 : vector<16xf32>
    %mul3A_208 = arith.constant 4.000000e+00 : f32
    %mul3A_209 = vector.broadcast %mul3A_208 : f32 to vector<16xf32>
    %mul3A_210 = arith.mulf %sub3A_207, %mul3A_209 : vector<16xf32>
    %swap3A_211 = arith.constant 2 : i32
    %swap3A_212 = arith.index_cast %swap3A_211 : i32 to index
    %swap3A_213 = arith.constant 0 : index
    %swap3A_214 = tpu.vector_load %arg11[%swap3A_212, %swap3A_213] {strides = array<i32>} : memref<8x16xf32, #tpu.memory_space<vmem>>, vector<16xf32>,
    tpu.vector_store %arg11[%swap3A_212, %swap3A_213], %mul3A_210 {strides = array<i32>} : memref<8x16xf32, #tpu.memory_space<vmem>>, vector<16xf32>,
    %mul3A_215 = arith.constant 5.000000e-01 : f32
    %mul3A_216 = vector.broadcast %mul3A_215 : f32 to vector<16xf32>
    %mul3A_217 = arith.mulf %mul3A_216, %gather3A_188 : vector<16xf32>
    %sub3A_218 = arith.subf %add3A_192, %mul3A_217 : vector<16xf32>
    %mul3A_219 = arith.constant 4.000000e+00 : f32
    %mul3A_220 = vector.broadcast %mul3A_219 : f32 to vector<16xf32>
    %mul3A_221 = arith.mulf %sub3A_218, %mul3A_220 : vector<16xf32>
    %swap3A_222 = arith.constant 3 : i32
    %swap3A_223 = arith.index_cast %swap3A_222 : i32 to index
    %swap3A_224 = arith.constant 0 : index
    %swap3A_225 = tpu.vector_load %arg11[%swap3A_223, %swap3A_224] {strides = array<i32>} : memref<8x16xf32, #tpu.memory_space<vmem>>, vector<16xf32>,
    tpu.vector_store %arg11[%swap3A_223, %swap3A_224], %mul3A_221 {strides = array<i32>} : memref<8x16xf32, #tpu.memory_space<vmem>>, vector<16xf32>,
    %mul3A_226 = arith.constant 5.000000e-01 : f32
    %mul3A_227 = vector.broadcast %mul3A_226 : f32 to vector<16xf32>
    %mul3A_228 = arith.mulf %mul3A_227, %gather3A_182 : vector<16xf32>
    %add3A_229 = arith.addf %add3A_190, %mul3A_228 : vector<16xf32>
    %mul3A_230 = arith.constant 4.000000e+00 : f32
    %mul3A_231 = vector.broadcast %mul3A_230 : f32 to vector<16xf32>
    %mul3A_232 = arith.mulf %add3A_229, %mul3A_231 : vector<16xf32>
    %swap3A_233 = arith.constant 4 : i32
    %swap3A_234 = arith.index_cast %swap3A_233 : i32 to index
    %swap3A_235 = arith.constant 0 : index
    %swap3A_236 = tpu.vector_load %arg11[%swap3A_234, %swap3A_235] {strides = array<i32>} : memref<8x16xf32, #tpu.memory_space<vmem>>, vector<16xf32>,
    tpu.vector_store %arg11[%swap3A_234, %swap3A_235], %mul3A_232 {strides = array<i32>} : memref<8x16xf32, #tpu.memory_space<vmem>>, vector<16xf32>,
    %mul3A_237 = arith.constant 5.000000e-01 : f32
    %mul3A_238 = vector.broadcast %mul3A_237 : f32 to vector<16xf32>
    %mul3A_239 = arith.mulf %mul3A_238, %gather3A_188 : vector<16xf32>
    %add3A_240 = arith.addf %add3A_192, %mul3A_239 : vector<16xf32>
    %mul3A_241 = arith.constant 4.000000e+00 : f32
    %mul3A_242 = vector.broadcast %mul3A_241 : f32 to vector<16xf32>
    %mul3A_243 = arith.mulf %add3A_240, %mul3A_242 : vector<16xf32>
    %swap3A_244 = arith.constant 5 : i32
    %swap3A_245 = arith.index_cast %swap3A_244 : i32 to index
    %swap3A_246 = arith.constant 0 : index
    %swap3A_247 = tpu.vector_load %arg11[%swap3A_245, %swap3A_246] {strides = array<i32>} : memref<8x16xf32, #tpu.memory_space<vmem>>, vector<16xf32>,
    tpu.vector_store %arg11[%swap3A_245, %swap3A_246], %mul3A_243 {strides = array<i32>} : memref<8x16xf32, #tpu.memory_space<vmem>>, vector<16xf32>,
    %run_scoped3A_248 = arith.constant 0 : i32
    %run_scoped3A_249 = arith.constant 0 : i32
    "tpu.region"() ({
      %run_scoped3A_260 = tpu.sem_alloc : memref<!tpu.dma_semaphore, #tpu.memory_space<semaphore_mem>>
      %dma_start3A_261 = arith.constant 0 : i32
      %dma_start3A_262 = tpu.memref_slice %arg11[%run_scoped3A_248, %dma_start3A_261] : memref<8x16xf32, #tpu.memory_space<vmem>> -> memref<1x16xf32, #tpu.memory_space<vmem>>
      %dma_start3A_263 = tpu.memref_squeeze %dma_start3A_262 : memref<1x16xf32, #tpu.memory_space<vmem>> -> memref<16xf32, #tpu.memory_space<vmem>>
      %dma_start3A_264 = tpu.memref_slice %arg5[%select_n3A, %run_scoped3A_249, %mul3A_21] : memref<4x8x128xf32, #tpu.memory_space<hbm>> -> memref<1x1x16xf32, #tpu.memory_space<hbm>>
      %dma_start3A_265 = tpu.memref_squeeze %dma_start3A_264 : memref<1x1x16xf32, #tpu.memory_space<hbm>> -> memref<16xf32, #tpu.memory_space<hbm>>
      %dma_start3A_266 = tpu.memref_slice %arg5[%select_n3A, %run_scoped3A_249, %mul3A_21] : memref<4x8x128xf32, #tpu.memory_space<hbm>> -> memref<1x1x16xf32, #tpu.memory_space<hbm>>
      %dma_start3A_267 = tpu.memref_squeeze %dma_start3A_266 : memref<1x1x16xf32, #tpu.memory_space<hbm>> -> memref<16xf32, #tpu.memory_space<hbm>>
      %dma_start3A_268 = arith.constant 0 : i32
      %dma_start3A_269 = tpu.memref_slice %arg11[%run_scoped3A_248, %dma_start3A_268] : memref<8x16xf32, #tpu.memory_space<vmem>> -> memref<1x16xf32, #tpu.memory_space<vmem>>
      %dma_start3A_270 = tpu.memref_squeeze %dma_start3A_269 : memref<1x16xf32, #tpu.memory_space<vmem>> -> memref<16xf32, #tpu.memory_space<vmem>>
      tpu.enqueue_dma source(%dma_start3A_270 : memref<16xf32, #tpu.memory_space<vmem>>) target(%dma_start3A_267 : memref<16xf32, #tpu.memory_space<hbm>>) target_semaphore(%run_scoped3A_260 : memref<!tpu.dma_semaphore, #tpu.memory_space<semaphore_mem>>)
      %dma_wait3A_271 = arith.constant 0 : i32
      %dma_wait3A_272 = tpu.memref_slice %arg11[%run_scoped3A_248, %dma_wait3A_271] : memref<8x16xf32, #tpu.memory_space<vmem>> -> memref<1x16xf32, #tpu.memory_space<vmem>>
      %dma_wait3A_273 = tpu.memref_squeeze %dma_wait3A_272 : memref<1x16xf32, #tpu.memory_space<vmem>> -> memref<16xf32, #tpu.memory_space<vmem>>
      %dma_wait3A_274 = tpu.memref_slice %arg5[%select_n3A, %run_scoped3A_249, %mul3A_21] : memref<4x8x128xf32, #tpu.memory_space<hbm>> -> memref<1x1x16xf32, #tpu.memory_space<hbm>>
      %dma_wait3A_275 = tpu.memref_squeeze %dma_wait3A_274 : memref<1x1x16xf32, #tpu.memory_space<hbm>> -> memref<16xf32, #tpu.memory_space<hbm>>
      %dma_wait3A_276 = tpu.memref_slice %arg5[%select_n3A, %run_scoped3A_249, %mul3A_21] : memref<4x8x128xf32, #tpu.memory_space<hbm>> -> memref<1x1x16xf32, #tpu.memory_space<hbm>>
      %dma_wait3A_277 = tpu.memref_squeeze %dma_wait3A_276 : memref<1x1x16xf32, #tpu.memory_space<hbm>> -> memref<16xf32, #tpu.memory_space<hbm>>
      %dma_wait3A_278 = arith.constant 0 : i32
      %dma_wait3A_279 = tpu.memref_slice %arg11[%run_scoped3A_248, %dma_wait3A_278] : memref<8x16xf32, #tpu.memory_space<vmem>> -> memref<1x16xf32, #tpu.memory_space<vmem>>
      %dma_wait3A_280 = tpu.memref_squeeze %dma_wait3A_279 : memref<1x16xf32, #tpu.memory_space<vmem>> -> memref<16xf32, #tpu.memory_space<vmem>>
      tpu.wait_dma2 semaphore(%run_scoped3A_260 : memref<!tpu.dma_semaphore, #tpu.memory_space<semaphore_mem>>) src(%dma_wait3A_280 : memref<16xf32, #tpu.memory_space<vmem>>) dst(%dma_wait3A_277 : memref<16xf32, #tpu.memory_space<hbm>>)
      tpu.yield
    }) : () -> ()
    %run_scoped3A_250 = arith.constant 1 : i32
    %run_scoped3A_251 = arith.constant 1 : i32
    "tpu.region"() ({
      %run_scoped3A_260 = tpu.sem_alloc : memref<!tpu.dma_semaphore, #tpu.memory_space<semaphore_mem>>
      %dma_start3A_261 = arith.constant 0 : i32
      %dma_start3A_262 = tpu.memref_slice %arg11[%run_scoped3A_250, %dma_start3A_261] : memref<8x16xf32, #tpu.memory_space<vmem>> -> memref<1x16xf32, #tpu.memory_space<vmem>>
      %dma_start3A_263 = tpu.memref_squeeze %dma_start3A_262 : memref<1x16xf32, #tpu.memory_space<vmem>> -> memref<16xf32, #tpu.memory_space<vmem>>
      %dma_start3A_264 = tpu.memref_slice %arg5[%select_n3A, %run_scoped3A_251, %mul3A_21] : memref<4x8x128xf32, #tpu.memory_space<hbm>> -> memref<1x1x16xf32, #tpu.memory_space<hbm>>
      %dma_start3A_265 = tpu.memref_squeeze %dma_start3A_264 : memref<1x1x16xf32, #tpu.memory_space<hbm>> -> memref<16xf32, #tpu.memory_space<hbm>>
      %dma_start3A_266 = tpu.memref_slice %arg5[%select_n3A, %run_scoped3A_251, %mul3A_21] : memref<4x8x128xf32, #tpu.memory_space<hbm>> -> memref<1x1x16xf32, #tpu.memory_space<hbm>>
      %dma_start3A_267 = tpu.memref_squeeze %dma_start3A_266 : memref<1x1x16xf32, #tpu.memory_space<hbm>> -> memref<16xf32, #tpu.memory_space<hbm>>
      %dma_start3A_268 = arith.constant 0 : i32
      %dma_start3A_269 = tpu.memref_slice %arg11[%run_scoped3A_250, %dma_start3A_268] : memref<8x16xf32, #tpu.memory_space<vmem>> -> memref<1x16xf32, #tpu.memory_space<vmem>>
      %dma_start3A_270 = tpu.memref_squeeze %dma_start3A_269 : memref<1x16xf32, #tpu.memory_space<vmem>> -> memref<16xf32, #tpu.memory_space<vmem>>
      tpu.enqueue_dma source(%dma_start3A_270 : memref<16xf32, #tpu.memory_space<vmem>>) target(%dma_start3A_267 : memref<16xf32, #tpu.memory_space<hbm>>) target_semaphore(%run_scoped3A_260 : memref<!tpu.dma_semaphore, #tpu.memory_space<semaphore_mem>>)
      %dma_wait3A_271 = arith.constant 0 : i32
      %dma_wait3A_272 = tpu.memref_slice %arg11[%run_scoped3A_250, %dma_wait3A_271] : memref<8x16xf32, #tpu.memory_space<vmem>> -> memref<1x16xf32, #tpu.memory_space<vmem>>
      %dma_wait3A_273 = tpu.memref_squeeze %dma_wait3A_272 : memref<1x16xf32, #tpu.memory_space<vmem>> -> memref<16xf32, #tpu.memory_space<vmem>>
      %dma_wait3A_274 = tpu.memref_slice %arg5[%select_n3A, %run_scoped3A_251, %mul3A_21] : memref<4x8x128xf32, #tpu.memory_space<hbm>> -> memref<1x1x16xf32, #tpu.memory_space<hbm>>
      %dma_wait3A_275 = tpu.memref_squeeze %dma_wait3A_274 : memref<1x1x16xf32, #tpu.memory_space<hbm>> -> memref<16xf32, #tpu.memory_space<hbm>>
      %dma_wait3A_276 = tpu.memref_slice %arg5[%select_n3A, %run_scoped3A_251, %mul3A_21] : memref<4x8x128xf32, #tpu.memory_space<hbm>> -> memref<1x1x16xf32, #tpu.memory_space<hbm>>
      %dma_wait3A_277 = tpu.memref_squeeze %dma_wait3A_276 : memref<1x1x16xf32, #tpu.memory_space<hbm>> -> memref<16xf32, #tpu.memory_space<hbm>>
      %dma_wait3A_278 = arith.constant 0 : i32
      %dma_wait3A_279 = tpu.memref_slice %arg11[%run_scoped3A_250, %dma_wait3A_278] : memref<8x16xf32, #tpu.memory_space<vmem>> -> memref<1x16xf32, #tpu.memory_space<vmem>>
      %dma_wait3A_280 = tpu.memref_squeeze %dma_wait3A_279 : memref<1x16xf32, #tpu.memory_space<vmem>> -> memref<16xf32, #tpu.memory_space<vmem>>
      tpu.wait_dma2 semaphore(%run_scoped3A_260 : memref<!tpu.dma_semaphore, #tpu.memory_space<semaphore_mem>>) src(%dma_wait3A_280 : memref<16xf32, #tpu.memory_space<vmem>>) dst(%dma_wait3A_277 : memref<16xf32, #tpu.memory_space<hbm>>)
      tpu.yield
    }) : () -> ()
    %run_scoped3A_252 = arith.constant 2 : i32
    %run_scoped3A_253 = arith.constant 2 : i32
    "tpu.region"() ({
      %run_scoped3A_260 = tpu.sem_alloc : memref<!tpu.dma_semaphore, #tpu.memory_space<semaphore_mem>>
      %dma_start3A_261 = arith.constant 0 : i32
      %dma_start3A_262 = tpu.memref_slice %arg11[%run_scoped3A_252, %dma_start3A_261] : memref<8x16xf32, #tpu.memory_space<vmem>> -> memref<1x16xf32, #tpu.memory_space<vmem>>
      %dma_start3A_263 = tpu.memref_squeeze %dma_start3A_262 : memref<1x16xf32, #tpu.memory_space<vmem>> -> memref<16xf32, #tpu.memory_space<vmem>>
      %dma_start3A_264 = tpu.memref_slice %arg5[%select_n3A, %run_scoped3A_253, %mul3A_21] : memref<4x8x128xf32, #tpu.memory_space<hbm>> -> memref<1x1x16xf32, #tpu.memory_space<hbm>>
      %dma_start3A_265 = tpu.memref_squeeze %dma_start3A_264 : memref<1x1x16xf32, #tpu.memory_space<hbm>> -> memref<16xf32, #tpu.memory_space<hbm>>
      %dma_start3A_266 = tpu.memref_slice %arg5[%select_n3A, %run_scoped3A_253, %mul3A_21] : memref<4x8x128xf32, #tpu.memory_space<hbm>> -> memref<1x1x16xf32, #tpu.memory_space<hbm>>
      %dma_start3A_267 = tpu.memref_squeeze %dma_start3A_266 : memref<1x1x16xf32, #tpu.memory_space<hbm>> -> memref<16xf32, #tpu.memory_space<hbm>>
      %dma_start3A_268 = arith.constant 0 : i32
      %dma_start3A_269 = tpu.memref_slice %arg11[%run_scoped3A_252, %dma_start3A_268] : memref<8x16xf32, #tpu.memory_space<vmem>> -> memref<1x16xf32, #tpu.memory_space<vmem>>
      %dma_start3A_270 = tpu.memref_squeeze %dma_start3A_269 : memref<1x16xf32, #tpu.memory_space<vmem>> -> memref<16xf32, #tpu.memory_space<vmem>>
      tpu.enqueue_dma source(%dma_start3A_270 : memref<16xf32, #tpu.memory_space<vmem>>) target(%dma_start3A_267 : memref<16xf32, #tpu.memory_space<hbm>>) target_semaphore(%run_scoped3A_260 : memref<!tpu.dma_semaphore, #tpu.memory_space<semaphore_mem>>)
      %dma_wait3A_271 = arith.constant 0 : i32
      %dma_wait3A_272 = tpu.memref_slice %arg11[%run_scoped3A_252, %dma_wait3A_271] : memref<8x16xf32, #tpu.memory_space<vmem>> -> memref<1x16xf32, #tpu.memory_space<vmem>>
      %dma_wait3A_273 = tpu.memref_squeeze %dma_wait3A_272 : memref<1x16xf32, #tpu.memory_space<vmem>> -> memref<16xf32, #tpu.memory_space<vmem>>
      %dma_wait3A_274 = tpu.memref_slice %arg5[%select_n3A, %run_scoped3A_253, %mul3A_21] : memref<4x8x128xf32, #tpu.memory_space<hbm>> -> memref<1x1x16xf32, #tpu.memory_space<hbm>>
      %dma_wait3A_275 = tpu.memref_squeeze %dma_wait3A_274 : memref<1x1x16xf32, #tpu.memory_space<hbm>> -> memref<16xf32, #tpu.memory_space<hbm>>
      %dma_wait3A_276 = tpu.memref_slice %arg5[%select_n3A, %run_scoped3A_253, %mul3A_21] : memref<4x8x128xf32, #tpu.memory_space<hbm>> -> memref<1x1x16xf32, #tpu.memory_space<hbm>>
      %dma_wait3A_277 = tpu.memref_squeeze %dma_wait3A_276 : memref<1x1x16xf32, #tpu.memory_space<hbm>> -> memref<16xf32, #tpu.memory_space<hbm>>
      %dma_wait3A_278 = arith.constant 0 : i32
      %dma_wait3A_279 = tpu.memref_slice %arg11[%run_scoped3A_252, %dma_wait3A_278] : memref<8x16xf32, #tpu.memory_space<vmem>> -> memref<1x16xf32, #tpu.memory_space<vmem>>
      %dma_wait3A_280 = tpu.memref_squeeze %dma_wait3A_279 : memref<1x16xf32, #tpu.memory_space<vmem>> -> memref<16xf32, #tpu.memory_space<vmem>>
      tpu.wait_dma2 semaphore(%run_scoped3A_260 : memref<!tpu.dma_semaphore, #tpu.memory_space<semaphore_mem>>) src(%dma_wait3A_280 : memref<16xf32, #tpu.memory_space<vmem>>) dst(%dma_wait3A_277 : memref<16xf32, #tpu.memory_space<hbm>>)
      tpu.yield
    }) : () -> ()
    %run_scoped3A_254 = arith.constant 3 : i32
    %run_scoped3A_255 = arith.constant 3 : i32
    "tpu.region"() ({
      %run_scoped3A_260 = tpu.sem_alloc : memref<!tpu.dma_semaphore, #tpu.memory_space<semaphore_mem>>
      %dma_start3A_261 = arith.constant 0 : i32
      %dma_start3A_262 = tpu.memref_slice %arg11[%run_scoped3A_254, %dma_start3A_261] : memref<8x16xf32, #tpu.memory_space<vmem>> -> memref<1x16xf32, #tpu.memory_space<vmem>>
      %dma_start3A_263 = tpu.memref_squeeze %dma_start3A_262 : memref<1x16xf32, #tpu.memory_space<vmem>> -> memref<16xf32, #tpu.memory_space<vmem>>
      %dma_start3A_264 = tpu.memref_slice %arg5[%select_n3A, %run_scoped3A_255, %mul3A_21] : memref<4x8x128xf32, #tpu.memory_space<hbm>> -> memref<1x1x16xf32, #tpu.memory_space<hbm>>
      %dma_start3A_265 = tpu.memref_squeeze %dma_start3A_264 : memref<1x1x16xf32, #tpu.memory_space<hbm>> -> memref<16xf32, #tpu.memory_space<hbm>>
      %dma_start3A_266 = tpu.memref_slice %arg5[%select_n3A, %run_scoped3A_255, %mul3A_21] : memref<4x8x128xf32, #tpu.memory_space<hbm>> -> memref<1x1x16xf32, #tpu.memory_space<hbm>>
      %dma_start3A_267 = tpu.memref_squeeze %dma_start3A_266 : memref<1x1x16xf32, #tpu.memory_space<hbm>> -> memref<16xf32, #tpu.memory_space<hbm>>
      %dma_start3A_268 = arith.constant 0 : i32
      %dma_start3A_269 = tpu.memref_slice %arg11[%run_scoped3A_254, %dma_start3A_268] : memref<8x16xf32, #tpu.memory_space<vmem>> -> memref<1x16xf32, #tpu.memory_space<vmem>>
      %dma_start3A_270 = tpu.memref_squeeze %dma_start3A_269 : memref<1x16xf32, #tpu.memory_space<vmem>> -> memref<16xf32, #tpu.memory_space<vmem>>
      tpu.enqueue_dma source(%dma_start3A_270 : memref<16xf32, #tpu.memory_space<vmem>>) target(%dma_start3A_267 : memref<16xf32, #tpu.memory_space<hbm>>) target_semaphore(%run_scoped3A_260 : memref<!tpu.dma_semaphore, #tpu.memory_space<semaphore_mem>>)
      %dma_wait3A_271 = arith.constant 0 : i32
      %dma_wait3A_272 = tpu.memref_slice %arg11[%run_scoped3A_254, %dma_wait3A_271] : memref<8x16xf32, #tpu.memory_space<vmem>> -> memref<1x16xf32, #tpu.memory_space<vmem>>
      %dma_wait3A_273 = tpu.memref_squeeze %dma_wait3A_272 : memref<1x16xf32, #tpu.memory_space<vmem>> -> memref<16xf32, #tpu.memory_space<vmem>>
      %dma_wait3A_274 = tpu.memref_slice %arg5[%select_n3A, %run_scoped3A_255, %mul3A_21] : memref<4x8x128xf32, #tpu.memory_space<hbm>> -> memref<1x1x16xf32, #tpu.memory_space<hbm>>
      %dma_wait3A_275 = tpu.memref_squeeze %dma_wait3A_274 : memref<1x1x16xf32, #tpu.memory_space<hbm>> -> memref<16xf32, #tpu.memory_space<hbm>>
      %dma_wait3A_276 = tpu.memref_slice %arg5[%select_n3A, %run_scoped3A_255, %mul3A_21] : memref<4x8x128xf32, #tpu.memory_space<hbm>> -> memref<1x1x16xf32, #tpu.memory_space<hbm>>
      %dma_wait3A_277 = tpu.memref_squeeze %dma_wait3A_276 : memref<1x1x16xf32, #tpu.memory_space<hbm>> -> memref<16xf32, #tpu.memory_space<hbm>>
      %dma_wait3A_278 = arith.constant 0 : i32
      %dma_wait3A_279 = tpu.memref_slice %arg11[%run_scoped3A_254, %dma_wait3A_278] : memref<8x16xf32, #tpu.memory_space<vmem>> -> memref<1x16xf32, #tpu.memory_space<vmem>>
      %dma_wait3A_280 = tpu.memref_squeeze %dma_wait3A_279 : memref<1x16xf32, #tpu.memory_space<vmem>> -> memref<16xf32, #tpu.memory_space<vmem>>
      tpu.wait_dma2 semaphore(%run_scoped3A_260 : memref<!tpu.dma_semaphore, #tpu.memory_space<semaphore_mem>>) src(%dma_wait3A_280 : memref<16xf32, #tpu.memory_space<vmem>>) dst(%dma_wait3A_277 : memref<16xf32, #tpu.memory_space<hbm>>)
      tpu.yield
    }) : () -> ()
    %run_scoped3A_256 = arith.constant 4 : i32
    %run_scoped3A_257 = arith.constant 4 : i32
    "tpu.region"() ({
      %run_scoped3A_260 = tpu.sem_alloc : memref<!tpu.dma_semaphore, #tpu.memory_space<semaphore_mem>>
      %dma_start3A_261 = arith.constant 0 : i32
      %dma_start3A_262 = tpu.memref_slice %arg11[%run_scoped3A_256, %dma_start3A_261] : memref<8x16xf32, #tpu.memory_space<vmem>> -> memref<1x16xf32, #tpu.memory_space<vmem>>
      %dma_start3A_263 = tpu.memref_squeeze %dma_start3A_262 : memref<1x16xf32, #tpu.memory_space<vmem>> -> memref<16xf32, #tpu.memory_space<vmem>>
      %dma_start3A_264 = tpu.memref_slice %arg5[%select_n3A, %run_scoped3A_257, %mul3A_21] : memref<4x8x128xf32, #tpu.memory_space<hbm>> -> memref<1x1x16xf32, #tpu.memory_space<hbm>>
      %dma_start3A_265 = tpu.memref_squeeze %dma_start3A_264 : memref<1x1x16xf32, #tpu.memory_space<hbm>> -> memref<16xf32, #tpu.memory_space<hbm>>
      %dma_start3A_266 = tpu.memref_slice %arg5[%select_n3A, %run_scoped3A_257, %mul3A_21] : memref<4x8x128xf32, #tpu.memory_space<hbm>> -> memref<1x1x16xf32, #tpu.memory_space<hbm>>
      %dma_start3A_267 = tpu.memref_squeeze %dma_start3A_266 : memref<1x1x16xf32, #tpu.memory_space<hbm>> -> memref<16xf32, #tpu.memory_space<hbm>>
      %dma_start3A_268 = arith.constant 0 : i32
      %dma_start3A_269 = tpu.memref_slice %arg11[%run_scoped3A_256, %dma_start3A_268] : memref<8x16xf32, #tpu.memory_space<vmem>> -> memref<1x16xf32, #tpu.memory_space<vmem>>
      %dma_start3A_270 = tpu.memref_squeeze %dma_start3A_269 : memref<1x16xf32, #tpu.memory_space<vmem>> -> memref<16xf32, #tpu.memory_space<vmem>>
      tpu.enqueue_dma source(%dma_start3A_270 : memref<16xf32, #tpu.memory_space<vmem>>) target(%dma_start3A_267 : memref<16xf32, #tpu.memory_space<hbm>>) target_semaphore(%run_scoped3A_260 : memref<!tpu.dma_semaphore, #tpu.memory_space<semaphore_mem>>)
      %dma_wait3A_271 = arith.constant 0 : i32
      %dma_wait3A_272 = tpu.memref_slice %arg11[%run_scoped3A_256, %dma_wait3A_271] : memref<8x16xf32, #tpu.memory_space<vmem>> -> memref<1x16xf32, #tpu.memory_space<vmem>>
      %dma_wait3A_273 = tpu.memref_squeeze %dma_wait3A_272 : memref<1x16xf32, #tpu.memory_space<vmem>> -> memref<16xf32, #tpu.memory_space<vmem>>
      %dma_wait3A_274 = tpu.memref_slice %arg5[%select_n3A, %run_scoped3A_257, %mul3A_21] : memref<4x8x128xf32, #tpu.memory_space<hbm>> -> memref<1x1x16xf32, #tpu.memory_space<hbm>>
      %dma_wait3A_275 = tpu.memref_squeeze %dma_wait3A_274 : memref<1x1x16xf32, #tpu.memory_space<hbm>> -> memref<16xf32, #tpu.memory_space<hbm>>
      %dma_wait3A_276 = tpu.memref_slice %arg5[%select_n3A, %run_scoped3A_257, %mul3A_21] : memref<4x8x128xf32, #tpu.memory_space<hbm>> -> memref<1x1x16xf32, #tpu.memory_space<hbm>>
      %dma_wait3A_277 = tpu.memref_squeeze %dma_wait3A_276 : memref<1x1x16xf32, #tpu.memory_space<hbm>> -> memref<16xf32, #tpu.memory_space<hbm>>
      %dma_wait3A_278 = arith.constant 0 : i32
      %dma_wait3A_279 = tpu.memref_slice %arg11[%run_scoped3A_256, %dma_wait3A_278] : memref<8x16xf32, #tpu.memory_space<vmem>> -> memref<1x16xf32, #tpu.memory_space<vmem>>
      %dma_wait3A_280 = tpu.memref_squeeze %dma_wait3A_279 : memref<1x16xf32, #tpu.memory_space<vmem>> -> memref<16xf32, #tpu.memory_space<vmem>>
      tpu.wait_dma2 semaphore(%run_scoped3A_260 : memref<!tpu.dma_semaphore, #tpu.memory_space<semaphore_mem>>) src(%dma_wait3A_280 : memref<16xf32, #tpu.memory_space<vmem>>) dst(%dma_wait3A_277 : memref<16xf32, #tpu.memory_space<hbm>>)
      tpu.yield
    }) : () -> ()
    %run_scoped3A_258 = arith.constant 5 : i32
    %run_scoped3A_259 = arith.constant 5 : i32
    "tpu.region"() ({
      %run_scoped3A_260 = tpu.sem_alloc : memref<!tpu.dma_semaphore, #tpu.memory_space<semaphore_mem>>
      %dma_start3A_261 = arith.constant 0 : i32
      %dma_start3A_262 = tpu.memref_slice %arg11[%run_scoped3A_258, %dma_start3A_261] : memref<8x16xf32, #tpu.memory_space<vmem>> -> memref<1x16xf32, #tpu.memory_space<vmem>>
      %dma_start3A_263 = tpu.memref_squeeze %dma_start3A_262 : memref<1x16xf32, #tpu.memory_space<vmem>> -> memref<16xf32, #tpu.memory_space<vmem>>
      %dma_start3A_264 = tpu.memref_slice %arg5[%select_n3A, %run_scoped3A_259, %mul3A_21] : memref<4x8x128xf32, #tpu.memory_space<hbm>> -> memref<1x1x16xf32, #tpu.memory_space<hbm>>
      %dma_start3A_265 = tpu.memref_squeeze %dma_start3A_264 : memref<1x1x16xf32, #tpu.memory_space<hbm>> -> memref<16xf32, #tpu.memory_space<hbm>>
      %dma_start3A_266 = tpu.memref_slice %arg5[%select_n3A, %run_scoped3A_259, %mul3A_21] : memref<4x8x128xf32, #tpu.memory_space<hbm>> -> memref<1x1x16xf32, #tpu.memory_space<hbm>>
      %dma_start3A_267 = tpu.memref_squeeze %dma_start3A_266 : memref<1x1x16xf32, #tpu.memory_space<hbm>> -> memref<16xf32, #tpu.memory_space<hbm>>
      %dma_start3A_268 = arith.constant 0 : i32
      %dma_start3A_269 = tpu.memref_slice %arg11[%run_scoped3A_258, %dma_start3A_268] : memref<8x16xf32, #tpu.memory_space<vmem>> -> memref<1x16xf32, #tpu.memory_space<vmem>>
      %dma_start3A_270 = tpu.memref_squeeze %dma_start3A_269 : memref<1x16xf32, #tpu.memory_space<vmem>> -> memref<16xf32, #tpu.memory_space<vmem>>
      tpu.enqueue_dma source(%dma_start3A_270 : memref<16xf32, #tpu.memory_space<vmem>>) target(%dma_start3A_267 : memref<16xf32, #tpu.memory_space<hbm>>) target_semaphore(%run_scoped3A_260 : memref<!tpu.dma_semaphore, #tpu.memory_space<semaphore_mem>>)
      %dma_wait3A_271 = arith.constant 0 : i32
      %dma_wait3A_272 = tpu.memref_slice %arg11[%run_scoped3A_258, %dma_wait3A_271] : memref<8x16xf32, #tpu.memory_space<vmem>> -> memref<1x16xf32, #tpu.memory_space<vmem>>
      %dma_wait3A_273 = tpu.memref_squeeze %dma_wait3A_272 : memref<1x16xf32, #tpu.memory_space<vmem>> -> memref<16xf32, #tpu.memory_space<vmem>>
      %dma_wait3A_274 = tpu.memref_slice %arg5[%select_n3A, %run_scoped3A_259, %mul3A_21] : memref<4x8x128xf32, #tpu.memory_space<hbm>> -> memref<1x1x16xf32, #tpu.memory_space<hbm>>
      %dma_wait3A_275 = tpu.memref_squeeze %dma_wait3A_274 : memref<1x1x16xf32, #tpu.memory_space<hbm>> -> memref<16xf32, #tpu.memory_space<hbm>>
      %dma_wait3A_276 = tpu.memref_slice %arg5[%select_n3A, %run_scoped3A_259, %mul3A_21] : memref<4x8x128xf32, #tpu.memory_space<hbm>> -> memref<1x1x16xf32, #tpu.memory_space<hbm>>
      %dma_wait3A_277 = tpu.memref_squeeze %dma_wait3A_276 : memref<1x1x16xf32, #tpu.memory_space<hbm>> -> memref<16xf32, #tpu.memory_space<hbm>>
      %dma_wait3A_278 = arith.constant 0 : i32
      %dma_wait3A_279 = tpu.memref_slice %arg11[%run_scoped3A_258, %dma_wait3A_278] : memref<8x16xf32, #tpu.memory_space<vmem>> -> memref<1x16xf32, #tpu.memory_space<vmem>>
      %dma_wait3A_280 = tpu.memref_squeeze %dma_wait3A_279 : memref<1x16xf32, #tpu.memory_space<vmem>> -> memref<16xf32, #tpu.memory_space<vmem>>
      tpu.wait_dma2 semaphore(%run_scoped3A_260 : memref<!tpu.dma_semaphore, #tpu.memory_space<semaphore_mem>>) src(%dma_wait3A_280 : memref<16xf32, #tpu.memory_space<vmem>>) dst(%dma_wait3A_277 : memref<16xf32, #tpu.memory_space<hbm>>)
      tpu.yield
    }) : () -> ()
    return
  }
}

module attributes {stable_mosaic.version = 14 : i64} {
  func.func @_topk_kernel(%arg0: i32, %arg1: memref<1x80x128x128xf32, #tpu.memory_space<vmem>>, %arg2: memref<4x8x128xf32, #tpu.memory_space<vmem>>, %arg3: memref<10240x128xf32, #tpu.memory_space<vmem>>, %arg4: memref<10240x128xf32, #tpu.memory_space<vmem>>, %arg5: memref<10240x128xf32, #tpu.memory_space<vmem>>, %arg6: memref<10240x128xf32, #tpu.memory_space<vmem>>, %arg7: memref<80x128xf32, #tpu.memory_space<vmem>>, %arg8: memref<80x128xf32, #tpu.memory_space<vmem>>, %arg9: memref<80x128xf32, #tpu.memory_space<vmem>>, %arg10: memref<80x128xf32, #tpu.memory_space<vmem>>) attributes {dimension_semantics = [#tpu.dimension_semantics<arbitrary>], iteration_bounds = array<i64: 5>, scalar_prefetch = 0 : i64, scratch_operands = 8 : i64, tpu.core_type = #tpu.core_type<tc>, window_params = [{transform_indices = @transform_0, window_bounds = array<i64: 1, 80, 128, 128>}, {pipeline_mode = #tpu.pipeline_mode<synchronous>, transform_indices = @transform_1, window_bounds = array<i64: 4, 8, 128>}]} {
    %eq3A = arith.constant 0 : i32
    %eq3A_0 = arith.cmpi eq, %arg0, %eq3A : i32
    %convert_element_type3A = arith.extui %eq3A_0 : i1 to i32
    %cond3A = arith.constant 0 : i32
    %cond3A_1 = arith.cmpi ne, %convert_element_type3A, %cond3A : i32
    scf.if %cond3A_1 {
      %get3A = arith.constant 0 : index
      %get3A_22 = arith.constant 0 : index
      %get3A_23 = arith.constant 0 : index
      %get3A_24 = arith.constant 0 : index
      %get3A_25 = vector.load %arg1[%get3A, %get3A_22, %get3A_23, %get3A_24] : memref<1x80x128x128xf32, #tpu.memory_space<vmem>>, vector<1x80x128x128xf32>
      %get3A_26 = vector.shape_cast %get3A_25 : vector<1x80x128x128xf32> to vector<80x128x128xf32>
      %reshape3A = vector.shape_cast %get3A_26 : vector<80x128x128xf32> to vector<10240x128xf32>
      %iota3A = tpu.iota {dimensions = array<i32: 0>} : vector<10240x128xi32>
      %jit3A = arith.constant 128 : i32
      %eq3A_27 = arith.constant 0 : i32
      %eq3A_28 = arith.cmpi eq, %jit3A, %eq3A_27 : i32
      %jit3A_29 = arith.constant 1 : i32
      %select_n3A = arith.select %eq3A_28, %jit3A_29, %jit3A : i32
      %rem3A = vector.broadcast %select_n3A : i32 to vector<10240x128xi32>
      %rem3A_30 = arith.remsi %iota3A, %rem3A : vector<10240x128xi32>
      %ne3A = arith.constant 0 : i32
      %ne3A_31 = vector.broadcast %ne3A : i32 to vector<10240x128xi32>
      %ne3A_32 = arith.cmpi ne, %rem3A_30, %ne3A_31 : vector<10240x128xi32>
      %lt3A = arith.constant 0 : i32
      %lt3A_33 = vector.broadcast %lt3A : i32 to vector<10240x128xi32>
      %lt3A_34 = arith.cmpi slt, %rem3A_30, %lt3A_33 : vector<10240x128xi32>
      %lt3A_35 = arith.constant 0 : i32
      %lt3A_36 = arith.cmpi slt, %select_n3A, %lt3A_35 : i32
      %ne3A_37 = vector.broadcast %lt3A_36 : i1 to vector<10240x128xi1>
      %ne3A_38 = vector.broadcast %ne3A_37 : vector<10240x128xi1> to vector<10240x128xi1>
      %ne3A_39 = arith.xori %lt3A_34, %ne3A_38 : vector<10240x128xi1>
      %and3A = arith.andi %ne3A_39, %ne3A_32 : vector<10240x128xi1>
      %add3A = vector.broadcast %select_n3A : i32 to vector<10240x128xi32>
      %add3A_40 = arith.addi %rem3A_30, %add3A : vector<10240x128xi32>
      %select_n3A_41 = arith.select %and3A, %add3A_40, %rem3A_30 : vector<10240x128xi1>, vector<10240x128xi32>
      %iota3A_42 = tpu.iota {dimensions = array<i32: 1>} : vector<10240x128xi32>
      %roll3A = arith.constant 1 : i32
      %roll3A_43 = tpu.dynamic_rotate %reshape3A by %roll3A dim 0 : vector<10240x128xf32>, i32 -> vector<10240x128xf32>
      %roll3A_44 = arith.constant 10239 : i32
      %roll3A_45 = tpu.dynamic_rotate %reshape3A by %roll3A_44 dim 0 : vector<10240x128xf32>, i32 -> vector<10240x128xf32>
      %eq3A_46 = arith.constant 0 : i32
      %eq3A_47 = vector.broadcast %eq3A_46 : i32 to vector<10240x128xi32>
      %eq3A_48 = arith.cmpi eq, %select_n3A_41, %eq3A_47 : vector<10240x128xi32>
      %jit3A_49 = arith.constant -3.000000e+38 : f32
      %broadcast_in_dim3A = vector.broadcast %jit3A_49 : f32 to vector<10240x128xf32>
      %select_n3A_50 = arith.select %eq3A_48, %broadcast_in_dim3A, %roll3A_43 : vector<10240x128xi1>, vector<10240x128xf32>
      %eq3A_51 = arith.constant 127 : i32
      %eq3A_52 = vector.broadcast %eq3A_51 : i32 to vector<10240x128xi32>
      %eq3A_53 = arith.cmpi eq, %select_n3A_41, %eq3A_52 : vector<10240x128xi32>
      %jit3A_54 = arith.constant -3.000000e+38 : f32
      %broadcast_in_dim3A_55 = vector.broadcast %jit3A_54 : f32 to vector<10240x128xf32>
      %select_n3A_56 = arith.select %eq3A_53, %broadcast_in_dim3A_55, %roll3A_45 : vector<10240x128xi1>, vector<10240x128xf32>
      %max3A = arith.maximumf %select_n3A_50, %select_n3A_56 : vector<10240x128xf32>
      %max3A_57 = arith.maximumf %reshape3A, %max3A : vector<10240x128xf32>
      %roll3A_58 = arith.constant 1 : i32
      %roll3A_59 = tpu.dynamic_rotate %max3A_57 by %roll3A_58 dim 1 : vector<10240x128xf32>, i32 -> vector<10240x128xf32>
      %roll3A_60 = arith.constant 127 : i32
      %roll3A_61 = tpu.dynamic_rotate %max3A_57 by %roll3A_60 dim 1 : vector<10240x128xf32>, i32 -> vector<10240x128xf32>
      %eq3A_62 = arith.constant 0 : i32
      %eq3A_63 = vector.broadcast %eq3A_62 : i32 to vector<10240x128xi32>
      %eq3A_64 = arith.cmpi eq, %iota3A_42, %eq3A_63 : vector<10240x128xi32>
      %jit3A_65 = arith.constant -3.000000e+38 : f32
      %broadcast_in_dim3A_66 = vector.broadcast %jit3A_65 : f32 to vector<10240x128xf32>
      %select_n3A_67 = arith.select %eq3A_64, %broadcast_in_dim3A_66, %roll3A_59 : vector<10240x128xi1>, vector<10240x128xf32>
      %eq3A_68 = arith.constant 127 : i32
      %eq3A_69 = vector.broadcast %eq3A_68 : i32 to vector<10240x128xi32>
      %eq3A_70 = arith.cmpi eq, %iota3A_42, %eq3A_69 : vector<10240x128xi32>
      %jit3A_71 = arith.constant -3.000000e+38 : f32
      %broadcast_in_dim3A_72 = vector.broadcast %jit3A_71 : f32 to vector<10240x128xf32>
      %select_n3A_73 = arith.select %eq3A_70, %broadcast_in_dim3A_72, %roll3A_61 : vector<10240x128xi1>, vector<10240x128xf32>
      %max3A_74 = arith.maximumf %select_n3A_67, %select_n3A_73 : vector<10240x128xf32>
      %max3A_75 = arith.maximumf %max3A_57, %max3A_74 : vector<10240x128xf32>
      %eq3A_76 = arith.cmpf oeq, %max3A_75, %reshape3A : vector<10240x128xf32>
      %jit3A_77 = arith.constant 0.000000e+00 : f32
      %broadcast_in_dim3A_78 = vector.broadcast %jit3A_77 : f32 to vector<10240x128xf32>
      %select_n3A_79 = arith.select %eq3A_76, %reshape3A, %broadcast_in_dim3A_78 : vector<10240x128xi1>, vector<10240x128xf32>
      %swap3A = arith.constant 0 : index
      %swap3A_80 = arith.constant 0 : index
      %swap3A_81 = vector.load %arg3[%swap3A, %swap3A_80] : memref<10240x128xf32, #tpu.memory_space<vmem>>, vector<10240x128xf32>
      tpu.vector_store %arg3[%swap3A, %swap3A_80], %select_n3A_79 {strides = array<i32>} : memref<10240x128xf32, #tpu.memory_space<vmem>>, vector<10240x128xf32>,
      %reshape3A_82 = vector.shape_cast %select_n3A_79 : vector<10240x128xf32> to vector<80x128x128xf32>
      %reduce_max3A = arith.constant dense<0xFF800000> : vector<80x128xf32>
      %reduce_max3A_83 = vector.multi_reduction <maximumf>, %reshape3A_82, %reduce_max3A [2] : vector<80x128x128xf32> to vector<80x128xf32>
      %swap3A_84 = arith.constant 0 : index
      %swap3A_85 = arith.constant 0 : index
      %swap3A_86 = vector.load %arg7[%swap3A_84, %swap3A_85] : memref<80x128xf32, #tpu.memory_space<vmem>>, vector<80x128xf32>
      tpu.vector_store %arg7[%swap3A_84, %swap3A_85], %reduce_max3A_83 {strides = array<i32>} : memref<80x128xf32, #tpu.memory_space<vmem>>, vector<80x128xf32>,
    } else {
    }
    %eq3A_2 = arith.constant 1 : i32
    %eq3A_3 = arith.cmpi eq, %arg0, %eq3A_2 : i32
    %convert_element_type3A_4 = arith.extui %eq3A_3 : i1 to i32
    %cond3A_5 = arith.constant 0 : i32
    %cond3A_6 = arith.cmpi ne, %convert_element_type3A_4, %cond3A_5 : i32
    scf.if %cond3A_6 {
      %get3A = arith.constant 0 : index
      %get3A_22 = arith.constant 0 : index
      %get3A_23 = arith.constant 0 : index
      %get3A_24 = arith.constant 0 : index
      %get3A_25 = vector.load %arg1[%get3A, %get3A_22, %get3A_23, %get3A_24] : memref<1x80x128x128xf32, #tpu.memory_space<vmem>>, vector<1x80x128x128xf32>
      %get3A_26 = vector.shape_cast %get3A_25 : vector<1x80x128x128xf32> to vector<80x128x128xf32>
      %reshape3A = vector.shape_cast %get3A_26 : vector<80x128x128xf32> to vector<10240x128xf32>
      %iota3A = tpu.iota {dimensions = array<i32: 0>} : vector<10240x128xi32>
      %jit3A = arith.constant 128 : i32
      %eq3A_27 = arith.constant 0 : i32
      %eq3A_28 = arith.cmpi eq, %jit3A, %eq3A_27 : i32
      %jit3A_29 = arith.constant 1 : i32
      %select_n3A = arith.select %eq3A_28, %jit3A_29, %jit3A : i32
      %rem3A = vector.broadcast %select_n3A : i32 to vector<10240x128xi32>
      %rem3A_30 = arith.remsi %iota3A, %rem3A : vector<10240x128xi32>
      %ne3A = arith.constant 0 : i32
      %ne3A_31 = vector.broadcast %ne3A : i32 to vector<10240x128xi32>
      %ne3A_32 = arith.cmpi ne, %rem3A_30, %ne3A_31 : vector<10240x128xi32>
      %lt3A = arith.constant 0 : i32
      %lt3A_33 = vector.broadcast %lt3A : i32 to vector<10240x128xi32>
      %lt3A_34 = arith.cmpi slt, %rem3A_30, %lt3A_33 : vector<10240x128xi32>
      %lt3A_35 = arith.constant 0 : i32
      %lt3A_36 = arith.cmpi slt, %select_n3A, %lt3A_35 : i32
      %ne3A_37 = vector.broadcast %lt3A_36 : i1 to vector<10240x128xi1>
      %ne3A_38 = vector.broadcast %ne3A_37 : vector<10240x128xi1> to vector<10240x128xi1>
      %ne3A_39 = arith.xori %lt3A_34, %ne3A_38 : vector<10240x128xi1>
      %and3A = arith.andi %ne3A_39, %ne3A_32 : vector<10240x128xi1>
      %add3A = vector.broadcast %select_n3A : i32 to vector<10240x128xi32>
      %add3A_40 = arith.addi %rem3A_30, %add3A : vector<10240x128xi32>
      %select_n3A_41 = arith.select %and3A, %add3A_40, %rem3A_30 : vector<10240x128xi1>, vector<10240x128xi32>
      %iota3A_42 = tpu.iota {dimensions = array<i32: 1>} : vector<10240x128xi32>
      %roll3A = arith.constant 1 : i32
      %roll3A_43 = tpu.dynamic_rotate %reshape3A by %roll3A dim 0 : vector<10240x128xf32>, i32 -> vector<10240x128xf32>
      %roll3A_44 = arith.constant 10239 : i32
      %roll3A_45 = tpu.dynamic_rotate %reshape3A by %roll3A_44 dim 0 : vector<10240x128xf32>, i32 -> vector<10240x128xf32>
      %eq3A_46 = arith.constant 0 : i32
      %eq3A_47 = vector.broadcast %eq3A_46 : i32 to vector<10240x128xi32>
      %eq3A_48 = arith.cmpi eq, %select_n3A_41, %eq3A_47 : vector<10240x128xi32>
      %jit3A_49 = arith.constant -3.000000e+38 : f32
      %broadcast_in_dim3A = vector.broadcast %jit3A_49 : f32 to vector<10240x128xf32>
      %select_n3A_50 = arith.select %eq3A_48, %broadcast_in_dim3A, %roll3A_43 : vector<10240x128xi1>, vector<10240x128xf32>
      %eq3A_51 = arith.constant 127 : i32
      %eq3A_52 = vector.broadcast %eq3A_51 : i32 to vector<10240x128xi32>
      %eq3A_53 = arith.cmpi eq, %select_n3A_41, %eq3A_52 : vector<10240x128xi32>
      %jit3A_54 = arith.constant -3.000000e+38 : f32
      %broadcast_in_dim3A_55 = vector.broadcast %jit3A_54 : f32 to vector<10240x128xf32>
      %select_n3A_56 = arith.select %eq3A_53, %broadcast_in_dim3A_55, %roll3A_45 : vector<10240x128xi1>, vector<10240x128xf32>
      %max3A = arith.maximumf %select_n3A_50, %select_n3A_56 : vector<10240x128xf32>
      %max3A_57 = arith.maximumf %reshape3A, %max3A : vector<10240x128xf32>
      %roll3A_58 = arith.constant 1 : i32
      %roll3A_59 = tpu.dynamic_rotate %max3A_57 by %roll3A_58 dim 1 : vector<10240x128xf32>, i32 -> vector<10240x128xf32>
      %roll3A_60 = arith.constant 127 : i32
      %roll3A_61 = tpu.dynamic_rotate %max3A_57 by %roll3A_60 dim 1 : vector<10240x128xf32>, i32 -> vector<10240x128xf32>
      %eq3A_62 = arith.constant 0 : i32
      %eq3A_63 = vector.broadcast %eq3A_62 : i32 to vector<10240x128xi32>
      %eq3A_64 = arith.cmpi eq, %iota3A_42, %eq3A_63 : vector<10240x128xi32>
      %jit3A_65 = arith.constant -3.000000e+38 : f32
      %broadcast_in_dim3A_66 = vector.broadcast %jit3A_65 : f32 to vector<10240x128xf32>
      %select_n3A_67 = arith.select %eq3A_64, %broadcast_in_dim3A_66, %roll3A_59 : vector<10240x128xi1>, vector<10240x128xf32>
      %eq3A_68 = arith.constant 127 : i32
      %eq3A_69 = vector.broadcast %eq3A_68 : i32 to vector<10240x128xi32>
      %eq3A_70 = arith.cmpi eq, %iota3A_42, %eq3A_69 : vector<10240x128xi32>
      %jit3A_71 = arith.constant -3.000000e+38 : f32
      %broadcast_in_dim3A_72 = vector.broadcast %jit3A_71 : f32 to vector<10240x128xf32>
      %select_n3A_73 = arith.select %eq3A_70, %broadcast_in_dim3A_72, %roll3A_61 : vector<10240x128xi1>, vector<10240x128xf32>
      %max3A_74 = arith.maximumf %select_n3A_67, %select_n3A_73 : vector<10240x128xf32>
      %max3A_75 = arith.maximumf %max3A_57, %max3A_74 : vector<10240x128xf32>
      %eq3A_76 = arith.cmpf oeq, %max3A_75, %reshape3A : vector<10240x128xf32>
      %jit3A_77 = arith.constant 0.000000e+00 : f32
      %broadcast_in_dim3A_78 = vector.broadcast %jit3A_77 : f32 to vector<10240x128xf32>
      %select_n3A_79 = arith.select %eq3A_76, %reshape3A, %broadcast_in_dim3A_78 : vector<10240x128xi1>, vector<10240x128xf32>
      %swap3A = arith.constant 0 : index
      %swap3A_80 = arith.constant 0 : index
      %swap3A_81 = vector.load %arg4[%swap3A, %swap3A_80] : memref<10240x128xf32, #tpu.memory_space<vmem>>, vector<10240x128xf32>
      tpu.vector_store %arg4[%swap3A, %swap3A_80], %select_n3A_79 {strides = array<i32>} : memref<10240x128xf32, #tpu.memory_space<vmem>>, vector<10240x128xf32>,
      %reshape3A_82 = vector.shape_cast %select_n3A_79 : vector<10240x128xf32> to vector<80x128x128xf32>
      %reduce_max3A = arith.constant dense<0xFF800000> : vector<80x128xf32>
      %reduce_max3A_83 = vector.multi_reduction <maximumf>, %reshape3A_82, %reduce_max3A [2] : vector<80x128x128xf32> to vector<80x128xf32>
      %swap3A_84 = arith.constant 0 : index
      %swap3A_85 = arith.constant 0 : index
      %swap3A_86 = vector.load %arg8[%swap3A_84, %swap3A_85] : memref<80x128xf32, #tpu.memory_space<vmem>>, vector<80x128xf32>
      tpu.vector_store %arg8[%swap3A_84, %swap3A_85], %reduce_max3A_83 {strides = array<i32>} : memref<80x128xf32, #tpu.memory_space<vmem>>, vector<80x128xf32>,
    } else {
    }
    %eq3A_7 = arith.constant 2 : i32
    %eq3A_8 = arith.cmpi eq, %arg0, %eq3A_7 : i32
    %convert_element_type3A_9 = arith.extui %eq3A_8 : i1 to i32
    %cond3A_10 = arith.constant 0 : i32
    %cond3A_11 = arith.cmpi ne, %convert_element_type3A_9, %cond3A_10 : i32
    scf.if %cond3A_11 {
      %get3A = arith.constant 0 : index
      %get3A_22 = arith.constant 0 : index
      %get3A_23 = arith.constant 0 : index
      %get3A_24 = arith.constant 0 : index
      %get3A_25 = vector.load %arg1[%get3A, %get3A_22, %get3A_23, %get3A_24] : memref<1x80x128x128xf32, #tpu.memory_space<vmem>>, vector<1x80x128x128xf32>
      %get3A_26 = vector.shape_cast %get3A_25 : vector<1x80x128x128xf32> to vector<80x128x128xf32>
      %reshape3A = vector.shape_cast %get3A_26 : vector<80x128x128xf32> to vector<10240x128xf32>
      %iota3A = tpu.iota {dimensions = array<i32: 0>} : vector<10240x128xi32>
      %jit3A = arith.constant 128 : i32
      %eq3A_27 = arith.constant 0 : i32
      %eq3A_28 = arith.cmpi eq, %jit3A, %eq3A_27 : i32
      %jit3A_29 = arith.constant 1 : i32
      %select_n3A = arith.select %eq3A_28, %jit3A_29, %jit3A : i32
      %rem3A = vector.broadcast %select_n3A : i32 to vector<10240x128xi32>
      %rem3A_30 = arith.remsi %iota3A, %rem3A : vector<10240x128xi32>
      %ne3A = arith.constant 0 : i32
      %ne3A_31 = vector.broadcast %ne3A : i32 to vector<10240x128xi32>
      %ne3A_32 = arith.cmpi ne, %rem3A_30, %ne3A_31 : vector<10240x128xi32>
      %lt3A = arith.constant 0 : i32
      %lt3A_33 = vector.broadcast %lt3A : i32 to vector<10240x128xi32>
      %lt3A_34 = arith.cmpi slt, %rem3A_30, %lt3A_33 : vector<10240x128xi32>
      %lt3A_35 = arith.constant 0 : i32
      %lt3A_36 = arith.cmpi slt, %select_n3A, %lt3A_35 : i32
      %ne3A_37 = vector.broadcast %lt3A_36 : i1 to vector<10240x128xi1>
      %ne3A_38 = vector.broadcast %ne3A_37 : vector<10240x128xi1> to vector<10240x128xi1>
      %ne3A_39 = arith.xori %lt3A_34, %ne3A_38 : vector<10240x128xi1>
      %and3A = arith.andi %ne3A_39, %ne3A_32 : vector<10240x128xi1>
      %add3A = vector.broadcast %select_n3A : i32 to vector<10240x128xi32>
      %add3A_40 = arith.addi %rem3A_30, %add3A : vector<10240x128xi32>
      %select_n3A_41 = arith.select %and3A, %add3A_40, %rem3A_30 : vector<10240x128xi1>, vector<10240x128xi32>
      %iota3A_42 = tpu.iota {dimensions = array<i32: 1>} : vector<10240x128xi32>
      %roll3A = arith.constant 1 : i32
      %roll3A_43 = tpu.dynamic_rotate %reshape3A by %roll3A dim 0 : vector<10240x128xf32>, i32 -> vector<10240x128xf32>
      %roll3A_44 = arith.constant 10239 : i32
      %roll3A_45 = tpu.dynamic_rotate %reshape3A by %roll3A_44 dim 0 : vector<10240x128xf32>, i32 -> vector<10240x128xf32>
      %eq3A_46 = arith.constant 0 : i32
      %eq3A_47 = vector.broadcast %eq3A_46 : i32 to vector<10240x128xi32>
      %eq3A_48 = arith.cmpi eq, %select_n3A_41, %eq3A_47 : vector<10240x128xi32>
      %jit3A_49 = arith.constant -3.000000e+38 : f32
      %broadcast_in_dim3A = vector.broadcast %jit3A_49 : f32 to vector<10240x128xf32>
      %select_n3A_50 = arith.select %eq3A_48, %broadcast_in_dim3A, %roll3A_43 : vector<10240x128xi1>, vector<10240x128xf32>
      %eq3A_51 = arith.constant 127 : i32
      %eq3A_52 = vector.broadcast %eq3A_51 : i32 to vector<10240x128xi32>
      %eq3A_53 = arith.cmpi eq, %select_n3A_41, %eq3A_52 : vector<10240x128xi32>
      %jit3A_54 = arith.constant -3.000000e+38 : f32
      %broadcast_in_dim3A_55 = vector.broadcast %jit3A_54 : f32 to vector<10240x128xf32>
      %select_n3A_56 = arith.select %eq3A_53, %broadcast_in_dim3A_55, %roll3A_45 : vector<10240x128xi1>, vector<10240x128xf32>
      %max3A = arith.maximumf %select_n3A_50, %select_n3A_56 : vector<10240x128xf32>
      %max3A_57 = arith.maximumf %reshape3A, %max3A : vector<10240x128xf32>
      %roll3A_58 = arith.constant 1 : i32
      %roll3A_59 = tpu.dynamic_rotate %max3A_57 by %roll3A_58 dim 1 : vector<10240x128xf32>, i32 -> vector<10240x128xf32>
      %roll3A_60 = arith.constant 127 : i32
      %roll3A_61 = tpu.dynamic_rotate %max3A_57 by %roll3A_60 dim 1 : vector<10240x128xf32>, i32 -> vector<10240x128xf32>
      %eq3A_62 = arith.constant 0 : i32
      %eq3A_63 = vector.broadcast %eq3A_62 : i32 to vector<10240x128xi32>
      %eq3A_64 = arith.cmpi eq, %iota3A_42, %eq3A_63 : vector<10240x128xi32>
      %jit3A_65 = arith.constant -3.000000e+38 : f32
      %broadcast_in_dim3A_66 = vector.broadcast %jit3A_65 : f32 to vector<10240x128xf32>
      %select_n3A_67 = arith.select %eq3A_64, %broadcast_in_dim3A_66, %roll3A_59 : vector<10240x128xi1>, vector<10240x128xf32>
      %eq3A_68 = arith.constant 127 : i32
      %eq3A_69 = vector.broadcast %eq3A_68 : i32 to vector<10240x128xi32>
      %eq3A_70 = arith.cmpi eq, %iota3A_42, %eq3A_69 : vector<10240x128xi32>
      %jit3A_71 = arith.constant -3.000000e+38 : f32
      %broadcast_in_dim3A_72 = vector.broadcast %jit3A_71 : f32 to vector<10240x128xf32>
      %select_n3A_73 = arith.select %eq3A_70, %broadcast_in_dim3A_72, %roll3A_61 : vector<10240x128xi1>, vector<10240x128xf32>
      %max3A_74 = arith.maximumf %select_n3A_67, %select_n3A_73 : vector<10240x128xf32>
      %max3A_75 = arith.maximumf %max3A_57, %max3A_74 : vector<10240x128xf32>
      %eq3A_76 = arith.cmpf oeq, %max3A_75, %reshape3A : vector<10240x128xf32>
      %jit3A_77 = arith.constant 0.000000e+00 : f32
      %broadcast_in_dim3A_78 = vector.broadcast %jit3A_77 : f32 to vector<10240x128xf32>
      %select_n3A_79 = arith.select %eq3A_76, %reshape3A, %broadcast_in_dim3A_78 : vector<10240x128xi1>, vector<10240x128xf32>
      %swap3A = arith.constant 0 : index
      %swap3A_80 = arith.constant 0 : index
      %swap3A_81 = vector.load %arg5[%swap3A, %swap3A_80] : memref<10240x128xf32, #tpu.memory_space<vmem>>, vector<10240x128xf32>
      tpu.vector_store %arg5[%swap3A, %swap3A_80], %select_n3A_79 {strides = array<i32>} : memref<10240x128xf32, #tpu.memory_space<vmem>>, vector<10240x128xf32>,
      %reshape3A_82 = vector.shape_cast %select_n3A_79 : vector<10240x128xf32> to vector<80x128x128xf32>
      %reduce_max3A = arith.constant dense<0xFF800000> : vector<80x128xf32>
      %reduce_max3A_83 = vector.multi_reduction <maximumf>, %reshape3A_82, %reduce_max3A [2] : vector<80x128x128xf32> to vector<80x128xf32>
      %swap3A_84 = arith.constant 0 : index
      %swap3A_85 = arith.constant 0 : index
      %swap3A_86 = vector.load %arg9[%swap3A_84, %swap3A_85] : memref<80x128xf32, #tpu.memory_space<vmem>>, vector<80x128xf32>
      tpu.vector_store %arg9[%swap3A_84, %swap3A_85], %reduce_max3A_83 {strides = array<i32>} : memref<80x128xf32, #tpu.memory_space<vmem>>, vector<80x128xf32>,
    } else {
    }
    %eq3A_12 = arith.constant 3 : i32
    %eq3A_13 = arith.cmpi eq, %arg0, %eq3A_12 : i32
    %convert_element_type3A_14 = arith.extui %eq3A_13 : i1 to i32
    %cond3A_15 = arith.constant 0 : i32
    %cond3A_16 = arith.cmpi ne, %convert_element_type3A_14, %cond3A_15 : i32
    scf.if %cond3A_16 {
      %get3A = arith.constant 0 : index
      %get3A_22 = arith.constant 0 : index
      %get3A_23 = arith.constant 0 : index
      %get3A_24 = arith.constant 0 : index
      %get3A_25 = vector.load %arg1[%get3A, %get3A_22, %get3A_23, %get3A_24] : memref<1x80x128x128xf32, #tpu.memory_space<vmem>>, vector<1x80x128x128xf32>
      %get3A_26 = vector.shape_cast %get3A_25 : vector<1x80x128x128xf32> to vector<80x128x128xf32>
      %reshape3A = vector.shape_cast %get3A_26 : vector<80x128x128xf32> to vector<10240x128xf32>
      %iota3A = tpu.iota {dimensions = array<i32: 0>} : vector<10240x128xi32>
      %jit3A = arith.constant 128 : i32
      %eq3A_27 = arith.constant 0 : i32
      %eq3A_28 = arith.cmpi eq, %jit3A, %eq3A_27 : i32
      %jit3A_29 = arith.constant 1 : i32
      %select_n3A = arith.select %eq3A_28, %jit3A_29, %jit3A : i32
      %rem3A = vector.broadcast %select_n3A : i32 to vector<10240x128xi32>
      %rem3A_30 = arith.remsi %iota3A, %rem3A : vector<10240x128xi32>
      %ne3A = arith.constant 0 : i32
      %ne3A_31 = vector.broadcast %ne3A : i32 to vector<10240x128xi32>
      %ne3A_32 = arith.cmpi ne, %rem3A_30, %ne3A_31 : vector<10240x128xi32>
      %lt3A = arith.constant 0 : i32
      %lt3A_33 = vector.broadcast %lt3A : i32 to vector<10240x128xi32>
      %lt3A_34 = arith.cmpi slt, %rem3A_30, %lt3A_33 : vector<10240x128xi32>
      %lt3A_35 = arith.constant 0 : i32
      %lt3A_36 = arith.cmpi slt, %select_n3A, %lt3A_35 : i32
      %ne3A_37 = vector.broadcast %lt3A_36 : i1 to vector<10240x128xi1>
      %ne3A_38 = vector.broadcast %ne3A_37 : vector<10240x128xi1> to vector<10240x128xi1>
      %ne3A_39 = arith.xori %lt3A_34, %ne3A_38 : vector<10240x128xi1>
      %and3A = arith.andi %ne3A_39, %ne3A_32 : vector<10240x128xi1>
      %add3A = vector.broadcast %select_n3A : i32 to vector<10240x128xi32>
      %add3A_40 = arith.addi %rem3A_30, %add3A : vector<10240x128xi32>
      %select_n3A_41 = arith.select %and3A, %add3A_40, %rem3A_30 : vector<10240x128xi1>, vector<10240x128xi32>
      %iota3A_42 = tpu.iota {dimensions = array<i32: 1>} : vector<10240x128xi32>
      %roll3A = arith.constant 1 : i32
      %roll3A_43 = tpu.dynamic_rotate %reshape3A by %roll3A dim 0 : vector<10240x128xf32>, i32 -> vector<10240x128xf32>
      %roll3A_44 = arith.constant 10239 : i32
      %roll3A_45 = tpu.dynamic_rotate %reshape3A by %roll3A_44 dim 0 : vector<10240x128xf32>, i32 -> vector<10240x128xf32>
      %eq3A_46 = arith.constant 0 : i32
      %eq3A_47 = vector.broadcast %eq3A_46 : i32 to vector<10240x128xi32>
      %eq3A_48 = arith.cmpi eq, %select_n3A_41, %eq3A_47 : vector<10240x128xi32>
      %jit3A_49 = arith.constant -3.000000e+38 : f32
      %broadcast_in_dim3A = vector.broadcast %jit3A_49 : f32 to vector<10240x128xf32>
      %select_n3A_50 = arith.select %eq3A_48, %broadcast_in_dim3A, %roll3A_43 : vector<10240x128xi1>, vector<10240x128xf32>
      %eq3A_51 = arith.constant 127 : i32
      %eq3A_52 = vector.broadcast %eq3A_51 : i32 to vector<10240x128xi32>
      %eq3A_53 = arith.cmpi eq, %select_n3A_41, %eq3A_52 : vector<10240x128xi32>
      %jit3A_54 = arith.constant -3.000000e+38 : f32
      %broadcast_in_dim3A_55 = vector.broadcast %jit3A_54 : f32 to vector<10240x128xf32>
      %select_n3A_56 = arith.select %eq3A_53, %broadcast_in_dim3A_55, %roll3A_45 : vector<10240x128xi1>, vector<10240x128xf32>
      %max3A = arith.maximumf %select_n3A_50, %select_n3A_56 : vector<10240x128xf32>
      %max3A_57 = arith.maximumf %reshape3A, %max3A : vector<10240x128xf32>
      %roll3A_58 = arith.constant 1 : i32
      %roll3A_59 = tpu.dynamic_rotate %max3A_57 by %roll3A_58 dim 1 : vector<10240x128xf32>, i32 -> vector<10240x128xf32>
      %roll3A_60 = arith.constant 127 : i32
      %roll3A_61 = tpu.dynamic_rotate %max3A_57 by %roll3A_60 dim 1 : vector<10240x128xf32>, i32 -> vector<10240x128xf32>
      %eq3A_62 = arith.constant 0 : i32
      %eq3A_63 = vector.broadcast %eq3A_62 : i32 to vector<10240x128xi32>
      %eq3A_64 = arith.cmpi eq, %iota3A_42, %eq3A_63 : vector<10240x128xi32>
      %jit3A_65 = arith.constant -3.000000e+38 : f32
      %broadcast_in_dim3A_66 = vector.broadcast %jit3A_65 : f32 to vector<10240x128xf32>
      %select_n3A_67 = arith.select %eq3A_64, %broadcast_in_dim3A_66, %roll3A_59 : vector<10240x128xi1>, vector<10240x128xf32>
      %eq3A_68 = arith.constant 127 : i32
      %eq3A_69 = vector.broadcast %eq3A_68 : i32 to vector<10240x128xi32>
      %eq3A_70 = arith.cmpi eq, %iota3A_42, %eq3A_69 : vector<10240x128xi32>
      %jit3A_71 = arith.constant -3.000000e+38 : f32
      %broadcast_in_dim3A_72 = vector.broadcast %jit3A_71 : f32 to vector<10240x128xf32>
      %select_n3A_73 = arith.select %eq3A_70, %broadcast_in_dim3A_72, %roll3A_61 : vector<10240x128xi1>, vector<10240x128xf32>
      %max3A_74 = arith.maximumf %select_n3A_67, %select_n3A_73 : vector<10240x128xf32>
      %max3A_75 = arith.maximumf %max3A_57, %max3A_74 : vector<10240x128xf32>
      %eq3A_76 = arith.cmpf oeq, %max3A_75, %reshape3A : vector<10240x128xf32>
      %jit3A_77 = arith.constant 0.000000e+00 : f32
      %broadcast_in_dim3A_78 = vector.broadcast %jit3A_77 : f32 to vector<10240x128xf32>
      %select_n3A_79 = arith.select %eq3A_76, %reshape3A, %broadcast_in_dim3A_78 : vector<10240x128xi1>, vector<10240x128xf32>
      %swap3A = arith.constant 0 : index
      %swap3A_80 = arith.constant 0 : index
      %swap3A_81 = vector.load %arg6[%swap3A, %swap3A_80] : memref<10240x128xf32, #tpu.memory_space<vmem>>, vector<10240x128xf32>
      tpu.vector_store %arg6[%swap3A, %swap3A_80], %select_n3A_79 {strides = array<i32>} : memref<10240x128xf32, #tpu.memory_space<vmem>>, vector<10240x128xf32>,
      %reshape3A_82 = vector.shape_cast %select_n3A_79 : vector<10240x128xf32> to vector<80x128x128xf32>
      %reduce_max3A = arith.constant dense<0xFF800000> : vector<80x128xf32>
      %reduce_max3A_83 = vector.multi_reduction <maximumf>, %reshape3A_82, %reduce_max3A [2] : vector<80x128x128xf32> to vector<80x128xf32>
      %swap3A_84 = arith.constant 0 : index
      %swap3A_85 = arith.constant 0 : index
      %swap3A_86 = vector.load %arg10[%swap3A_84, %swap3A_85] : memref<80x128xf32, #tpu.memory_space<vmem>>, vector<80x128xf32>
      tpu.vector_store %arg10[%swap3A_84, %swap3A_85], %reduce_max3A_83 {strides = array<i32>} : memref<80x128xf32, #tpu.memory_space<vmem>>, vector<80x128xf32>,
    } else {
    }
    %eq3A_17 = arith.constant 4 : i32
    %eq3A_18 = arith.cmpi eq, %arg0, %eq3A_17 : i32
    %convert_element_type3A_19 = arith.extui %eq3A_18 : i1 to i32
    %cond3A_20 = arith.constant 0 : i32
    %cond3A_21 = arith.cmpi ne, %convert_element_type3A_19, %cond3A_20 : i32
    scf.if %cond3A_21 {
      %iota3A = tpu.iota {dimensions = array<i32: 1>} : vector<1x128xi32>
      %iota3A_22 = tpu.iota {dimensions = array<i32: 1>} : vector<1x128xi32>
      %iota3A_23 = tpu.iota {dimensions = array<i32: 0>} : vector<80x128xi32>
      %mul3A = arith.constant 128 : i32
      %mul3A_24 = vector.broadcast %mul3A : i32 to vector<80x128xi32>
      %mul3A_25 = arith.muli %iota3A_23, %mul3A_24 : vector<80x128xi32>
      %iota3A_26 = tpu.iota {dimensions = array<i32: 1>} : vector<80x128xi32>
      %add3A = arith.addi %mul3A_25, %iota3A_26 : vector<80x128xi32>
      %broadcast_in_dim3A = arith.constant 0.000000e+00 : f32
      %broadcast_in_dim3A_27 = vector.broadcast %broadcast_in_dim3A : f32 to vector<1x128xf32>
      %scan3A = arith.constant 0 : i32
      %scan3A_28 = arith.constant 100 : i32
      %scan3A_29 = arith.addi %scan3A, %scan3A_28 : i32
      %scan3A_30 = arith.constant 4 : i32
      %scan3A_31:12 = scf.for %scan3A_61 = %scan3A to %scan3A_29 step %scan3A_30 iter_args(%scan3A_62 = %broadcast_in_dim3A_27, %scan3A_63 = %broadcast_in_dim3A_27, %scan3A_64 = %broadcast_in_dim3A_27, %scan3A_65 = %broadcast_in_dim3A_27, %scan3A_66 = %broadcast_in_dim3A_27, %scan3A_67 = %broadcast_in_dim3A_27, %scan3A_68 = %broadcast_in_dim3A_27, %scan3A_69 = %broadcast_in_dim3A_27, %scan3A_70 = %broadcast_in_dim3A_27, %scan3A_71 = %broadcast_in_dim3A_27, %scan3A_72 = %broadcast_in_dim3A_27, %scan3A_73 = %broadcast_in_dim3A_27) -> (vector<1x128xf32>, vector<1x128xf32>, vector<1x128xf32>, vector<1x128xf32>, vector<1x128xf32>, vector<1x128xf32>, vector<1x128xf32>, vector<1x128xf32>, vector<1x128xf32>, vector<1x128xf32>, vector<1x128xf32>, vector<1x128xf32>)  : i32 {
        %get3A = arith.constant 0 : index
        %get3A_74 = arith.constant 0 : index
        %get3A_75 = vector.load %arg7[%get3A, %get3A_74] : memref<80x128xf32, #tpu.memory_space<vmem>>, vector<80x128xf32>
        %get3A_76 = arith.constant 0 : index
        %get3A_77 = arith.constant 0 : index
        %get3A_78 = vector.load %arg8[%get3A_76, %get3A_77] : memref<80x128xf32, #tpu.memory_space<vmem>>, vector<80x128xf32>
        %get3A_79 = arith.constant 0 : index
        %get3A_80 = arith.constant 0 : index
        %get3A_81 = vector.load %arg9[%get3A_79, %get3A_80] : memref<80x128xf32, #tpu.memory_space<vmem>>, vector<80x128xf32>
        %get3A_82 = arith.constant 0 : index
        %get3A_83 = arith.constant 0 : index
        %get3A_84 = vector.load %arg10[%get3A_82, %get3A_83] : memref<80x128xf32, #tpu.memory_space<vmem>>, vector<80x128xf32>
        %reduce_max3A = vector.shape_cast %get3A_75 : vector<80x128xf32> to vector<1x80x128xf32>
        %reduce_max3A_85 = arith.constant dense<0xFF800000> : vector<1xf32>
        %reduce_max3A_86 = vector.multi_reduction <maximumf>, %reduce_max3A, %reduce_max3A_85 [1, 2] : vector<1x80x128xf32> to vector<1xf32>
        %reduce_max3A_87 = vector.shape_cast %reduce_max3A_86 : vector<1xf32> to vector<1x1x1xf32>
        %reduce_max3A_88 = vector.extract %reduce_max3A_87[0, 0, 0] : f32 from vector<1x1x1xf32>
        %reduce_max3A_89 = vector.shape_cast %get3A_78 : vector<80x128xf32> to vector<1x80x128xf32>
        %reduce_max3A_90 = arith.constant dense<0xFF800000> : vector<1xf32>
        %reduce_max3A_91 = vector.multi_reduction <maximumf>, %reduce_max3A_89, %reduce_max3A_90 [1, 2] : vector<1x80x128xf32> to vector<1xf32>
        %reduce_max3A_92 = vector.shape_cast %reduce_max3A_91 : vector<1xf32> to vector<1x1x1xf32>
        %reduce_max3A_93 = vector.extract %reduce_max3A_92[0, 0, 0] : f32 from vector<1x1x1xf32>
        %reduce_max3A_94 = vector.shape_cast %get3A_81 : vector<80x128xf32> to vector<1x80x128xf32>
        %reduce_max3A_95 = arith.constant dense<0xFF800000> : vector<1xf32>
        %reduce_max3A_96 = vector.multi_reduction <maximumf>, %reduce_max3A_94, %reduce_max3A_95 [1, 2] : vector<1x80x128xf32> to vector<1xf32>
        %reduce_max3A_97 = vector.shape_cast %reduce_max3A_96 : vector<1xf32> to vector<1x1x1xf32>
        %reduce_max3A_98 = vector.extract %reduce_max3A_97[0, 0, 0] : f32 from vector<1x1x1xf32>
        %reduce_max3A_99 = vector.shape_cast %get3A_84 : vector<80x128xf32> to vector<1x80x128xf32>
        %reduce_max3A_100 = arith.constant dense<0xFF800000> : vector<1xf32>
        %reduce_max3A_101 = vector.multi_reduction <maximumf>, %reduce_max3A_99, %reduce_max3A_100 [1, 2] : vector<1x80x128xf32> to vector<1xf32>
        %reduce_max3A_102 = vector.shape_cast %reduce_max3A_101 : vector<1xf32> to vector<1x1x1xf32>
        %reduce_max3A_103 = vector.extract %reduce_max3A_102[0, 0, 0] : f32 from vector<1x1x1xf32>
        %eq3A_104 = vector.broadcast %reduce_max3A_88 : f32 to vector<80x128xf32>
        %eq3A_105 = arith.cmpf oeq, %get3A_75, %eq3A_104 : vector<80x128xf32>
        %jit3A = arith.constant 10240 : i32
        %broadcast_in_dim3A_106 = vector.broadcast %jit3A : i32 to vector<80x128xi32>
        %select_n3A = arith.select %eq3A_105, %add3A, %broadcast_in_dim3A_106 : vector<80x128xi1>, vector<80x128xi32>
        %reduce_min3A = vector.shape_cast %select_n3A : vector<80x128xi32> to vector<1x80x128xi32>
        %reduce_min3A_107 = arith.constant dense<2147483647> : vector<1xi32>
        %reduce_min3A_108 = vector.multi_reduction <minsi>, %reduce_min3A, %reduce_min3A_107 [1, 2] : vector<1x80x128xi32> to vector<1xi32>
        %reduce_min3A_109 = vector.shape_cast %reduce_min3A_108 : vector<1xi32> to vector<1x1x1xi32>
        %reduce_min3A_110 = vector.extract %reduce_min3A_109[0, 0, 0] : i32 from vector<1x1x1xi32>
        %eq3A_111 = vector.broadcast %reduce_max3A_93 : f32 to vector<80x128xf32>
        %eq3A_112 = arith.cmpf oeq, %get3A_78, %eq3A_111 : vector<80x128xf32>
        %jit3A_113 = arith.constant 10240 : i32
        %broadcast_in_dim3A_114 = vector.broadcast %jit3A_113 : i32 to vector<80x128xi32>
        %select_n3A_115 = arith.select %eq3A_112, %add3A, %broadcast_in_dim3A_114 : vector<80x128xi1>, vector<80x128xi32>
        %reduce_min3A_116 = vector.shape_cast %select_n3A_115 : vector<80x128xi32> to vector<1x80x128xi32>
        %reduce_min3A_117 = arith.constant dense<2147483647> : vector<1xi32>
        %reduce_min3A_118 = vector.multi_reduction <minsi>, %reduce_min3A_116, %reduce_min3A_117 [1, 2] : vector<1x80x128xi32> to vector<1xi32>
        %reduce_min3A_119 = vector.shape_cast %reduce_min3A_118 : vector<1xi32> to vector<1x1x1xi32>
        %reduce_min3A_120 = vector.extract %reduce_min3A_119[0, 0, 0] : i32 from vector<1x1x1xi32>
        %eq3A_121 = vector.broadcast %reduce_max3A_98 : f32 to vector<80x128xf32>
        %eq3A_122 = arith.cmpf oeq, %get3A_81, %eq3A_121 : vector<80x128xf32>
        %jit3A_123 = arith.constant 10240 : i32
        %broadcast_in_dim3A_124 = vector.broadcast %jit3A_123 : i32 to vector<80x128xi32>
        %select_n3A_125 = arith.select %eq3A_122, %add3A, %broadcast_in_dim3A_124 : vector<80x128xi1>, vector<80x128xi32>
        %reduce_min3A_126 = vector.shape_cast %select_n3A_125 : vector<80x128xi32> to vector<1x80x128xi32>
        %reduce_min3A_127 = arith.constant dense<2147483647> : vector<1xi32>
        %reduce_min3A_128 = vector.multi_reduction <minsi>, %reduce_min3A_126, %reduce_min3A_127 [1, 2] : vector<1x80x128xi32> to vector<1xi32>
        %reduce_min3A_129 = vector.shape_cast %reduce_min3A_128 : vector<1xi32> to vector<1x1x1xi32>
        %reduce_min3A_130 = vector.extract %reduce_min3A_129[0, 0, 0] : i32 from vector<1x1x1xi32>
        %eq3A_131 = vector.broadcast %reduce_max3A_103 : f32 to vector<80x128xf32>
        %eq3A_132 = arith.cmpf oeq, %get3A_84, %eq3A_131 : vector<80x128xf32>
        %jit3A_133 = arith.constant 10240 : i32
        %broadcast_in_dim3A_134 = vector.broadcast %jit3A_133 : i32 to vector<80x128xi32>
        %select_n3A_135 = arith.select %eq3A_132, %add3A, %broadcast_in_dim3A_134 : vector<80x128xi1>, vector<80x128xi32>
        %reduce_min3A_136 = vector.shape_cast %select_n3A_135 : vector<80x128xi32> to vector<1x80x128xi32>
        %reduce_min3A_137 = arith.constant dense<2147483647> : vector<1xi32>
        %reduce_min3A_138 = vector.multi_reduction <minsi>, %reduce_min3A_136, %reduce_min3A_137 [1, 2] : vector<1x80x128xi32> to vector<1xi32>
        %reduce_min3A_139 = vector.shape_cast %reduce_min3A_138 : vector<1xi32> to vector<1x1x1xi32>
        %reduce_min3A_140 = vector.extract %reduce_min3A_139[0, 0, 0] : i32 from vector<1x1x1xi32>
        %get3A_141 = arith.index_cast %reduce_min3A_110 : i32 to index
        %get3A_142 = arith.constant 0 : index
        %get3A_143 = vector.load %arg3[%get3A_141, %get3A_142] : memref<10240x128xf32, #tpu.memory_space<vmem>>, vector<1x128xf32>
        %get3A_144 = arith.index_cast %reduce_min3A_120 : i32 to index
        %get3A_145 = arith.constant 0 : index
        %get3A_146 = vector.load %arg4[%get3A_144, %get3A_145] : memref<10240x128xf32, #tpu.memory_space<vmem>>, vector<1x128xf32>
        %get3A_147 = arith.index_cast %reduce_min3A_130 : i32 to index
        %get3A_148 = arith.constant 0 : index
        %get3A_149 = vector.load %arg5[%get3A_147, %get3A_148] : memref<10240x128xf32, #tpu.memory_space<vmem>>, vector<1x128xf32>
        %get3A_150 = arith.index_cast %reduce_min3A_140 : i32 to index
        %get3A_151 = arith.constant 0 : index
        %get3A_152 = vector.load %arg6[%get3A_150, %get3A_151] : memref<10240x128xf32, #tpu.memory_space<vmem>>, vector<1x128xf32>
        %eq3A_153 = vector.broadcast %reduce_max3A_88 : f32 to vector<1x128xf32>
        %eq3A_154 = arith.cmpf oeq, %get3A_143, %eq3A_153 : vector<1x128xf32>
        %jit3A_155 = arith.constant 128 : i32
        %broadcast_in_dim3A_156 = vector.broadcast %jit3A_155 : i32 to vector<1x128xi32>
        %select_n3A_157 = arith.select %eq3A_154, %iota3A, %broadcast_in_dim3A_156 : vector<1x128xi1>, vector<1x128xi32>
        %reduce_min3A_158 = arith.constant dense<2147483647> : vector<1xi32>
        %reduce_min3A_159 = vector.multi_reduction <minsi>, %select_n3A_157, %reduce_min3A_158 [1] : vector<1x128xi32> to vector<1xi32>
        %broadcast_in_dim3A_160 = vector.shape_cast %reduce_min3A_159 : vector<1xi32> to vector<1x1xi32>
        %eq3A_161 = vector.broadcast %reduce_max3A_93 : f32 to vector<1x128xf32>
        %eq3A_162 = arith.cmpf oeq, %get3A_146, %eq3A_161 : vector<1x128xf32>
        %jit3A_163 = arith.constant 128 : i32
        %broadcast_in_dim3A_164 = vector.broadcast %jit3A_163 : i32 to vector<1x128xi32>
        %select_n3A_165 = arith.select %eq3A_162, %iota3A, %broadcast_in_dim3A_164 : vector<1x128xi1>, vector<1x128xi32>
        %reduce_min3A_166 = arith.constant dense<2147483647> : vector<1xi32>
        %reduce_min3A_167 = vector.multi_reduction <minsi>, %select_n3A_165, %reduce_min3A_166 [1] : vector<1x128xi32> to vector<1xi32>
        %broadcast_in_dim3A_168 = vector.shape_cast %reduce_min3A_167 : vector<1xi32> to vector<1x1xi32>
        %eq3A_169 = vector.broadcast %reduce_max3A_98 : f32 to vector<1x128xf32>
        %eq3A_170 = arith.cmpf oeq, %get3A_149, %eq3A_169 : vector<1x128xf32>
        %jit3A_171 = arith.constant 128 : i32
        %broadcast_in_dim3A_172 = vector.broadcast %jit3A_171 : i32 to vector<1x128xi32>
        %select_n3A_173 = arith.select %eq3A_170, %iota3A, %broadcast_in_dim3A_172 : vector<1x128xi1>, vector<1x128xi32>
        %reduce_min3A_174 = arith.constant dense<2147483647> : vector<1xi32>
        %reduce_min3A_175 = vector.multi_reduction <minsi>, %select_n3A_173, %reduce_min3A_174 [1] : vector<1x128xi32> to vector<1xi32>
        %broadcast_in_dim3A_176 = vector.shape_cast %reduce_min3A_175 : vector<1xi32> to vector<1x1xi32>
        %eq3A_177 = vector.broadcast %reduce_max3A_103 : f32 to vector<1x128xf32>
        %eq3A_178 = arith.cmpf oeq, %get3A_152, %eq3A_177 : vector<1x128xf32>
        %jit3A_179 = arith.constant 128 : i32
        %broadcast_in_dim3A_180 = vector.broadcast %jit3A_179 : i32 to vector<1x128xi32>
        %select_n3A_181 = arith.select %eq3A_178, %iota3A, %broadcast_in_dim3A_180 : vector<1x128xi1>, vector<1x128xi32>
        %reduce_min3A_182 = arith.constant dense<2147483647> : vector<1xi32>
        %reduce_min3A_183 = vector.multi_reduction <minsi>, %select_n3A_181, %reduce_min3A_182 [1] : vector<1x128xi32> to vector<1xi32>
        %broadcast_in_dim3A_184 = vector.shape_cast %reduce_min3A_183 : vector<1xi32> to vector<1x1xi32>
        %eq3A_185 = vector.broadcast %broadcast_in_dim3A_160 : vector<1x1xi32> to vector<1x128xi32>
        %eq3A_186 = arith.cmpi eq, %iota3A, %eq3A_185 : vector<1x128xi32>
        %jit3A_187 = arith.constant -1.000000e+00 : f32
        %broadcast_in_dim3A_188 = vector.broadcast %jit3A_187 : f32 to vector<1x128xf32>
        %select_n3A_189 = arith.select %eq3A_186, %broadcast_in_dim3A_188, %get3A_143 : vector<1x128xi1>, vector<1x128xf32>
        %eq3A_190 = vector.broadcast %broadcast_in_dim3A_168 : vector<1x1xi32> to vector<1x128xi32>
        %eq3A_191 = arith.cmpi eq, %iota3A, %eq3A_190 : vector<1x128xi32>
        %jit3A_192 = arith.constant -1.000000e+00 : f32
        %broadcast_in_dim3A_193 = vector.broadcast %jit3A_192 : f32 to vector<1x128xf32>
        %select_n3A_194 = arith.select %eq3A_191, %broadcast_in_dim3A_193, %get3A_146 : vector<1x128xi1>, vector<1x128xf32>
        %eq3A_195 = vector.broadcast %broadcast_in_dim3A_176 : vector<1x1xi32> to vector<1x128xi32>
        %eq3A_196 = arith.cmpi eq, %iota3A, %eq3A_195 : vector<1x128xi32>
        %jit3A_197 = arith.constant -1.000000e+00 : f32
        %broadcast_in_dim3A_198 = vector.broadcast %jit3A_197 : f32 to vector<1x128xf32>
        %select_n3A_199 = arith.select %eq3A_196, %broadcast_in_dim3A_198, %get3A_149 : vector<1x128xi1>, vector<1x128xf32>
        %eq3A_200 = vector.broadcast %broadcast_in_dim3A_184 : vector<1x1xi32> to vector<1x128xi32>
        %eq3A_201 = arith.cmpi eq, %iota3A, %eq3A_200 : vector<1x128xi32>
        %jit3A_202 = arith.constant -1.000000e+00 : f32
        %broadcast_in_dim3A_203 = vector.broadcast %jit3A_202 : f32 to vector<1x128xf32>
        %select_n3A_204 = arith.select %eq3A_201, %broadcast_in_dim3A_203, %get3A_152 : vector<1x128xi1>, vector<1x128xf32>
        %swap3A_205 = arith.index_cast %reduce_min3A_110 : i32 to index
        %swap3A_206 = arith.constant 0 : index
        %swap3A_207 = vector.load %arg3[%swap3A_205, %swap3A_206] : memref<10240x128xf32, #tpu.memory_space<vmem>>, vector<1x128xf32>
        tpu.vector_store %arg3[%swap3A_205, %swap3A_206], %select_n3A_189 {strides = array<i32>} : memref<10240x128xf32, #tpu.memory_space<vmem>>, vector<1x128xf32>,
        %swap3A_208 = arith.index_cast %reduce_min3A_120 : i32 to index
        %swap3A_209 = arith.constant 0 : index
        %swap3A_210 = vector.load %arg4[%swap3A_208, %swap3A_209] : memref<10240x128xf32, #tpu.memory_space<vmem>>, vector<1x128xf32>
        tpu.vector_store %arg4[%swap3A_208, %swap3A_209], %select_n3A_194 {strides = array<i32>} : memref<10240x128xf32, #tpu.memory_space<vmem>>, vector<1x128xf32>,
        %swap3A_211 = arith.index_cast %reduce_min3A_130 : i32 to index
        %swap3A_212 = arith.constant 0 : index
        %swap3A_213 = vector.load %arg5[%swap3A_211, %swap3A_212] : memref<10240x128xf32, #tpu.memory_space<vmem>>, vector<1x128xf32>
        tpu.vector_store %arg5[%swap3A_211, %swap3A_212], %select_n3A_199 {strides = array<i32>} : memref<10240x128xf32, #tpu.memory_space<vmem>>, vector<1x128xf32>,
        %swap3A_214 = arith.index_cast %reduce_min3A_140 : i32 to index
        %swap3A_215 = arith.constant 0 : index
        %swap3A_216 = vector.load %arg6[%swap3A_214, %swap3A_215] : memref<10240x128xf32, #tpu.memory_space<vmem>>, vector<1x128xf32>
        tpu.vector_store %arg6[%swap3A_214, %swap3A_215], %select_n3A_204 {strides = array<i32>} : memref<10240x128xf32, #tpu.memory_space<vmem>>, vector<1x128xf32>,
        %reduce_max3A_217 = arith.constant dense<0xFF800000> : vector<1xf32>
        %reduce_max3A_218 = vector.multi_reduction <maximumf>, %select_n3A_189, %reduce_max3A_217 [1] : vector<1x128xf32> to vector<1xf32>
        %broadcast_in_dim3A_219 = vector.shape_cast %reduce_max3A_218 : vector<1xf32> to vector<1x1xf32>
        %reduce_max3A_220 = arith.constant dense<0xFF800000> : vector<1xf32>
        %reduce_max3A_221 = vector.multi_reduction <maximumf>, %select_n3A_194, %reduce_max3A_220 [1] : vector<1x128xf32> to vector<1xf32>
        %broadcast_in_dim3A_222 = vector.shape_cast %reduce_max3A_221 : vector<1xf32> to vector<1x1xf32>
        %reduce_max3A_223 = arith.constant dense<0xFF800000> : vector<1xf32>
        %reduce_max3A_224 = vector.multi_reduction <maximumf>, %select_n3A_199, %reduce_max3A_223 [1] : vector<1x128xf32> to vector<1xf32>
        %broadcast_in_dim3A_225 = vector.shape_cast %reduce_max3A_224 : vector<1xf32> to vector<1x1xf32>
        %reduce_max3A_226 = arith.constant dense<0xFF800000> : vector<1xf32>
        %reduce_max3A_227 = vector.multi_reduction <maximumf>, %select_n3A_204, %reduce_max3A_226 [1] : vector<1x128xf32> to vector<1xf32>
        %broadcast_in_dim3A_228 = vector.shape_cast %reduce_max3A_227 : vector<1xf32> to vector<1x1xf32>
        %jit3A_229 = arith.constant 128 : i32
        %div3A = arith.divsi %reduce_min3A_110, %jit3A_229 : i32
        %sign3A = arith.constant 0 : i32
        %sign3A_230 = arith.cmpi sgt, %reduce_min3A_110, %sign3A : i32
        %sign3A_231 = arith.extui %sign3A_230 : i1 to i32
        %sign3A_232 = arith.constant 0 : i32
        %sign3A_233 = arith.cmpi slt, %reduce_min3A_110, %sign3A_232 : i32
        %sign3A_234 = arith.extui %sign3A_233 : i1 to i32
        %sign3A_235 = arith.subi %sign3A_231, %sign3A_234 : i32
        %sign3A_236 = arith.constant 0 : i32
        %sign3A_237 = arith.cmpi sgt, %jit3A_229, %sign3A_236 : i32
        %sign3A_238 = arith.extui %sign3A_237 : i1 to i32
        %sign3A_239 = arith.constant 0 : i32
        %sign3A_240 = arith.cmpi slt, %jit3A_229, %sign3A_239 : i32
        %sign3A_241 = arith.extui %sign3A_240 : i1 to i32
        %sign3A_242 = arith.subi %sign3A_238, %sign3A_241 : i32
        %ne3A = arith.cmpi ne, %sign3A_235, %sign3A_242 : i32
        %rem3A = arith.remsi %reduce_min3A_110, %jit3A_229 : i32
        %ne3A_243 = arith.constant 0 : i32
        %ne3A_244 = arith.cmpi ne, %rem3A, %ne3A_243 : i32
        %and3A = arith.andi %ne3A, %ne3A_244 : i1
        %sub3A = arith.constant 1 : i32
        %sub3A_245 = arith.subi %div3A, %sub3A : i32
        %select_n3A_246 = arith.select %and3A, %sub3A_245, %div3A : i32
        %jit3A_247 = arith.constant 128 : i32
        %div3A_248 = arith.divsi %reduce_min3A_120, %jit3A_247 : i32
        %sign3A_249 = arith.constant 0 : i32
        %sign3A_250 = arith.cmpi sgt, %reduce_min3A_120, %sign3A_249 : i32
        %sign3A_251 = arith.extui %sign3A_250 : i1 to i32
        %sign3A_252 = arith.constant 0 : i32
        %sign3A_253 = arith.cmpi slt, %reduce_min3A_120, %sign3A_252 : i32
        %sign3A_254 = arith.extui %sign3A_253 : i1 to i32
        %sign3A_255 = arith.subi %sign3A_251, %sign3A_254 : i32
        %sign3A_256 = arith.constant 0 : i32
        %sign3A_257 = arith.cmpi sgt, %jit3A_247, %sign3A_256 : i32
        %sign3A_258 = arith.extui %sign3A_257 : i1 to i32
        %sign3A_259 = arith.constant 0 : i32
        %sign3A_260 = arith.cmpi slt, %jit3A_247, %sign3A_259 : i32
        %sign3A_261 = arith.extui %sign3A_260 : i1 to i32
        %sign3A_262 = arith.subi %sign3A_258, %sign3A_261 : i32
        %ne3A_263 = arith.cmpi ne, %sign3A_255, %sign3A_262 : i32
        %rem3A_264 = arith.remsi %reduce_min3A_120, %jit3A_247 : i32
        %ne3A_265 = arith.constant 0 : i32
        %ne3A_266 = arith.cmpi ne, %rem3A_264, %ne3A_265 : i32
        %and3A_267 = arith.andi %ne3A_263, %ne3A_266 : i1
        %sub3A_268 = arith.constant 1 : i32
        %sub3A_269 = arith.subi %div3A_248, %sub3A_268 : i32
        %select_n3A_270 = arith.select %and3A_267, %sub3A_269, %div3A_248 : i32
        %jit3A_271 = arith.constant 128 : i32
        %div3A_272 = arith.divsi %reduce_min3A_130, %jit3A_271 : i32
        %sign3A_273 = arith.constant 0 : i32
        %sign3A_274 = arith.cmpi sgt, %reduce_min3A_130, %sign3A_273 : i32
        %sign3A_275 = arith.extui %sign3A_274 : i1 to i32
        %sign3A_276 = arith.constant 0 : i32
        %sign3A_277 = arith.cmpi slt, %reduce_min3A_130, %sign3A_276 : i32
        %sign3A_278 = arith.extui %sign3A_277 : i1 to i32
        %sign3A_279 = arith.subi %sign3A_275, %sign3A_278 : i32
        %sign3A_280 = arith.constant 0 : i32
        %sign3A_281 = arith.cmpi sgt, %jit3A_271, %sign3A_280 : i32
        %sign3A_282 = arith.extui %sign3A_281 : i1 to i32
        %sign3A_283 = arith.constant 0 : i32
        %sign3A_284 = arith.cmpi slt, %jit3A_271, %sign3A_283 : i32
        %sign3A_285 = arith.extui %sign3A_284 : i1 to i32
        %sign3A_286 = arith.subi %sign3A_282, %sign3A_285 : i32
        %ne3A_287 = arith.cmpi ne, %sign3A_279, %sign3A_286 : i32
        %rem3A_288 = arith.remsi %reduce_min3A_130, %jit3A_271 : i32
        %ne3A_289 = arith.constant 0 : i32
        %ne3A_290 = arith.cmpi ne, %rem3A_288, %ne3A_289 : i32
        %and3A_291 = arith.andi %ne3A_287, %ne3A_290 : i1
        %sub3A_292 = arith.constant 1 : i32
        %sub3A_293 = arith.subi %div3A_272, %sub3A_292 : i32
        %select_n3A_294 = arith.select %and3A_291, %sub3A_293, %div3A_272 : i32
        %jit3A_295 = arith.constant 128 : i32
        %div3A_296 = arith.divsi %reduce_min3A_140, %jit3A_295 : i32
        %sign3A_297 = arith.constant 0 : i32
        %sign3A_298 = arith.cmpi sgt, %reduce_min3A_140, %sign3A_297 : i32
        %sign3A_299 = arith.extui %sign3A_298 : i1 to i32
        %sign3A_300 = arith.constant 0 : i32
        %sign3A_301 = arith.cmpi slt, %reduce_min3A_140, %sign3A_300 : i32
        %sign3A_302 = arith.extui %sign3A_301 : i1 to i32
        %sign3A_303 = arith.subi %sign3A_299, %sign3A_302 : i32
        %sign3A_304 = arith.constant 0 : i32
        %sign3A_305 = arith.cmpi sgt, %jit3A_295, %sign3A_304 : i32
        %sign3A_306 = arith.extui %sign3A_305 : i1 to i32
        %sign3A_307 = arith.constant 0 : i32
        %sign3A_308 = arith.cmpi slt, %jit3A_295, %sign3A_307 : i32
        %sign3A_309 = arith.extui %sign3A_308 : i1 to i32
        %sign3A_310 = arith.subi %sign3A_306, %sign3A_309 : i32
        %ne3A_311 = arith.cmpi ne, %sign3A_303, %sign3A_310 : i32
        %rem3A_312 = arith.remsi %reduce_min3A_140, %jit3A_295 : i32
        %ne3A_313 = arith.constant 0 : i32
        %ne3A_314 = arith.cmpi ne, %rem3A_312, %ne3A_313 : i32
        %and3A_315 = arith.andi %ne3A_311, %ne3A_314 : i1
        %sub3A_316 = arith.constant 1 : i32
        %sub3A_317 = arith.subi %div3A_296, %sub3A_316 : i32
        %select_n3A_318 = arith.select %and3A_315, %sub3A_317, %div3A_296 : i32
        %mul3A_319 = arith.constant 128 : i32
        %mul3A_320 = arith.muli %select_n3A_246, %mul3A_319 : i32
        %sub3A_321 = arith.subi %reduce_min3A_110, %mul3A_320 : i32
        %mul3A_322 = arith.constant 128 : i32
        %mul3A_323 = arith.muli %select_n3A_270, %mul3A_322 : i32
        %sub3A_324 = arith.subi %reduce_min3A_120, %mul3A_323 : i32
        %mul3A_325 = arith.constant 128 : i32
        %mul3A_326 = arith.muli %select_n3A_294, %mul3A_325 : i32
        %sub3A_327 = arith.subi %reduce_min3A_130, %mul3A_326 : i32
        %mul3A_328 = arith.constant 128 : i32
        %mul3A_329 = arith.muli %select_n3A_318, %mul3A_328 : i32
        %sub3A_330 = arith.subi %reduce_min3A_140, %mul3A_329 : i32
        %get3A_331 = arith.index_cast %select_n3A_246 : i32 to index
        %get3A_332 = arith.constant 0 : index
        %get3A_333 = vector.load %arg7[%get3A_331, %get3A_332] : memref<80x128xf32, #tpu.memory_space<vmem>>, vector<1x128xf32>
        %get3A_334 = arith.index_cast %select_n3A_270 : i32 to index
        %get3A_335 = arith.constant 0 : index
        %get3A_336 = vector.load %arg8[%get3A_334, %get3A_335] : memref<80x128xf32, #tpu.memory_space<vmem>>, vector<1x128xf32>
        %get3A_337 = arith.index_cast %select_n3A_294 : i32 to index
        %get3A_338 = arith.constant 0 : index
        %get3A_339 = vector.load %arg9[%get3A_337, %get3A_338] : memref<80x128xf32, #tpu.memory_space<vmem>>, vector<1x128xf32>
        %get3A_340 = arith.index_cast %select_n3A_318 : i32 to index
        %get3A_341 = arith.constant 0 : index
        %get3A_342 = vector.load %arg10[%get3A_340, %get3A_341] : memref<80x128xf32, #tpu.memory_space<vmem>>, vector<1x128xf32>
        %eq3A_343 = vector.broadcast %sub3A_321 : i32 to vector<1x128xi32>
        %eq3A_344 = arith.cmpi eq, %iota3A_22, %eq3A_343 : vector<1x128xi32>
        %broadcast_in_dim3A_345 = vector.shape_cast %broadcast_in_dim3A_219 : vector<1x1xf32> to vector<1x1xf32>
        %broadcast_in_dim3A_346 = vector.broadcast %broadcast_in_dim3A_345 : vector<1x1xf32> to vector<1x128xf32>
        %select_n3A_347 = arith.select %eq3A_344, %broadcast_in_dim3A_346, %get3A_333 : vector<1x128xi1>, vector<1x128xf32>
        %swap3A_348 = arith.index_cast %select_n3A_246 : i32 to index
        %swap3A_349 = arith.constant 0 : index
        %swap3A_350 = vector.load %arg7[%swap3A_348, %swap3A_349] : memref<80x128xf32, #tpu.memory_space<vmem>>, vector<1x128xf32>
        tpu.vector_store %arg7[%swap3A_348, %swap3A_349], %select_n3A_347 {strides = array<i32>} : memref<80x128xf32, #tpu.memory_space<vmem>>, vector<1x128xf32>,
        %eq3A_351 = vector.broadcast %sub3A_324 : i32 to vector<1x128xi32>
        %eq3A_352 = arith.cmpi eq, %iota3A_22, %eq3A_351 : vector<1x128xi32>
        %broadcast_in_dim3A_353 = vector.shape_cast %broadcast_in_dim3A_222 : vector<1x1xf32> to vector<1x1xf32>
        %broadcast_in_dim3A_354 = vector.broadcast %broadcast_in_dim3A_353 : vector<1x1xf32> to vector<1x128xf32>
        %select_n3A_355 = arith.select %eq3A_352, %broadcast_in_dim3A_354, %get3A_336 : vector<1x128xi1>, vector<1x128xf32>
        %swap3A_356 = arith.index_cast %select_n3A_270 : i32 to index
        %swap3A_357 = arith.constant 0 : index
        %swap3A_358 = vector.load %arg8[%swap3A_356, %swap3A_357] : memref<80x128xf32, #tpu.memory_space<vmem>>, vector<1x128xf32>
        tpu.vector_store %arg8[%swap3A_356, %swap3A_357], %select_n3A_355 {strides = array<i32>} : memref<80x128xf32, #tpu.memory_space<vmem>>, vector<1x128xf32>,
        %eq3A_359 = vector.broadcast %sub3A_327 : i32 to vector<1x128xi32>
        %eq3A_360 = arith.cmpi eq, %iota3A_22, %eq3A_359 : vector<1x128xi32>
        %broadcast_in_dim3A_361 = vector.shape_cast %broadcast_in_dim3A_225 : vector<1x1xf32> to vector<1x1xf32>
        %broadcast_in_dim3A_362 = vector.broadcast %broadcast_in_dim3A_361 : vector<1x1xf32> to vector<1x128xf32>
        %select_n3A_363 = arith.select %eq3A_360, %broadcast_in_dim3A_362, %get3A_339 : vector<1x128xi1>, vector<1x128xf32>
        %swap3A_364 = arith.index_cast %select_n3A_294 : i32 to index
        %swap3A_365 = arith.constant 0 : index
        %swap3A_366 = vector.load %arg9[%swap3A_364, %swap3A_365] : memref<80x128xf32, #tpu.memory_space<vmem>>, vector<1x128xf32>
        tpu.vector_store %arg9[%swap3A_364, %swap3A_365], %select_n3A_363 {strides = array<i32>} : memref<80x128xf32, #tpu.memory_space<vmem>>, vector<1x128xf32>,
        %eq3A_367 = vector.broadcast %sub3A_330 : i32 to vector<1x128xi32>
        %eq3A_368 = arith.cmpi eq, %iota3A_22, %eq3A_367 : vector<1x128xi32>
        %broadcast_in_dim3A_369 = vector.shape_cast %broadcast_in_dim3A_228 : vector<1x1xf32> to vector<1x1xf32>
        %broadcast_in_dim3A_370 = vector.broadcast %broadcast_in_dim3A_369 : vector<1x1xf32> to vector<1x128xf32>
        %select_n3A_371 = arith.select %eq3A_368, %broadcast_in_dim3A_370, %get3A_342 : vector<1x128xi1>, vector<1x128xf32>
        %swap3A_372 = arith.index_cast %select_n3A_318 : i32 to index
        %swap3A_373 = arith.constant 0 : index
        %swap3A_374 = vector.load %arg10[%swap3A_372, %swap3A_373] : memref<80x128xf32, #tpu.memory_space<vmem>>, vector<1x128xf32>
        tpu.vector_store %arg10[%swap3A_372, %swap3A_373], %select_n3A_371 {strides = array<i32>} : memref<80x128xf32, #tpu.memory_space<vmem>>, vector<1x128xf32>,
        %eq3A_375 = vector.broadcast %scan3A_61 : i32 to vector<1x128xi32>
        %eq3A_376 = arith.cmpi eq, %iota3A, %eq3A_375 : vector<1x128xi32>
        %broadcast_in_dim3A_377 = vector.broadcast %reduce_max3A_88 : f32 to vector<1x128xf32>
        %select_n3A_378 = arith.select %eq3A_376, %broadcast_in_dim3A_377, %scan3A_62 : vector<1x128xi1>, vector<1x128xf32>
        %convert_element_type3A_379 = arith.sitofp %reduce_min3A_110 : i32 to f32
        %broadcast_in_dim3A_380 = vector.broadcast %convert_element_type3A_379 : f32 to vector<1x128xf32>
        %select_n3A_381 = arith.select %eq3A_376, %broadcast_in_dim3A_380, %scan3A_63 : vector<1x128xi1>, vector<1x128xf32>
        %convert_element_type3A_382 = arith.sitofp %broadcast_in_dim3A_160 : vector<1x1xi32> to vector<1x1xf32>
        %broadcast_in_dim3A_383 = vector.shape_cast %convert_element_type3A_382 : vector<1x1xf32> to vector<1x1xf32>
        %broadcast_in_dim3A_384 = vector.broadcast %broadcast_in_dim3A_383 : vector<1x1xf32> to vector<1x128xf32>
        %select_n3A_385 = arith.select %eq3A_376, %broadcast_in_dim3A_384, %scan3A_64 : vector<1x128xi1>, vector<1x128xf32>
        %broadcast_in_dim3A_386 = vector.broadcast %reduce_max3A_93 : f32 to vector<1x128xf32>
        %select_n3A_387 = arith.select %eq3A_376, %broadcast_in_dim3A_386, %scan3A_65 : vector<1x128xi1>, vector<1x128xf32>
        %convert_element_type3A_388 = arith.sitofp %reduce_min3A_120 : i32 to f32
        %broadcast_in_dim3A_389 = vector.broadcast %convert_element_type3A_388 : f32 to vector<1x128xf32>
        %select_n3A_390 = arith.select %eq3A_376, %broadcast_in_dim3A_389, %scan3A_66 : vector<1x128xi1>, vector<1x128xf32>
        %convert_element_type3A_391 = arith.sitofp %broadcast_in_dim3A_168 : vector<1x1xi32> to vector<1x1xf32>
        %broadcast_in_dim3A_392 = vector.shape_cast %convert_element_type3A_391 : vector<1x1xf32> to vector<1x1xf32>
        %broadcast_in_dim3A_393 = vector.broadcast %broadcast_in_dim3A_392 : vector<1x1xf32> to vector<1x128xf32>
        %select_n3A_394 = arith.select %eq3A_376, %broadcast_in_dim3A_393, %scan3A_67 : vector<1x128xi1>, vector<1x128xf32>
        %broadcast_in_dim3A_395 = vector.broadcast %reduce_max3A_98 : f32 to vector<1x128xf32>
        %select_n3A_396 = arith.select %eq3A_376, %broadcast_in_dim3A_395, %scan3A_68 : vector<1x128xi1>, vector<1x128xf32>
        %convert_element_type3A_397 = arith.sitofp %reduce_min3A_130 : i32 to f32
        %broadcast_in_dim3A_398 = vector.broadcast %convert_element_type3A_397 : f32 to vector<1x128xf32>
        %select_n3A_399 = arith.select %eq3A_376, %broadcast_in_dim3A_398, %scan3A_69 : vector<1x128xi1>, vector<1x128xf32>
        %convert_element_type3A_400 = arith.sitofp %broadcast_in_dim3A_176 : vector<1x1xi32> to vector<1x1xf32>
        %broadcast_in_dim3A_401 = vector.shape_cast %convert_element_type3A_400 : vector<1x1xf32> to vector<1x1xf32>
        %broadcast_in_dim3A_402 = vector.broadcast %broadcast_in_dim3A_401 : vector<1x1xf32> to vector<1x128xf32>
        %select_n3A_403 = arith.select %eq3A_376, %broadcast_in_dim3A_402, %scan3A_70 : vector<1x128xi1>, vector<1x128xf32>
        %broadcast_in_dim3A_404 = vector.broadcast %reduce_max3A_103 : f32 to vector<1x128xf32>
        %select_n3A_405 = arith.select %eq3A_376, %broadcast_in_dim3A_404, %scan3A_71 : vector<1x128xi1>, vector<1x128xf32>
        %convert_element_type3A_406 = arith.sitofp %reduce_min3A_140 : i32 to f32
        %broadcast_in_dim3A_407 = vector.broadcast %convert_element_type3A_406 : f32 to vector<1x128xf32>
        %select_n3A_408 = arith.select %eq3A_376, %broadcast_in_dim3A_407, %scan3A_72 : vector<1x128xi1>, vector<1x128xf32>
        %convert_element_type3A_409 = arith.sitofp %broadcast_in_dim3A_184 : vector<1x1xi32> to vector<1x1xf32>
        %broadcast_in_dim3A_410 = vector.shape_cast %convert_element_type3A_409 : vector<1x1xf32> to vector<1x1xf32>
        %broadcast_in_dim3A_411 = vector.broadcast %broadcast_in_dim3A_410 : vector<1x1xf32> to vector<1x128xf32>
        %select_n3A_412 = arith.select %eq3A_376, %broadcast_in_dim3A_411, %scan3A_73 : vector<1x128xi1>, vector<1x128xf32>
        %scan3A_413 = arith.constant 1 : i32
        %scan3A_414 = arith.addi %scan3A_61, %scan3A_413 : i32
        %get3A_415 = arith.constant 0 : index
        %get3A_416 = arith.constant 0 : index
        %get3A_417 = vector.load %arg7[%get3A_415, %get3A_416] : memref<80x128xf32, #tpu.memory_space<vmem>>, vector<80x128xf32>
        %get3A_418 = arith.constant 0 : index
        %get3A_419 = arith.constant 0 : index
        %get3A_420 = vector.load %arg8[%get3A_418, %get3A_419] : memref<80x128xf32, #tpu.memory_space<vmem>>, vector<80x128xf32>
        %get3A_421 = arith.constant 0 : index
        %get3A_422 = arith.constant 0 : index
        %get3A_423 = vector.load %arg9[%get3A_421, %get3A_422] : memref<80x128xf32, #tpu.memory_space<vmem>>, vector<80x128xf32>
        %get3A_424 = arith.constant 0 : index
        %get3A_425 = arith.constant 0 : index
        %get3A_426 = vector.load %arg10[%get3A_424, %get3A_425] : memref<80x128xf32, #tpu.memory_space<vmem>>, vector<80x128xf32>
        %reduce_max3A_427 = vector.shape_cast %get3A_417 : vector<80x128xf32> to vector<1x80x128xf32>
        %reduce_max3A_428 = arith.constant dense<0xFF800000> : vector<1xf32>
        %reduce_max3A_429 = vector.multi_reduction <maximumf>, %reduce_max3A_427, %reduce_max3A_428 [1, 2] : vector<1x80x128xf32> to vector<1xf32>
        %reduce_max3A_430 = vector.shape_cast %reduce_max3A_429 : vector<1xf32> to vector<1x1x1xf32>
        %reduce_max3A_431 = vector.extract %reduce_max3A_430[0, 0, 0] : f32 from vector<1x1x1xf32>
        %reduce_max3A_432 = vector.shape_cast %get3A_420 : vector<80x128xf32> to vector<1x80x128xf32>
        %reduce_max3A_433 = arith.constant dense<0xFF800000> : vector<1xf32>
        %reduce_max3A_434 = vector.multi_reduction <maximumf>, %reduce_max3A_432, %reduce_max3A_433 [1, 2] : vector<1x80x128xf32> to vector<1xf32>
        %reduce_max3A_435 = vector.shape_cast %reduce_max3A_434 : vector<1xf32> to vector<1x1x1xf32>
        %reduce_max3A_436 = vector.extract %reduce_max3A_435[0, 0, 0] : f32 from vector<1x1x1xf32>
        %reduce_max3A_437 = vector.shape_cast %get3A_423 : vector<80x128xf32> to vector<1x80x128xf32>
        %reduce_max3A_438 = arith.constant dense<0xFF800000> : vector<1xf32>
        %reduce_max3A_439 = vector.multi_reduction <maximumf>, %reduce_max3A_437, %reduce_max3A_438 [1, 2] : vector<1x80x128xf32> to vector<1xf32>
        %reduce_max3A_440 = vector.shape_cast %reduce_max3A_439 : vector<1xf32> to vector<1x1x1xf32>
        %reduce_max3A_441 = vector.extract %reduce_max3A_440[0, 0, 0] : f32 from vector<1x1x1xf32>
        %reduce_max3A_442 = vector.shape_cast %get3A_426 : vector<80x128xf32> to vector<1x80x128xf32>
        %reduce_max3A_443 = arith.constant dense<0xFF800000> : vector<1xf32>
        %reduce_max3A_444 = vector.multi_reduction <maximumf>, %reduce_max3A_442, %reduce_max3A_443 [1, 2] : vector<1x80x128xf32> to vector<1xf32>
        %reduce_max3A_445 = vector.shape_cast %reduce_max3A_444 : vector<1xf32> to vector<1x1x1xf32>
        %reduce_max3A_446 = vector.extract %reduce_max3A_445[0, 0, 0] : f32 from vector<1x1x1xf32>
        %eq3A_447 = vector.broadcast %reduce_max3A_431 : f32 to vector<80x128xf32>
        %eq3A_448 = arith.cmpf oeq, %get3A_417, %eq3A_447 : vector<80x128xf32>
        %jit3A_449 = arith.constant 10240 : i32
        %broadcast_in_dim3A_450 = vector.broadcast %jit3A_449 : i32 to vector<80x128xi32>
        %select_n3A_451 = arith.select %eq3A_448, %add3A, %broadcast_in_dim3A_450 : vector<80x128xi1>, vector<80x128xi32>
        %reduce_min3A_452 = vector.shape_cast %select_n3A_451 : vector<80x128xi32> to vector<1x80x128xi32>
        %reduce_min3A_453 = arith.constant dense<2147483647> : vector<1xi32>
        %reduce_min3A_454 = vector.multi_reduction <minsi>, %reduce_min3A_452, %reduce_min3A_453 [1, 2] : vector<1x80x128xi32> to vector<1xi32>
        %reduce_min3A_455 = vector.shape_cast %reduce_min3A_454 : vector<1xi32> to vector<1x1x1xi32>
        %reduce_min3A_456 = vector.extract %reduce_min3A_455[0, 0, 0] : i32 from vector<1x1x1xi32>
        %eq3A_457 = vector.broadcast %reduce_max3A_436 : f32 to vector<80x128xf32>
        %eq3A_458 = arith.cmpf oeq, %get3A_420, %eq3A_457 : vector<80x128xf32>
        %jit3A_459 = arith.constant 10240 : i32
        %broadcast_in_dim3A_460 = vector.broadcast %jit3A_459 : i32 to vector<80x128xi32>
        %select_n3A_461 = arith.select %eq3A_458, %add3A, %broadcast_in_dim3A_460 : vector<80x128xi1>, vector<80x128xi32>
        %reduce_min3A_462 = vector.shape_cast %select_n3A_461 : vector<80x128xi32> to vector<1x80x128xi32>
        %reduce_min3A_463 = arith.constant dense<2147483647> : vector<1xi32>
        %reduce_min3A_464 = vector.multi_reduction <minsi>, %reduce_min3A_462, %reduce_min3A_463 [1, 2] : vector<1x80x128xi32> to vector<1xi32>
        %reduce_min3A_465 = vector.shape_cast %reduce_min3A_464 : vector<1xi32> to vector<1x1x1xi32>
        %reduce_min3A_466 = vector.extract %reduce_min3A_465[0, 0, 0] : i32 from vector<1x1x1xi32>
        %eq3A_467 = vector.broadcast %reduce_max3A_441 : f32 to vector<80x128xf32>
        %eq3A_468 = arith.cmpf oeq, %get3A_423, %eq3A_467 : vector<80x128xf32>
        %jit3A_469 = arith.constant 10240 : i32
        %broadcast_in_dim3A_470 = vector.broadcast %jit3A_469 : i32 to vector<80x128xi32>
        %select_n3A_471 = arith.select %eq3A_468, %add3A, %broadcast_in_dim3A_470 : vector<80x128xi1>, vector<80x128xi32>
        %reduce_min3A_472 = vector.shape_cast %select_n3A_471 : vector<80x128xi32> to vector<1x80x128xi32>
        %reduce_min3A_473 = arith.constant dense<2147483647> : vector<1xi32>
        %reduce_min3A_474 = vector.multi_reduction <minsi>, %reduce_min3A_472, %reduce_min3A_473 [1, 2] : vector<1x80x128xi32> to vector<1xi32>
        %reduce_min3A_475 = vector.shape_cast %reduce_min3A_474 : vector<1xi32> to vector<1x1x1xi32>
        %reduce_min3A_476 = vector.extract %reduce_min3A_475[0, 0, 0] : i32 from vector<1x1x1xi32>
        %eq3A_477 = vector.broadcast %reduce_max3A_446 : f32 to vector<80x128xf32>
        %eq3A_478 = arith.cmpf oeq, %get3A_426, %eq3A_477 : vector<80x128xf32>
        %jit3A_479 = arith.constant 10240 : i32
        %broadcast_in_dim3A_480 = vector.broadcast %jit3A_479 : i32 to vector<80x128xi32>
        %select_n3A_481 = arith.select %eq3A_478, %add3A, %broadcast_in_dim3A_480 : vector<80x128xi1>, vector<80x128xi32>
        %reduce_min3A_482 = vector.shape_cast %select_n3A_481 : vector<80x128xi32> to vector<1x80x128xi32>
        %reduce_min3A_483 = arith.constant dense<2147483647> : vector<1xi32>
        %reduce_min3A_484 = vector.multi_reduction <minsi>, %reduce_min3A_482, %reduce_min3A_483 [1, 2] : vector<1x80x128xi32> to vector<1xi32>
        %reduce_min3A_485 = vector.shape_cast %reduce_min3A_484 : vector<1xi32> to vector<1x1x1xi32>
        %reduce_min3A_486 = vector.extract %reduce_min3A_485[0, 0, 0] : i32 from vector<1x1x1xi32>
        %get3A_487 = arith.index_cast %reduce_min3A_456 : i32 to index
        %get3A_488 = arith.constant 0 : index
        %get3A_489 = vector.load %arg3[%get3A_487, %get3A_488] : memref<10240x128xf32, #tpu.memory_space<vmem>>, vector<1x128xf32>
        %get3A_490 = arith.index_cast %reduce_min3A_466 : i32 to index
        %get3A_491 = arith.constant 0 : index
        %get3A_492 = vector.load %arg4[%get3A_490, %get3A_491] : memref<10240x128xf32, #tpu.memory_space<vmem>>, vector<1x128xf32>
        %get3A_493 = arith.index_cast %reduce_min3A_476 : i32 to index
        %get3A_494 = arith.constant 0 : index
        %get3A_495 = vector.load %arg5[%get3A_493, %get3A_494] : memref<10240x128xf32, #tpu.memory_space<vmem>>, vector<1x128xf32>
        %get3A_496 = arith.index_cast %reduce_min3A_486 : i32 to index
        %get3A_497 = arith.constant 0 : index
        %get3A_498 = vector.load %arg6[%get3A_496, %get3A_497] : memref<10240x128xf32, #tpu.memory_space<vmem>>, vector<1x128xf32>
        %eq3A_499 = vector.broadcast %reduce_max3A_431 : f32 to vector<1x128xf32>
        %eq3A_500 = arith.cmpf oeq, %get3A_489, %eq3A_499 : vector<1x128xf32>
        %jit3A_501 = arith.constant 128 : i32
        %broadcast_in_dim3A_502 = vector.broadcast %jit3A_501 : i32 to vector<1x128xi32>
        %select_n3A_503 = arith.select %eq3A_500, %iota3A, %broadcast_in_dim3A_502 : vector<1x128xi1>, vector<1x128xi32>
        %reduce_min3A_504 = arith.constant dense<2147483647> : vector<1xi32>
        %reduce_min3A_505 = vector.multi_reduction <minsi>, %select_n3A_503, %reduce_min3A_504 [1] : vector<1x128xi32> to vector<1xi32>
        %broadcast_in_dim3A_506 = vector.shape_cast %reduce_min3A_505 : vector<1xi32> to vector<1x1xi32>
        %eq3A_507 = vector.broadcast %reduce_max3A_436 : f32 to vector<1x128xf32>
        %eq3A_508 = arith.cmpf oeq, %get3A_492, %eq3A_507 : vector<1x128xf32>
        %jit3A_509 = arith.constant 128 : i32
        %broadcast_in_dim3A_510 = vector.broadcast %jit3A_509 : i32 to vector<1x128xi32>
        %select_n3A_511 = arith.select %eq3A_508, %iota3A, %broadcast_in_dim3A_510 : vector<1x128xi1>, vector<1x128xi32>
        %reduce_min3A_512 = arith.constant dense<2147483647> : vector<1xi32>
        %reduce_min3A_513 = vector.multi_reduction <minsi>, %select_n3A_511, %reduce_min3A_512 [1] : vector<1x128xi32> to vector<1xi32>
        %broadcast_in_dim3A_514 = vector.shape_cast %reduce_min3A_513 : vector<1xi32> to vector<1x1xi32>
        %eq3A_515 = vector.broadcast %reduce_max3A_441 : f32 to vector<1x128xf32>
        %eq3A_516 = arith.cmpf oeq, %get3A_495, %eq3A_515 : vector<1x128xf32>
        %jit3A_517 = arith.constant 128 : i32
        %broadcast_in_dim3A_518 = vector.broadcast %jit3A_517 : i32 to vector<1x128xi32>
        %select_n3A_519 = arith.select %eq3A_516, %iota3A, %broadcast_in_dim3A_518 : vector<1x128xi1>, vector<1x128xi32>
        %reduce_min3A_520 = arith.constant dense<2147483647> : vector<1xi32>
        %reduce_min3A_521 = vector.multi_reduction <minsi>, %select_n3A_519, %reduce_min3A_520 [1] : vector<1x128xi32> to vector<1xi32>
        %broadcast_in_dim3A_522 = vector.shape_cast %reduce_min3A_521 : vector<1xi32> to vector<1x1xi32>
        %eq3A_523 = vector.broadcast %reduce_max3A_446 : f32 to vector<1x128xf32>
        %eq3A_524 = arith.cmpf oeq, %get3A_498, %eq3A_523 : vector<1x128xf32>
        %jit3A_525 = arith.constant 128 : i32
        %broadcast_in_dim3A_526 = vector.broadcast %jit3A_525 : i32 to vector<1x128xi32>
        %select_n3A_527 = arith.select %eq3A_524, %iota3A, %broadcast_in_dim3A_526 : vector<1x128xi1>, vector<1x128xi32>
        %reduce_min3A_528 = arith.constant dense<2147483647> : vector<1xi32>
        %reduce_min3A_529 = vector.multi_reduction <minsi>, %select_n3A_527, %reduce_min3A_528 [1] : vector<1x128xi32> to vector<1xi32>
        %broadcast_in_dim3A_530 = vector.shape_cast %reduce_min3A_529 : vector<1xi32> to vector<1x1xi32>
        %eq3A_531 = vector.broadcast %broadcast_in_dim3A_506 : vector<1x1xi32> to vector<1x128xi32>
        %eq3A_532 = arith.cmpi eq, %iota3A, %eq3A_531 : vector<1x128xi32>
        %jit3A_533 = arith.constant -1.000000e+00 : f32
        %broadcast_in_dim3A_534 = vector.broadcast %jit3A_533 : f32 to vector<1x128xf32>
        %select_n3A_535 = arith.select %eq3A_532, %broadcast_in_dim3A_534, %get3A_489 : vector<1x128xi1>, vector<1x128xf32>
        %eq3A_536 = vector.broadcast %broadcast_in_dim3A_514 : vector<1x1xi32> to vector<1x128xi32>
        %eq3A_537 = arith.cmpi eq, %iota3A, %eq3A_536 : vector<1x128xi32>
        %jit3A_538 = arith.constant -1.000000e+00 : f32
        %broadcast_in_dim3A_539 = vector.broadcast %jit3A_538 : f32 to vector<1x128xf32>
        %select_n3A_540 = arith.select %eq3A_537, %broadcast_in_dim3A_539, %get3A_492 : vector<1x128xi1>, vector<1x128xf32>
        %eq3A_541 = vector.broadcast %broadcast_in_dim3A_522 : vector<1x1xi32> to vector<1x128xi32>
        %eq3A_542 = arith.cmpi eq, %iota3A, %eq3A_541 : vector<1x128xi32>
        %jit3A_543 = arith.constant -1.000000e+00 : f32
        %broadcast_in_dim3A_544 = vector.broadcast %jit3A_543 : f32 to vector<1x128xf32>
        %select_n3A_545 = arith.select %eq3A_542, %broadcast_in_dim3A_544, %get3A_495 : vector<1x128xi1>, vector<1x128xf32>
        %eq3A_546 = vector.broadcast %broadcast_in_dim3A_530 : vector<1x1xi32> to vector<1x128xi32>
        %eq3A_547 = arith.cmpi eq, %iota3A, %eq3A_546 : vector<1x128xi32>
        %jit3A_548 = arith.constant -1.000000e+00 : f32
        %broadcast_in_dim3A_549 = vector.broadcast %jit3A_548 : f32 to vector<1x128xf32>
        %select_n3A_550 = arith.select %eq3A_547, %broadcast_in_dim3A_549, %get3A_498 : vector<1x128xi1>, vector<1x128xf32>
        %swap3A_551 = arith.index_cast %reduce_min3A_456 : i32 to index
        %swap3A_552 = arith.constant 0 : index
        %swap3A_553 = vector.load %arg3[%swap3A_551, %swap3A_552] : memref<10240x128xf32, #tpu.memory_space<vmem>>, vector<1x128xf32>
        tpu.vector_store %arg3[%swap3A_551, %swap3A_552], %select_n3A_535 {strides = array<i32>} : memref<10240x128xf32, #tpu.memory_space<vmem>>, vector<1x128xf32>,
        %swap3A_554 = arith.index_cast %reduce_min3A_466 : i32 to index
        %swap3A_555 = arith.constant 0 : index
        %swap3A_556 = vector.load %arg4[%swap3A_554, %swap3A_555] : memref<10240x128xf32, #tpu.memory_space<vmem>>, vector<1x128xf32>
        tpu.vector_store %arg4[%swap3A_554, %swap3A_555], %select_n3A_540 {strides = array<i32>} : memref<10240x128xf32, #tpu.memory_space<vmem>>, vector<1x128xf32>,
        %swap3A_557 = arith.index_cast %reduce_min3A_476 : i32 to index
        %swap3A_558 = arith.constant 0 : index
        %swap3A_559 = vector.load %arg5[%swap3A_557, %swap3A_558] : memref<10240x128xf32, #tpu.memory_space<vmem>>, vector<1x128xf32>
        tpu.vector_store %arg5[%swap3A_557, %swap3A_558], %select_n3A_545 {strides = array<i32>} : memref<10240x128xf32, #tpu.memory_space<vmem>>, vector<1x128xf32>,
        %swap3A_560 = arith.index_cast %reduce_min3A_486 : i32 to index
        %swap3A_561 = arith.constant 0 : index
        %swap3A_562 = vector.load %arg6[%swap3A_560, %swap3A_561] : memref<10240x128xf32, #tpu.memory_space<vmem>>, vector<1x128xf32>
        tpu.vector_store %arg6[%swap3A_560, %swap3A_561], %select_n3A_550 {strides = array<i32>} : memref<10240x128xf32, #tpu.memory_space<vmem>>, vector<1x128xf32>,
        %reduce_max3A_563 = arith.constant dense<0xFF800000> : vector<1xf32>
        %reduce_max3A_564 = vector.multi_reduction <maximumf>, %select_n3A_535, %reduce_max3A_563 [1] : vector<1x128xf32> to vector<1xf32>
        %broadcast_in_dim3A_565 = vector.shape_cast %reduce_max3A_564 : vector<1xf32> to vector<1x1xf32>
        %reduce_max3A_566 = arith.constant dense<0xFF800000> : vector<1xf32>
        %reduce_max3A_567 = vector.multi_reduction <maximumf>, %select_n3A_540, %reduce_max3A_566 [1] : vector<1x128xf32> to vector<1xf32>
        %broadcast_in_dim3A_568 = vector.shape_cast %reduce_max3A_567 : vector<1xf32> to vector<1x1xf32>
        %reduce_max3A_569 = arith.constant dense<0xFF800000> : vector<1xf32>
        %reduce_max3A_570 = vector.multi_reduction <maximumf>, %select_n3A_545, %reduce_max3A_569 [1] : vector<1x128xf32> to vector<1xf32>
        %broadcast_in_dim3A_571 = vector.shape_cast %reduce_max3A_570 : vector<1xf32> to vector<1x1xf32>
        %reduce_max3A_572 = arith.constant dense<0xFF800000> : vector<1xf32>
        %reduce_max3A_573 = vector.multi_reduction <maximumf>, %select_n3A_550, %reduce_max3A_572 [1] : vector<1x128xf32> to vector<1xf32>
        %broadcast_in_dim3A_574 = vector.shape_cast %reduce_max3A_573 : vector<1xf32> to vector<1x1xf32>
        %jit3A_575 = arith.constant 128 : i32
        %div3A_576 = arith.divsi %reduce_min3A_456, %jit3A_575 : i32
        %sign3A_577 = arith.constant 0 : i32
        %sign3A_578 = arith.cmpi sgt, %reduce_min3A_456, %sign3A_577 : i32
        %sign3A_579 = arith.extui %sign3A_578 : i1 to i32
        %sign3A_580 = arith.constant 0 : i32
        %sign3A_581 = arith.cmpi slt, %reduce_min3A_456, %sign3A_580 : i32
        %sign3A_582 = arith.extui %sign3A_581 : i1 to i32
        %sign3A_583 = arith.subi %sign3A_579, %sign3A_582 : i32
        %sign3A_584 = arith.constant 0 : i32
        %sign3A_585 = arith.cmpi sgt, %jit3A_575, %sign3A_584 : i32
        %sign3A_586 = arith.extui %sign3A_585 : i1 to i32
        %sign3A_587 = arith.constant 0 : i32
        %sign3A_588 = arith.cmpi slt, %jit3A_575, %sign3A_587 : i32
        %sign3A_589 = arith.extui %sign3A_588 : i1 to i32
        %sign3A_590 = arith.subi %sign3A_586, %sign3A_589 : i32
        %ne3A_591 = arith.cmpi ne, %sign3A_583, %sign3A_590 : i32
        %rem3A_592 = arith.remsi %reduce_min3A_456, %jit3A_575 : i32
        %ne3A_593 = arith.constant 0 : i32
        %ne3A_594 = arith.cmpi ne, %rem3A_592, %ne3A_593 : i32
        %and3A_595 = arith.andi %ne3A_591, %ne3A_594 : i1
        %sub3A_596 = arith.constant 1 : i32
        %sub3A_597 = arith.subi %div3A_576, %sub3A_596 : i32
        %select_n3A_598 = arith.select %and3A_595, %sub3A_597, %div3A_576 : i32
        %jit3A_599 = arith.constant 128 : i32
        %div3A_600 = arith.divsi %reduce_min3A_466, %jit3A_599 : i32
        %sign3A_601 = arith.constant 0 : i32
        %sign3A_602 = arith.cmpi sgt, %reduce_min3A_466, %sign3A_601 : i32
        %sign3A_603 = arith.extui %sign3A_602 : i1 to i32
        %sign3A_604 = arith.constant 0 : i32
        %sign3A_605 = arith.cmpi slt, %reduce_min3A_466, %sign3A_604 : i32
        %sign3A_606 = arith.extui %sign3A_605 : i1 to i32
        %sign3A_607 = arith.subi %sign3A_603, %sign3A_606 : i32
        %sign3A_608 = arith.constant 0 : i32
        %sign3A_609 = arith.cmpi sgt, %jit3A_599, %sign3A_608 : i32
        %sign3A_610 = arith.extui %sign3A_609 : i1 to i32
        %sign3A_611 = arith.constant 0 : i32
        %sign3A_612 = arith.cmpi slt, %jit3A_599, %sign3A_611 : i32
        %sign3A_613 = arith.extui %sign3A_612 : i1 to i32
        %sign3A_614 = arith.subi %sign3A_610, %sign3A_613 : i32
        %ne3A_615 = arith.cmpi ne, %sign3A_607, %sign3A_614 : i32
        %rem3A_616 = arith.remsi %reduce_min3A_466, %jit3A_599 : i32
        %ne3A_617 = arith.constant 0 : i32
        %ne3A_618 = arith.cmpi ne, %rem3A_616, %ne3A_617 : i32
        %and3A_619 = arith.andi %ne3A_615, %ne3A_618 : i1
        %sub3A_620 = arith.constant 1 : i32
        %sub3A_621 = arith.subi %div3A_600, %sub3A_620 : i32
        %select_n3A_622 = arith.select %and3A_619, %sub3A_621, %div3A_600 : i32
        %jit3A_623 = arith.constant 128 : i32
        %div3A_624 = arith.divsi %reduce_min3A_476, %jit3A_623 : i32
        %sign3A_625 = arith.constant 0 : i32
        %sign3A_626 = arith.cmpi sgt, %reduce_min3A_476, %sign3A_625 : i32
        %sign3A_627 = arith.extui %sign3A_626 : i1 to i32
        %sign3A_628 = arith.constant 0 : i32
        %sign3A_629 = arith.cmpi slt, %reduce_min3A_476, %sign3A_628 : i32
        %sign3A_630 = arith.extui %sign3A_629 : i1 to i32
        %sign3A_631 = arith.subi %sign3A_627, %sign3A_630 : i32
        %sign3A_632 = arith.constant 0 : i32
        %sign3A_633 = arith.cmpi sgt, %jit3A_623, %sign3A_632 : i32
        %sign3A_634 = arith.extui %sign3A_633 : i1 to i32
        %sign3A_635 = arith.constant 0 : i32
        %sign3A_636 = arith.cmpi slt, %jit3A_623, %sign3A_635 : i32
        %sign3A_637 = arith.extui %sign3A_636 : i1 to i32
        %sign3A_638 = arith.subi %sign3A_634, %sign3A_637 : i32
        %ne3A_639 = arith.cmpi ne, %sign3A_631, %sign3A_638 : i32
        %rem3A_640 = arith.remsi %reduce_min3A_476, %jit3A_623 : i32
        %ne3A_641 = arith.constant 0 : i32
        %ne3A_642 = arith.cmpi ne, %rem3A_640, %ne3A_641 : i32
        %and3A_643 = arith.andi %ne3A_639, %ne3A_642 : i1
        %sub3A_644 = arith.constant 1 : i32
        %sub3A_645 = arith.subi %div3A_624, %sub3A_644 : i32
        %select_n3A_646 = arith.select %and3A_643, %sub3A_645, %div3A_624 : i32
        %jit3A_647 = arith.constant 128 : i32
        %div3A_648 = arith.divsi %reduce_min3A_486, %jit3A_647 : i32
        %sign3A_649 = arith.constant 0 : i32
        %sign3A_650 = arith.cmpi sgt, %reduce_min3A_486, %sign3A_649 : i32
        %sign3A_651 = arith.extui %sign3A_650 : i1 to i32
        %sign3A_652 = arith.constant 0 : i32
        %sign3A_653 = arith.cmpi slt, %reduce_min3A_486, %sign3A_652 : i32
        %sign3A_654 = arith.extui %sign3A_653 : i1 to i32
        %sign3A_655 = arith.subi %sign3A_651, %sign3A_654 : i32
        %sign3A_656 = arith.constant 0 : i32
        %sign3A_657 = arith.cmpi sgt, %jit3A_647, %sign3A_656 : i32
        %sign3A_658 = arith.extui %sign3A_657 : i1 to i32
        %sign3A_659 = arith.constant 0 : i32
        %sign3A_660 = arith.cmpi slt, %jit3A_647, %sign3A_659 : i32
        %sign3A_661 = arith.extui %sign3A_660 : i1 to i32
        %sign3A_662 = arith.subi %sign3A_658, %sign3A_661 : i32
        %ne3A_663 = arith.cmpi ne, %sign3A_655, %sign3A_662 : i32
        %rem3A_664 = arith.remsi %reduce_min3A_486, %jit3A_647 : i32
        %ne3A_665 = arith.constant 0 : i32
        %ne3A_666 = arith.cmpi ne, %rem3A_664, %ne3A_665 : i32
        %and3A_667 = arith.andi %ne3A_663, %ne3A_666 : i1
        %sub3A_668 = arith.constant 1 : i32
        %sub3A_669 = arith.subi %div3A_648, %sub3A_668 : i32
        %select_n3A_670 = arith.select %and3A_667, %sub3A_669, %div3A_648 : i32
        %mul3A_671 = arith.constant 128 : i32
        %mul3A_672 = arith.muli %select_n3A_598, %mul3A_671 : i32
        %sub3A_673 = arith.subi %reduce_min3A_456, %mul3A_672 : i32
        %mul3A_674 = arith.constant 128 : i32
        %mul3A_675 = arith.muli %select_n3A_622, %mul3A_674 : i32
        %sub3A_676 = arith.subi %reduce_min3A_466, %mul3A_675 : i32
        %mul3A_677 = arith.constant 128 : i32
        %mul3A_678 = arith.muli %select_n3A_646, %mul3A_677 : i32
        %sub3A_679 = arith.subi %reduce_min3A_476, %mul3A_678 : i32
        %mul3A_680 = arith.constant 128 : i32
        %mul3A_681 = arith.muli %select_n3A_670, %mul3A_680 : i32
        %sub3A_682 = arith.subi %reduce_min3A_486, %mul3A_681 : i32
        %get3A_683 = arith.index_cast %select_n3A_598 : i32 to index
        %get3A_684 = arith.constant 0 : index
        %get3A_685 = vector.load %arg7[%get3A_683, %get3A_684] : memref<80x128xf32, #tpu.memory_space<vmem>>, vector<1x128xf32>
        %get3A_686 = arith.index_cast %select_n3A_622 : i32 to index
        %get3A_687 = arith.constant 0 : index
        %get3A_688 = vector.load %arg8[%get3A_686, %get3A_687] : memref<80x128xf32, #tpu.memory_space<vmem>>, vector<1x128xf32>
        %get3A_689 = arith.index_cast %select_n3A_646 : i32 to index
        %get3A_690 = arith.constant 0 : index
        %get3A_691 = vector.load %arg9[%get3A_689, %get3A_690] : memref<80x128xf32, #tpu.memory_space<vmem>>, vector<1x128xf32>
        %get3A_692 = arith.index_cast %select_n3A_670 : i32 to index
        %get3A_693 = arith.constant 0 : index
        %get3A_694 = vector.load %arg10[%get3A_692, %get3A_693] : memref<80x128xf32, #tpu.memory_space<vmem>>, vector<1x128xf32>
        %eq3A_695 = vector.broadcast %sub3A_673 : i32 to vector<1x128xi32>
        %eq3A_696 = arith.cmpi eq, %iota3A_22, %eq3A_695 : vector<1x128xi32>
        %broadcast_in_dim3A_697 = vector.shape_cast %broadcast_in_dim3A_565 : vector<1x1xf32> to vector<1x1xf32>
        %broadcast_in_dim3A_698 = vector.broadcast %broadcast_in_dim3A_697 : vector<1x1xf32> to vector<1x128xf32>
        %select_n3A_699 = arith.select %eq3A_696, %broadcast_in_dim3A_698, %get3A_685 : vector<1x128xi1>, vector<1x128xf32>
        %swap3A_700 = arith.index_cast %select_n3A_598 : i32 to index
        %swap3A_701 = arith.constant 0 : index
        %swap3A_702 = vector.load %arg7[%swap3A_700, %swap3A_701] : memref<80x128xf32, #tpu.memory_space<vmem>>, vector<1x128xf32>
        tpu.vector_store %arg7[%swap3A_700, %swap3A_701], %select_n3A_699 {strides = array<i32>} : memref<80x128xf32, #tpu.memory_space<vmem>>, vector<1x128xf32>,
        %eq3A_703 = vector.broadcast %sub3A_676 : i32 to vector<1x128xi32>
        %eq3A_704 = arith.cmpi eq, %iota3A_22, %eq3A_703 : vector<1x128xi32>
        %broadcast_in_dim3A_705 = vector.shape_cast %broadcast_in_dim3A_568 : vector<1x1xf32> to vector<1x1xf32>
        %broadcast_in_dim3A_706 = vector.broadcast %broadcast_in_dim3A_705 : vector<1x1xf32> to vector<1x128xf32>
        %select_n3A_707 = arith.select %eq3A_704, %broadcast_in_dim3A_706, %get3A_688 : vector<1x128xi1>, vector<1x128xf32>
        %swap3A_708 = arith.index_cast %select_n3A_622 : i32 to index
        %swap3A_709 = arith.constant 0 : index
        %swap3A_710 = vector.load %arg8[%swap3A_708, %swap3A_709] : memref<80x128xf32, #tpu.memory_space<vmem>>, vector<1x128xf32>
        tpu.vector_store %arg8[%swap3A_708, %swap3A_709], %select_n3A_707 {strides = array<i32>} : memref<80x128xf32, #tpu.memory_space<vmem>>, vector<1x128xf32>,
        %eq3A_711 = vector.broadcast %sub3A_679 : i32 to vector<1x128xi32>
        %eq3A_712 = arith.cmpi eq, %iota3A_22, %eq3A_711 : vector<1x128xi32>
        %broadcast_in_dim3A_713 = vector.shape_cast %broadcast_in_dim3A_571 : vector<1x1xf32> to vector<1x1xf32>
        %broadcast_in_dim3A_714 = vector.broadcast %broadcast_in_dim3A_713 : vector<1x1xf32> to vector<1x128xf32>
        %select_n3A_715 = arith.select %eq3A_712, %broadcast_in_dim3A_714, %get3A_691 : vector<1x128xi1>, vector<1x128xf32>
        %swap3A_716 = arith.index_cast %select_n3A_646 : i32 to index
        %swap3A_717 = arith.constant 0 : index
        %swap3A_718 = vector.load %arg9[%swap3A_716, %swap3A_717] : memref<80x128xf32, #tpu.memory_space<vmem>>, vector<1x128xf32>
        tpu.vector_store %arg9[%swap3A_716, %swap3A_717], %select_n3A_715 {strides = array<i32>} : memref<80x128xf32, #tpu.memory_space<vmem>>, vector<1x128xf32>,
        %eq3A_719 = vector.broadcast %sub3A_682 : i32 to vector<1x128xi32>
        %eq3A_720 = arith.cmpi eq, %iota3A_22, %eq3A_719 : vector<1x128xi32>
        %broadcast_in_dim3A_721 = vector.shape_cast %broadcast_in_dim3A_574 : vector<1x1xf32> to vector<1x1xf32>
        %broadcast_in_dim3A_722 = vector.broadcast %broadcast_in_dim3A_721 : vector<1x1xf32> to vector<1x128xf32>
        %select_n3A_723 = arith.select %eq3A_720, %broadcast_in_dim3A_722, %get3A_694 : vector<1x128xi1>, vector<1x128xf32>
        %swap3A_724 = arith.index_cast %select_n3A_670 : i32 to index
        %swap3A_725 = arith.constant 0 : index
        %swap3A_726 = vector.load %arg10[%swap3A_724, %swap3A_725] : memref<80x128xf32, #tpu.memory_space<vmem>>, vector<1x128xf32>
        tpu.vector_store %arg10[%swap3A_724, %swap3A_725], %select_n3A_723 {strides = array<i32>} : memref<80x128xf32, #tpu.memory_space<vmem>>, vector<1x128xf32>,
        %eq3A_727 = vector.broadcast %scan3A_414 : i32 to vector<1x128xi32>
        %eq3A_728 = arith.cmpi eq, %iota3A, %eq3A_727 : vector<1x128xi32>
        %broadcast_in_dim3A_729 = vector.broadcast %reduce_max3A_431 : f32 to vector<1x128xf32>
        %select_n3A_730 = arith.select %eq3A_728, %broadcast_in_dim3A_729, %select_n3A_378 : vector<1x128xi1>, vector<1x128xf32>
        %convert_element_type3A_731 = arith.sitofp %reduce_min3A_456 : i32 to f32
        %broadcast_in_dim3A_732 = vector.broadcast %convert_element_type3A_731 : f32 to vector<1x128xf32>
        %select_n3A_733 = arith.select %eq3A_728, %broadcast_in_dim3A_732, %select_n3A_381 : vector<1x128xi1>, vector<1x128xf32>
        %convert_element_type3A_734 = arith.sitofp %broadcast_in_dim3A_506 : vector<1x1xi32> to vector<1x1xf32>
        %broadcast_in_dim3A_735 = vector.shape_cast %convert_element_type3A_734 : vector<1x1xf32> to vector<1x1xf32>
        %broadcast_in_dim3A_736 = vector.broadcast %broadcast_in_dim3A_735 : vector<1x1xf32> to vector<1x128xf32>
        %select_n3A_737 = arith.select %eq3A_728, %broadcast_in_dim3A_736, %select_n3A_385 : vector<1x128xi1>, vector<1x128xf32>
        %broadcast_in_dim3A_738 = vector.broadcast %reduce_max3A_436 : f32 to vector<1x128xf32>
        %select_n3A_739 = arith.select %eq3A_728, %broadcast_in_dim3A_738, %select_n3A_387 : vector<1x128xi1>, vector<1x128xf32>
        %convert_element_type3A_740 = arith.sitofp %reduce_min3A_466 : i32 to f32
        %broadcast_in_dim3A_741 = vector.broadcast %convert_element_type3A_740 : f32 to vector<1x128xf32>
        %select_n3A_742 = arith.select %eq3A_728, %broadcast_in_dim3A_741, %select_n3A_390 : vector<1x128xi1>, vector<1x128xf32>
        %convert_element_type3A_743 = arith.sitofp %broadcast_in_dim3A_514 : vector<1x1xi32> to vector<1x1xf32>
        %broadcast_in_dim3A_744 = vector.shape_cast %convert_element_type3A_743 : vector<1x1xf32> to vector<1x1xf32>
        %broadcast_in_dim3A_745 = vector.broadcast %broadcast_in_dim3A_744 : vector<1x1xf32> to vector<1x128xf32>
        %select_n3A_746 = arith.select %eq3A_728, %broadcast_in_dim3A_745, %select_n3A_394 : vector<1x128xi1>, vector<1x128xf32>
        %broadcast_in_dim3A_747 = vector.broadcast %reduce_max3A_441 : f32 to vector<1x128xf32>
        %select_n3A_748 = arith.select %eq3A_728, %broadcast_in_dim3A_747, %select_n3A_396 : vector<1x128xi1>, vector<1x128xf32>
        %convert_element_type3A_749 = arith.sitofp %reduce_min3A_476 : i32 to f32
        %broadcast_in_dim3A_750 = vector.broadcast %convert_element_type3A_749 : f32 to vector<1x128xf32>
        %select_n3A_751 = arith.select %eq3A_728, %broadcast_in_dim3A_750, %select_n3A_399 : vector<1x128xi1>, vector<1x128xf32>
        %convert_element_type3A_752 = arith.sitofp %broadcast_in_dim3A_522 : vector<1x1xi32> to vector<1x1xf32>
        %broadcast_in_dim3A_753 = vector.shape_cast %convert_element_type3A_752 : vector<1x1xf32> to vector<1x1xf32>
        %broadcast_in_dim3A_754 = vector.broadcast %broadcast_in_dim3A_753 : vector<1x1xf32> to vector<1x128xf32>
        %select_n3A_755 = arith.select %eq3A_728, %broadcast_in_dim3A_754, %select_n3A_403 : vector<1x128xi1>, vector<1x128xf32>
        %broadcast_in_dim3A_756 = vector.broadcast %reduce_max3A_446 : f32 to vector<1x128xf32>
        %select_n3A_757 = arith.select %eq3A_728, %broadcast_in_dim3A_756, %select_n3A_405 : vector<1x128xi1>, vector<1x128xf32>
        %convert_element_type3A_758 = arith.sitofp %reduce_min3A_486 : i32 to f32
        %broadcast_in_dim3A_759 = vector.broadcast %convert_element_type3A_758 : f32 to vector<1x128xf32>
        %select_n3A_760 = arith.select %eq3A_728, %broadcast_in_dim3A_759, %select_n3A_408 : vector<1x128xi1>, vector<1x128xf32>
        %convert_element_type3A_761 = arith.sitofp %broadcast_in_dim3A_530 : vector<1x1xi32> to vector<1x1xf32>
        %broadcast_in_dim3A_762 = vector.shape_cast %convert_element_type3A_761 : vector<1x1xf32> to vector<1x1xf32>
        %broadcast_in_dim3A_763 = vector.broadcast %broadcast_in_dim3A_762 : vector<1x1xf32> to vector<1x128xf32>
        %select_n3A_764 = arith.select %eq3A_728, %broadcast_in_dim3A_763, %select_n3A_412 : vector<1x128xi1>, vector<1x128xf32>
        %scan3A_765 = arith.constant 2 : i32
        %scan3A_766 = arith.addi %scan3A_61, %scan3A_765 : i32
        %get3A_767 = arith.constant 0 : index
        %get3A_768 = arith.constant 0 : index
        %get3A_769 = vector.load %arg7[%get3A_767, %get3A_768] : memref<80x128xf32, #tpu.memory_space<vmem>>, vector<80x128xf32>
        %get3A_770 = arith.constant 0 : index
        %get3A_771 = arith.constant 0 : index
        %get3A_772 = vector.load %arg8[%get3A_770, %get3A_771] : memref<80x128xf32, #tpu.memory_space<vmem>>, vector<80x128xf32>
        %get3A_773 = arith.constant 0 : index
        %get3A_774 = arith.constant 0 : index
        %get3A_775 = vector.load %arg9[%get3A_773, %get3A_774] : memref<80x128xf32, #tpu.memory_space<vmem>>, vector<80x128xf32>
        %get3A_776 = arith.constant 0 : index
        %get3A_777 = arith.constant 0 : index
        %get3A_778 = vector.load %arg10[%get3A_776, %get3A_777] : memref<80x128xf32, #tpu.memory_space<vmem>>, vector<80x128xf32>
        %reduce_max3A_779 = vector.shape_cast %get3A_769 : vector<80x128xf32> to vector<1x80x128xf32>
        %reduce_max3A_780 = arith.constant dense<0xFF800000> : vector<1xf32>
        %reduce_max3A_781 = vector.multi_reduction <maximumf>, %reduce_max3A_779, %reduce_max3A_780 [1, 2] : vector<1x80x128xf32> to vector<1xf32>
        %reduce_max3A_782 = vector.shape_cast %reduce_max3A_781 : vector<1xf32> to vector<1x1x1xf32>
        %reduce_max3A_783 = vector.extract %reduce_max3A_782[0, 0, 0] : f32 from vector<1x1x1xf32>
        %reduce_max3A_784 = vector.shape_cast %get3A_772 : vector<80x128xf32> to vector<1x80x128xf32>
        %reduce_max3A_785 = arith.constant dense<0xFF800000> : vector<1xf32>
        %reduce_max3A_786 = vector.multi_reduction <maximumf>, %reduce_max3A_784, %reduce_max3A_785 [1, 2] : vector<1x80x128xf32> to vector<1xf32>
        %reduce_max3A_787 = vector.shape_cast %reduce_max3A_786 : vector<1xf32> to vector<1x1x1xf32>
        %reduce_max3A_788 = vector.extract %reduce_max3A_787[0, 0, 0] : f32 from vector<1x1x1xf32>
        %reduce_max3A_789 = vector.shape_cast %get3A_775 : vector<80x128xf32> to vector<1x80x128xf32>
        %reduce_max3A_790 = arith.constant dense<0xFF800000> : vector<1xf32>
        %reduce_max3A_791 = vector.multi_reduction <maximumf>, %reduce_max3A_789, %reduce_max3A_790 [1, 2] : vector<1x80x128xf32> to vector<1xf32>
        %reduce_max3A_792 = vector.shape_cast %reduce_max3A_791 : vector<1xf32> to vector<1x1x1xf32>
        %reduce_max3A_793 = vector.extract %reduce_max3A_792[0, 0, 0] : f32 from vector<1x1x1xf32>
        %reduce_max3A_794 = vector.shape_cast %get3A_778 : vector<80x128xf32> to vector<1x80x128xf32>
        %reduce_max3A_795 = arith.constant dense<0xFF800000> : vector<1xf32>
        %reduce_max3A_796 = vector.multi_reduction <maximumf>, %reduce_max3A_794, %reduce_max3A_795 [1, 2] : vector<1x80x128xf32> to vector<1xf32>
        %reduce_max3A_797 = vector.shape_cast %reduce_max3A_796 : vector<1xf32> to vector<1x1x1xf32>
        %reduce_max3A_798 = vector.extract %reduce_max3A_797[0, 0, 0] : f32 from vector<1x1x1xf32>
        %eq3A_799 = vector.broadcast %reduce_max3A_783 : f32 to vector<80x128xf32>
        %eq3A_800 = arith.cmpf oeq, %get3A_769, %eq3A_799 : vector<80x128xf32>
        %jit3A_801 = arith.constant 10240 : i32
        %broadcast_in_dim3A_802 = vector.broadcast %jit3A_801 : i32 to vector<80x128xi32>
        %select_n3A_803 = arith.select %eq3A_800, %add3A, %broadcast_in_dim3A_802 : vector<80x128xi1>, vector<80x128xi32>
        %reduce_min3A_804 = vector.shape_cast %select_n3A_803 : vector<80x128xi32> to vector<1x80x128xi32>
        %reduce_min3A_805 = arith.constant dense<2147483647> : vector<1xi32>
        %reduce_min3A_806 = vector.multi_reduction <minsi>, %reduce_min3A_804, %reduce_min3A_805 [1, 2] : vector<1x80x128xi32> to vector<1xi32>
        %reduce_min3A_807 = vector.shape_cast %reduce_min3A_806 : vector<1xi32> to vector<1x1x1xi32>
        %reduce_min3A_808 = vector.extract %reduce_min3A_807[0, 0, 0] : i32 from vector<1x1x1xi32>
        %eq3A_809 = vector.broadcast %reduce_max3A_788 : f32 to vector<80x128xf32>
        %eq3A_810 = arith.cmpf oeq, %get3A_772, %eq3A_809 : vector<80x128xf32>
        %jit3A_811 = arith.constant 10240 : i32
        %broadcast_in_dim3A_812 = vector.broadcast %jit3A_811 : i32 to vector<80x128xi32>
        %select_n3A_813 = arith.select %eq3A_810, %add3A, %broadcast_in_dim3A_812 : vector<80x128xi1>, vector<80x128xi32>
        %reduce_min3A_814 = vector.shape_cast %select_n3A_813 : vector<80x128xi32> to vector<1x80x128xi32>
        %reduce_min3A_815 = arith.constant dense<2147483647> : vector<1xi32>
        %reduce_min3A_816 = vector.multi_reduction <minsi>, %reduce_min3A_814, %reduce_min3A_815 [1, 2] : vector<1x80x128xi32> to vector<1xi32>
        %reduce_min3A_817 = vector.shape_cast %reduce_min3A_816 : vector<1xi32> to vector<1x1x1xi32>
        %reduce_min3A_818 = vector.extract %reduce_min3A_817[0, 0, 0] : i32 from vector<1x1x1xi32>
        %eq3A_819 = vector.broadcast %reduce_max3A_793 : f32 to vector<80x128xf32>
        %eq3A_820 = arith.cmpf oeq, %get3A_775, %eq3A_819 : vector<80x128xf32>
        %jit3A_821 = arith.constant 10240 : i32
        %broadcast_in_dim3A_822 = vector.broadcast %jit3A_821 : i32 to vector<80x128xi32>
        %select_n3A_823 = arith.select %eq3A_820, %add3A, %broadcast_in_dim3A_822 : vector<80x128xi1>, vector<80x128xi32>
        %reduce_min3A_824 = vector.shape_cast %select_n3A_823 : vector<80x128xi32> to vector<1x80x128xi32>
        %reduce_min3A_825 = arith.constant dense<2147483647> : vector<1xi32>
        %reduce_min3A_826 = vector.multi_reduction <minsi>, %reduce_min3A_824, %reduce_min3A_825 [1, 2] : vector<1x80x128xi32> to vector<1xi32>
        %reduce_min3A_827 = vector.shape_cast %reduce_min3A_826 : vector<1xi32> to vector<1x1x1xi32>
        %reduce_min3A_828 = vector.extract %reduce_min3A_827[0, 0, 0] : i32 from vector<1x1x1xi32>
        %eq3A_829 = vector.broadcast %reduce_max3A_798 : f32 to vector<80x128xf32>
        %eq3A_830 = arith.cmpf oeq, %get3A_778, %eq3A_829 : vector<80x128xf32>
        %jit3A_831 = arith.constant 10240 : i32
        %broadcast_in_dim3A_832 = vector.broadcast %jit3A_831 : i32 to vector<80x128xi32>
        %select_n3A_833 = arith.select %eq3A_830, %add3A, %broadcast_in_dim3A_832 : vector<80x128xi1>, vector<80x128xi32>
        %reduce_min3A_834 = vector.shape_cast %select_n3A_833 : vector<80x128xi32> to vector<1x80x128xi32>
        %reduce_min3A_835 = arith.constant dense<2147483647> : vector<1xi32>
        %reduce_min3A_836 = vector.multi_reduction <minsi>, %reduce_min3A_834, %reduce_min3A_835 [1, 2] : vector<1x80x128xi32> to vector<1xi32>
        %reduce_min3A_837 = vector.shape_cast %reduce_min3A_836 : vector<1xi32> to vector<1x1x1xi32>
        %reduce_min3A_838 = vector.extract %reduce_min3A_837[0, 0, 0] : i32 from vector<1x1x1xi32>
        %get3A_839 = arith.index_cast %reduce_min3A_808 : i32 to index
        %get3A_840 = arith.constant 0 : index
        %get3A_841 = vector.load %arg3[%get3A_839, %get3A_840] : memref<10240x128xf32, #tpu.memory_space<vmem>>, vector<1x128xf32>
        %get3A_842 = arith.index_cast %reduce_min3A_818 : i32 to index
        %get3A_843 = arith.constant 0 : index
        %get3A_844 = vector.load %arg4[%get3A_842, %get3A_843] : memref<10240x128xf32, #tpu.memory_space<vmem>>, vector<1x128xf32>
        %get3A_845 = arith.index_cast %reduce_min3A_828 : i32 to index
        %get3A_846 = arith.constant 0 : index
        %get3A_847 = vector.load %arg5[%get3A_845, %get3A_846] : memref<10240x128xf32, #tpu.memory_space<vmem>>, vector<1x128xf32>
        %get3A_848 = arith.index_cast %reduce_min3A_838 : i32 to index
        %get3A_849 = arith.constant 0 : index
        %get3A_850 = vector.load %arg6[%get3A_848, %get3A_849] : memref<10240x128xf32, #tpu.memory_space<vmem>>, vector<1x128xf32>
        %eq3A_851 = vector.broadcast %reduce_max3A_783 : f32 to vector<1x128xf32>
        %eq3A_852 = arith.cmpf oeq, %get3A_841, %eq3A_851 : vector<1x128xf32>
        %jit3A_853 = arith.constant 128 : i32
        %broadcast_in_dim3A_854 = vector.broadcast %jit3A_853 : i32 to vector<1x128xi32>
        %select_n3A_855 = arith.select %eq3A_852, %iota3A, %broadcast_in_dim3A_854 : vector<1x128xi1>, vector<1x128xi32>
        %reduce_min3A_856 = arith.constant dense<2147483647> : vector<1xi32>
        %reduce_min3A_857 = vector.multi_reduction <minsi>, %select_n3A_855, %reduce_min3A_856 [1] : vector<1x128xi32> to vector<1xi32>
        %broadcast_in_dim3A_858 = vector.shape_cast %reduce_min3A_857 : vector<1xi32> to vector<1x1xi32>
        %eq3A_859 = vector.broadcast %reduce_max3A_788 : f32 to vector<1x128xf32>
        %eq3A_860 = arith.cmpf oeq, %get3A_844, %eq3A_859 : vector<1x128xf32>
        %jit3A_861 = arith.constant 128 : i32
        %broadcast_in_dim3A_862 = vector.broadcast %jit3A_861 : i32 to vector<1x128xi32>
        %select_n3A_863 = arith.select %eq3A_860, %iota3A, %broadcast_in_dim3A_862 : vector<1x128xi1>, vector<1x128xi32>
        %reduce_min3A_864 = arith.constant dense<2147483647> : vector<1xi32>
        %reduce_min3A_865 = vector.multi_reduction <minsi>, %select_n3A_863, %reduce_min3A_864 [1] : vector<1x128xi32> to vector<1xi32>
        %broadcast_in_dim3A_866 = vector.shape_cast %reduce_min3A_865 : vector<1xi32> to vector<1x1xi32>
        %eq3A_867 = vector.broadcast %reduce_max3A_793 : f32 to vector<1x128xf32>
        %eq3A_868 = arith.cmpf oeq, %get3A_847, %eq3A_867 : vector<1x128xf32>
        %jit3A_869 = arith.constant 128 : i32
        %broadcast_in_dim3A_870 = vector.broadcast %jit3A_869 : i32 to vector<1x128xi32>
        %select_n3A_871 = arith.select %eq3A_868, %iota3A, %broadcast_in_dim3A_870 : vector<1x128xi1>, vector<1x128xi32>
        %reduce_min3A_872 = arith.constant dense<2147483647> : vector<1xi32>
        %reduce_min3A_873 = vector.multi_reduction <minsi>, %select_n3A_871, %reduce_min3A_872 [1] : vector<1x128xi32> to vector<1xi32>
        %broadcast_in_dim3A_874 = vector.shape_cast %reduce_min3A_873 : vector<1xi32> to vector<1x1xi32>
        %eq3A_875 = vector.broadcast %reduce_max3A_798 : f32 to vector<1x128xf32>
        %eq3A_876 = arith.cmpf oeq, %get3A_850, %eq3A_875 : vector<1x128xf32>
        %jit3A_877 = arith.constant 128 : i32
        %broadcast_in_dim3A_878 = vector.broadcast %jit3A_877 : i32 to vector<1x128xi32>
        %select_n3A_879 = arith.select %eq3A_876, %iota3A, %broadcast_in_dim3A_878 : vector<1x128xi1>, vector<1x128xi32>
        %reduce_min3A_880 = arith.constant dense<2147483647> : vector<1xi32>
        %reduce_min3A_881 = vector.multi_reduction <minsi>, %select_n3A_879, %reduce_min3A_880 [1] : vector<1x128xi32> to vector<1xi32>
        %broadcast_in_dim3A_882 = vector.shape_cast %reduce_min3A_881 : vector<1xi32> to vector<1x1xi32>
        %eq3A_883 = vector.broadcast %broadcast_in_dim3A_858 : vector<1x1xi32> to vector<1x128xi32>
        %eq3A_884 = arith.cmpi eq, %iota3A, %eq3A_883 : vector<1x128xi32>
        %jit3A_885 = arith.constant -1.000000e+00 : f32
        %broadcast_in_dim3A_886 = vector.broadcast %jit3A_885 : f32 to vector<1x128xf32>
        %select_n3A_887 = arith.select %eq3A_884, %broadcast_in_dim3A_886, %get3A_841 : vector<1x128xi1>, vector<1x128xf32>
        %eq3A_888 = vector.broadcast %broadcast_in_dim3A_866 : vector<1x1xi32> to vector<1x128xi32>
        %eq3A_889 = arith.cmpi eq, %iota3A, %eq3A_888 : vector<1x128xi32>
        %jit3A_890 = arith.constant -1.000000e+00 : f32
        %broadcast_in_dim3A_891 = vector.broadcast %jit3A_890 : f32 to vector<1x128xf32>
        %select_n3A_892 = arith.select %eq3A_889, %broadcast_in_dim3A_891, %get3A_844 : vector<1x128xi1>, vector<1x128xf32>
        %eq3A_893 = vector.broadcast %broadcast_in_dim3A_874 : vector<1x1xi32> to vector<1x128xi32>
        %eq3A_894 = arith.cmpi eq, %iota3A, %eq3A_893 : vector<1x128xi32>
        %jit3A_895 = arith.constant -1.000000e+00 : f32
        %broadcast_in_dim3A_896 = vector.broadcast %jit3A_895 : f32 to vector<1x128xf32>
        %select_n3A_897 = arith.select %eq3A_894, %broadcast_in_dim3A_896, %get3A_847 : vector<1x128xi1>, vector<1x128xf32>
        %eq3A_898 = vector.broadcast %broadcast_in_dim3A_882 : vector<1x1xi32> to vector<1x128xi32>
        %eq3A_899 = arith.cmpi eq, %iota3A, %eq3A_898 : vector<1x128xi32>
        %jit3A_900 = arith.constant -1.000000e+00 : f32
        %broadcast_in_dim3A_901 = vector.broadcast %jit3A_900 : f32 to vector<1x128xf32>
        %select_n3A_902 = arith.select %eq3A_899, %broadcast_in_dim3A_901, %get3A_850 : vector<1x128xi1>, vector<1x128xf32>
        %swap3A_903 = arith.index_cast %reduce_min3A_808 : i32 to index
        %swap3A_904 = arith.constant 0 : index
        %swap3A_905 = vector.load %arg3[%swap3A_903, %swap3A_904] : memref<10240x128xf32, #tpu.memory_space<vmem>>, vector<1x128xf32>
        tpu.vector_store %arg3[%swap3A_903, %swap3A_904], %select_n3A_887 {strides = array<i32>} : memref<10240x128xf32, #tpu.memory_space<vmem>>, vector<1x128xf32>,
        %swap3A_906 = arith.index_cast %reduce_min3A_818 : i32 to index
        %swap3A_907 = arith.constant 0 : index
        %swap3A_908 = vector.load %arg4[%swap3A_906, %swap3A_907] : memref<10240x128xf32, #tpu.memory_space<vmem>>, vector<1x128xf32>
        tpu.vector_store %arg4[%swap3A_906, %swap3A_907], %select_n3A_892 {strides = array<i32>} : memref<10240x128xf32, #tpu.memory_space<vmem>>, vector<1x128xf32>,
        %swap3A_909 = arith.index_cast %reduce_min3A_828 : i32 to index
        %swap3A_910 = arith.constant 0 : index
        %swap3A_911 = vector.load %arg5[%swap3A_909, %swap3A_910] : memref<10240x128xf32, #tpu.memory_space<vmem>>, vector<1x128xf32>
        tpu.vector_store %arg5[%swap3A_909, %swap3A_910], %select_n3A_897 {strides = array<i32>} : memref<10240x128xf32, #tpu.memory_space<vmem>>, vector<1x128xf32>,
        %swap3A_912 = arith.index_cast %reduce_min3A_838 : i32 to index
        %swap3A_913 = arith.constant 0 : index
        %swap3A_914 = vector.load %arg6[%swap3A_912, %swap3A_913] : memref<10240x128xf32, #tpu.memory_space<vmem>>, vector<1x128xf32>
        tpu.vector_store %arg6[%swap3A_912, %swap3A_913], %select_n3A_902 {strides = array<i32>} : memref<10240x128xf32, #tpu.memory_space<vmem>>, vector<1x128xf32>,
        %reduce_max3A_915 = arith.constant dense<0xFF800000> : vector<1xf32>
        %reduce_max3A_916 = vector.multi_reduction <maximumf>, %select_n3A_887, %reduce_max3A_915 [1] : vector<1x128xf32> to vector<1xf32>
        %broadcast_in_dim3A_917 = vector.shape_cast %reduce_max3A_916 : vector<1xf32> to vector<1x1xf32>
        %reduce_max3A_918 = arith.constant dense<0xFF800000> : vector<1xf32>
        %reduce_max3A_919 = vector.multi_reduction <maximumf>, %select_n3A_892, %reduce_max3A_918 [1] : vector<1x128xf32> to vector<1xf32>
        %broadcast_in_dim3A_920 = vector.shape_cast %reduce_max3A_919 : vector<1xf32> to vector<1x1xf32>
        %reduce_max3A_921 = arith.constant dense<0xFF800000> : vector<1xf32>
        %reduce_max3A_922 = vector.multi_reduction <maximumf>, %select_n3A_897, %reduce_max3A_921 [1] : vector<1x128xf32> to vector<1xf32>
        %broadcast_in_dim3A_923 = vector.shape_cast %reduce_max3A_922 : vector<1xf32> to vector<1x1xf32>
        %reduce_max3A_924 = arith.constant dense<0xFF800000> : vector<1xf32>
        %reduce_max3A_925 = vector.multi_reduction <maximumf>, %select_n3A_902, %reduce_max3A_924 [1] : vector<1x128xf32> to vector<1xf32>
        %broadcast_in_dim3A_926 = vector.shape_cast %reduce_max3A_925 : vector<1xf32> to vector<1x1xf32>
        %jit3A_927 = arith.constant 128 : i32
        %div3A_928 = arith.divsi %reduce_min3A_808, %jit3A_927 : i32
        %sign3A_929 = arith.constant 0 : i32
        %sign3A_930 = arith.cmpi sgt, %reduce_min3A_808, %sign3A_929 : i32
        %sign3A_931 = arith.extui %sign3A_930 : i1 to i32
        %sign3A_932 = arith.constant 0 : i32
        %sign3A_933 = arith.cmpi slt, %reduce_min3A_808, %sign3A_932 : i32
        %sign3A_934 = arith.extui %sign3A_933 : i1 to i32
        %sign3A_935 = arith.subi %sign3A_931, %sign3A_934 : i32
        %sign3A_936 = arith.constant 0 : i32
        %sign3A_937 = arith.cmpi sgt, %jit3A_927, %sign3A_936 : i32
        %sign3A_938 = arith.extui %sign3A_937 : i1 to i32
        %sign3A_939 = arith.constant 0 : i32
        %sign3A_940 = arith.cmpi slt, %jit3A_927, %sign3A_939 : i32
        %sign3A_941 = arith.extui %sign3A_940 : i1 to i32
        %sign3A_942 = arith.subi %sign3A_938, %sign3A_941 : i32
        %ne3A_943 = arith.cmpi ne, %sign3A_935, %sign3A_942 : i32
        %rem3A_944 = arith.remsi %reduce_min3A_808, %jit3A_927 : i32
        %ne3A_945 = arith.constant 0 : i32
        %ne3A_946 = arith.cmpi ne, %rem3A_944, %ne3A_945 : i32
        %and3A_947 = arith.andi %ne3A_943, %ne3A_946 : i1
        %sub3A_948 = arith.constant 1 : i32
        %sub3A_949 = arith.subi %div3A_928, %sub3A_948 : i32
        %select_n3A_950 = arith.select %and3A_947, %sub3A_949, %div3A_928 : i32
        %jit3A_951 = arith.constant 128 : i32
        %div3A_952 = arith.divsi %reduce_min3A_818, %jit3A_951 : i32
        %sign3A_953 = arith.constant 0 : i32
        %sign3A_954 = arith.cmpi sgt, %reduce_min3A_818, %sign3A_953 : i32
        %sign3A_955 = arith.extui %sign3A_954 : i1 to i32
        %sign3A_956 = arith.constant 0 : i32
        %sign3A_957 = arith.cmpi slt, %reduce_min3A_818, %sign3A_956 : i32
        %sign3A_958 = arith.extui %sign3A_957 : i1 to i32
        %sign3A_959 = arith.subi %sign3A_955, %sign3A_958 : i32
        %sign3A_960 = arith.constant 0 : i32
        %sign3A_961 = arith.cmpi sgt, %jit3A_951, %sign3A_960 : i32
        %sign3A_962 = arith.extui %sign3A_961 : i1 to i32
        %sign3A_963 = arith.constant 0 : i32
        %sign3A_964 = arith.cmpi slt, %jit3A_951, %sign3A_963 : i32
        %sign3A_965 = arith.extui %sign3A_964 : i1 to i32
        %sign3A_966 = arith.subi %sign3A_962, %sign3A_965 : i32
        %ne3A_967 = arith.cmpi ne, %sign3A_959, %sign3A_966 : i32
        %rem3A_968 = arith.remsi %reduce_min3A_818, %jit3A_951 : i32
        %ne3A_969 = arith.constant 0 : i32
        %ne3A_970 = arith.cmpi ne, %rem3A_968, %ne3A_969 : i32
        %and3A_971 = arith.andi %ne3A_967, %ne3A_970 : i1
        %sub3A_972 = arith.constant 1 : i32
        %sub3A_973 = arith.subi %div3A_952, %sub3A_972 : i32
        %select_n3A_974 = arith.select %and3A_971, %sub3A_973, %div3A_952 : i32
        %jit3A_975 = arith.constant 128 : i32
        %div3A_976 = arith.divsi %reduce_min3A_828, %jit3A_975 : i32
        %sign3A_977 = arith.constant 0 : i32
        %sign3A_978 = arith.cmpi sgt, %reduce_min3A_828, %sign3A_977 : i32
        %sign3A_979 = arith.extui %sign3A_978 : i1 to i32
        %sign3A_980 = arith.constant 0 : i32
        %sign3A_981 = arith.cmpi slt, %reduce_min3A_828, %sign3A_980 : i32
        %sign3A_982 = arith.extui %sign3A_981 : i1 to i32
        %sign3A_983 = arith.subi %sign3A_979, %sign3A_982 : i32
        %sign3A_984 = arith.constant 0 : i32
        %sign3A_985 = arith.cmpi sgt, %jit3A_975, %sign3A_984 : i32
        %sign3A_986 = arith.extui %sign3A_985 : i1 to i32
        %sign3A_987 = arith.constant 0 : i32
        %sign3A_988 = arith.cmpi slt, %jit3A_975, %sign3A_987 : i32
        %sign3A_989 = arith.extui %sign3A_988 : i1 to i32
        %sign3A_990 = arith.subi %sign3A_986, %sign3A_989 : i32
        %ne3A_991 = arith.cmpi ne, %sign3A_983, %sign3A_990 : i32
        %rem3A_992 = arith.remsi %reduce_min3A_828, %jit3A_975 : i32
        %ne3A_993 = arith.constant 0 : i32
        %ne3A_994 = arith.cmpi ne, %rem3A_992, %ne3A_993 : i32
        %and3A_995 = arith.andi %ne3A_991, %ne3A_994 : i1
        %sub3A_996 = arith.constant 1 : i32
        %sub3A_997 = arith.subi %div3A_976, %sub3A_996 : i32
        %select_n3A_998 = arith.select %and3A_995, %sub3A_997, %div3A_976 : i32
        %jit3A_999 = arith.constant 128 : i32
        %div3A_1000 = arith.divsi %reduce_min3A_838, %jit3A_999 : i32
        %sign3A_1001 = arith.constant 0 : i32
        %sign3A_1002 = arith.cmpi sgt, %reduce_min3A_838, %sign3A_1001 : i32
        %sign3A_1003 = arith.extui %sign3A_1002 : i1 to i32
        %sign3A_1004 = arith.constant 0 : i32
        %sign3A_1005 = arith.cmpi slt, %reduce_min3A_838, %sign3A_1004 : i32
        %sign3A_1006 = arith.extui %sign3A_1005 : i1 to i32
        %sign3A_1007 = arith.subi %sign3A_1003, %sign3A_1006 : i32
        %sign3A_1008 = arith.constant 0 : i32
        %sign3A_1009 = arith.cmpi sgt, %jit3A_999, %sign3A_1008 : i32
        %sign3A_1010 = arith.extui %sign3A_1009 : i1 to i32
        %sign3A_1011 = arith.constant 0 : i32
        %sign3A_1012 = arith.cmpi slt, %jit3A_999, %sign3A_1011 : i32
        %sign3A_1013 = arith.extui %sign3A_1012 : i1 to i32
        %sign3A_1014 = arith.subi %sign3A_1010, %sign3A_1013 : i32
        %ne3A_1015 = arith.cmpi ne, %sign3A_1007, %sign3A_1014 : i32
        %rem3A_1016 = arith.remsi %reduce_min3A_838, %jit3A_999 : i32
        %ne3A_1017 = arith.constant 0 : i32
        %ne3A_1018 = arith.cmpi ne, %rem3A_1016, %ne3A_1017 : i32
        %and3A_1019 = arith.andi %ne3A_1015, %ne3A_1018 : i1
        %sub3A_1020 = arith.constant 1 : i32
        %sub3A_1021 = arith.subi %div3A_1000, %sub3A_1020 : i32
        %select_n3A_1022 = arith.select %and3A_1019, %sub3A_1021, %div3A_1000 : i32
        %mul3A_1023 = arith.constant 128 : i32
        %mul3A_1024 = arith.muli %select_n3A_950, %mul3A_1023 : i32
        %sub3A_1025 = arith.subi %reduce_min3A_808, %mul3A_1024 : i32
        %mul3A_1026 = arith.constant 128 : i32
        %mul3A_1027 = arith.muli %select_n3A_974, %mul3A_1026 : i32
        %sub3A_1028 = arith.subi %reduce_min3A_818, %mul3A_1027 : i32
        %mul3A_1029 = arith.constant 128 : i32
        %mul3A_1030 = arith.muli %select_n3A_998, %mul3A_1029 : i32
        %sub3A_1031 = arith.subi %reduce_min3A_828, %mul3A_1030 : i32
        %mul3A_1032 = arith.constant 128 : i32
        %mul3A_1033 = arith.muli %select_n3A_1022, %mul3A_1032 : i32
        %sub3A_1034 = arith.subi %reduce_min3A_838, %mul3A_1033 : i32
        %get3A_1035 = arith.index_cast %select_n3A_950 : i32 to index
        %get3A_1036 = arith.constant 0 : index
        %get3A_1037 = vector.load %arg7[%get3A_1035, %get3A_1036] : memref<80x128xf32, #tpu.memory_space<vmem>>, vector<1x128xf32>
        %get3A_1038 = arith.index_cast %select_n3A_974 : i32 to index
        %get3A_1039 = arith.constant 0 : index
        %get3A_1040 = vector.load %arg8[%get3A_1038, %get3A_1039] : memref<80x128xf32, #tpu.memory_space<vmem>>, vector<1x128xf32>
        %get3A_1041 = arith.index_cast %select_n3A_998 : i32 to index
        %get3A_1042 = arith.constant 0 : index
        %get3A_1043 = vector.load %arg9[%get3A_1041, %get3A_1042] : memref<80x128xf32, #tpu.memory_space<vmem>>, vector<1x128xf32>
        %get3A_1044 = arith.index_cast %select_n3A_1022 : i32 to index
        %get3A_1045 = arith.constant 0 : index
        %get3A_1046 = vector.load %arg10[%get3A_1044, %get3A_1045] : memref<80x128xf32, #tpu.memory_space<vmem>>, vector<1x128xf32>
        %eq3A_1047 = vector.broadcast %sub3A_1025 : i32 to vector<1x128xi32>
        %eq3A_1048 = arith.cmpi eq, %iota3A_22, %eq3A_1047 : vector<1x128xi32>
        %broadcast_in_dim3A_1049 = vector.shape_cast %broadcast_in_dim3A_917 : vector<1x1xf32> to vector<1x1xf32>
        %broadcast_in_dim3A_1050 = vector.broadcast %broadcast_in_dim3A_1049 : vector<1x1xf32> to vector<1x128xf32>
        %select_n3A_1051 = arith.select %eq3A_1048, %broadcast_in_dim3A_1050, %get3A_1037 : vector<1x128xi1>, vector<1x128xf32>
        %swap3A_1052 = arith.index_cast %select_n3A_950 : i32 to index
        %swap3A_1053 = arith.constant 0 : index
        %swap3A_1054 = vector.load %arg7[%swap3A_1052, %swap3A_1053] : memref<80x128xf32, #tpu.memory_space<vmem>>, vector<1x128xf32>
        tpu.vector_store %arg7[%swap3A_1052, %swap3A_1053], %select_n3A_1051 {strides = array<i32>} : memref<80x128xf32, #tpu.memory_space<vmem>>, vector<1x128xf32>,
        %eq3A_1055 = vector.broadcast %sub3A_1028 : i32 to vector<1x128xi32>
        %eq3A_1056 = arith.cmpi eq, %iota3A_22, %eq3A_1055 : vector<1x128xi32>
        %broadcast_in_dim3A_1057 = vector.shape_cast %broadcast_in_dim3A_920 : vector<1x1xf32> to vector<1x1xf32>
        %broadcast_in_dim3A_1058 = vector.broadcast %broadcast_in_dim3A_1057 : vector<1x1xf32> to vector<1x128xf32>
        %select_n3A_1059 = arith.select %eq3A_1056, %broadcast_in_dim3A_1058, %get3A_1040 : vector<1x128xi1>, vector<1x128xf32>
        %swap3A_1060 = arith.index_cast %select_n3A_974 : i32 to index
        %swap3A_1061 = arith.constant 0 : index
        %swap3A_1062 = vector.load %arg8[%swap3A_1060, %swap3A_1061] : memref<80x128xf32, #tpu.memory_space<vmem>>, vector<1x128xf32>
        tpu.vector_store %arg8[%swap3A_1060, %swap3A_1061], %select_n3A_1059 {strides = array<i32>} : memref<80x128xf32, #tpu.memory_space<vmem>>, vector<1x128xf32>,
        %eq3A_1063 = vector.broadcast %sub3A_1031 : i32 to vector<1x128xi32>
        %eq3A_1064 = arith.cmpi eq, %iota3A_22, %eq3A_1063 : vector<1x128xi32>
        %broadcast_in_dim3A_1065 = vector.shape_cast %broadcast_in_dim3A_923 : vector<1x1xf32> to vector<1x1xf32>
        %broadcast_in_dim3A_1066 = vector.broadcast %broadcast_in_dim3A_1065 : vector<1x1xf32> to vector<1x128xf32>
        %select_n3A_1067 = arith.select %eq3A_1064, %broadcast_in_dim3A_1066, %get3A_1043 : vector<1x128xi1>, vector<1x128xf32>
        %swap3A_1068 = arith.index_cast %select_n3A_998 : i32 to index
        %swap3A_1069 = arith.constant 0 : index
        %swap3A_1070 = vector.load %arg9[%swap3A_1068, %swap3A_1069] : memref<80x128xf32, #tpu.memory_space<vmem>>, vector<1x128xf32>
        tpu.vector_store %arg9[%swap3A_1068, %swap3A_1069], %select_n3A_1067 {strides = array<i32>} : memref<80x128xf32, #tpu.memory_space<vmem>>, vector<1x128xf32>,
        %eq3A_1071 = vector.broadcast %sub3A_1034 : i32 to vector<1x128xi32>
        %eq3A_1072 = arith.cmpi eq, %iota3A_22, %eq3A_1071 : vector<1x128xi32>
        %broadcast_in_dim3A_1073 = vector.shape_cast %broadcast_in_dim3A_926 : vector<1x1xf32> to vector<1x1xf32>
        %broadcast_in_dim3A_1074 = vector.broadcast %broadcast_in_dim3A_1073 : vector<1x1xf32> to vector<1x128xf32>
        %select_n3A_1075 = arith.select %eq3A_1072, %broadcast_in_dim3A_1074, %get3A_1046 : vector<1x128xi1>, vector<1x128xf32>
        %swap3A_1076 = arith.index_cast %select_n3A_1022 : i32 to index
        %swap3A_1077 = arith.constant 0 : index
        %swap3A_1078 = vector.load %arg10[%swap3A_1076, %swap3A_1077] : memref<80x128xf32, #tpu.memory_space<vmem>>, vector<1x128xf32>
        tpu.vector_store %arg10[%swap3A_1076, %swap3A_1077], %select_n3A_1075 {strides = array<i32>} : memref<80x128xf32, #tpu.memory_space<vmem>>, vector<1x128xf32>,
        %eq3A_1079 = vector.broadcast %scan3A_766 : i32 to vector<1x128xi32>
        %eq3A_1080 = arith.cmpi eq, %iota3A, %eq3A_1079 : vector<1x128xi32>
        %broadcast_in_dim3A_1081 = vector.broadcast %reduce_max3A_783 : f32 to vector<1x128xf32>
        %select_n3A_1082 = arith.select %eq3A_1080, %broadcast_in_dim3A_1081, %select_n3A_730 : vector<1x128xi1>, vector<1x128xf32>
        %convert_element_type3A_1083 = arith.sitofp %reduce_min3A_808 : i32 to f32
        %broadcast_in_dim3A_1084 = vector.broadcast %convert_element_type3A_1083 : f32 to vector<1x128xf32>
        %select_n3A_1085 = arith.select %eq3A_1080, %broadcast_in_dim3A_1084, %select_n3A_733 : vector<1x128xi1>, vector<1x128xf32>
        %convert_element_type3A_1086 = arith.sitofp %broadcast_in_dim3A_858 : vector<1x1xi32> to vector<1x1xf32>
        %broadcast_in_dim3A_1087 = vector.shape_cast %convert_element_type3A_1086 : vector<1x1xf32> to vector<1x1xf32>
        %broadcast_in_dim3A_1088 = vector.broadcast %broadcast_in_dim3A_1087 : vector<1x1xf32> to vector<1x128xf32>
        %select_n3A_1089 = arith.select %eq3A_1080, %broadcast_in_dim3A_1088, %select_n3A_737 : vector<1x128xi1>, vector<1x128xf32>
        %broadcast_in_dim3A_1090 = vector.broadcast %reduce_max3A_788 : f32 to vector<1x128xf32>
        %select_n3A_1091 = arith.select %eq3A_1080, %broadcast_in_dim3A_1090, %select_n3A_739 : vector<1x128xi1>, vector<1x128xf32>
        %convert_element_type3A_1092 = arith.sitofp %reduce_min3A_818 : i32 to f32
        %broadcast_in_dim3A_1093 = vector.broadcast %convert_element_type3A_1092 : f32 to vector<1x128xf32>
        %select_n3A_1094 = arith.select %eq3A_1080, %broadcast_in_dim3A_1093, %select_n3A_742 : vector<1x128xi1>, vector<1x128xf32>
        %convert_element_type3A_1095 = arith.sitofp %broadcast_in_dim3A_866 : vector<1x1xi32> to vector<1x1xf32>
        %broadcast_in_dim3A_1096 = vector.shape_cast %convert_element_type3A_1095 : vector<1x1xf32> to vector<1x1xf32>
        %broadcast_in_dim3A_1097 = vector.broadcast %broadcast_in_dim3A_1096 : vector<1x1xf32> to vector<1x128xf32>
        %select_n3A_1098 = arith.select %eq3A_1080, %broadcast_in_dim3A_1097, %select_n3A_746 : vector<1x128xi1>, vector<1x128xf32>
        %broadcast_in_dim3A_1099 = vector.broadcast %reduce_max3A_793 : f32 to vector<1x128xf32>
        %select_n3A_1100 = arith.select %eq3A_1080, %broadcast_in_dim3A_1099, %select_n3A_748 : vector<1x128xi1>, vector<1x128xf32>
        %convert_element_type3A_1101 = arith.sitofp %reduce_min3A_828 : i32 to f32
        %broadcast_in_dim3A_1102 = vector.broadcast %convert_element_type3A_1101 : f32 to vector<1x128xf32>
        %select_n3A_1103 = arith.select %eq3A_1080, %broadcast_in_dim3A_1102, %select_n3A_751 : vector<1x128xi1>, vector<1x128xf32>
        %convert_element_type3A_1104 = arith.sitofp %broadcast_in_dim3A_874 : vector<1x1xi32> to vector<1x1xf32>
        %broadcast_in_dim3A_1105 = vector.shape_cast %convert_element_type3A_1104 : vector<1x1xf32> to vector<1x1xf32>
        %broadcast_in_dim3A_1106 = vector.broadcast %broadcast_in_dim3A_1105 : vector<1x1xf32> to vector<1x128xf32>
        %select_n3A_1107 = arith.select %eq3A_1080, %broadcast_in_dim3A_1106, %select_n3A_755 : vector<1x128xi1>, vector<1x128xf32>
        %broadcast_in_dim3A_1108 = vector.broadcast %reduce_max3A_798 : f32 to vector<1x128xf32>
        %select_n3A_1109 = arith.select %eq3A_1080, %broadcast_in_dim3A_1108, %select_n3A_757 : vector<1x128xi1>, vector<1x128xf32>
        %convert_element_type3A_1110 = arith.sitofp %reduce_min3A_838 : i32 to f32
        %broadcast_in_dim3A_1111 = vector.broadcast %convert_element_type3A_1110 : f32 to vector<1x128xf32>
        %select_n3A_1112 = arith.select %eq3A_1080, %broadcast_in_dim3A_1111, %select_n3A_760 : vector<1x128xi1>, vector<1x128xf32>
        %convert_element_type3A_1113 = arith.sitofp %broadcast_in_dim3A_882 : vector<1x1xi32> to vector<1x1xf32>
        %broadcast_in_dim3A_1114 = vector.shape_cast %convert_element_type3A_1113 : vector<1x1xf32> to vector<1x1xf32>
        %broadcast_in_dim3A_1115 = vector.broadcast %broadcast_in_dim3A_1114 : vector<1x1xf32> to vector<1x128xf32>
        %select_n3A_1116 = arith.select %eq3A_1080, %broadcast_in_dim3A_1115, %select_n3A_764 : vector<1x128xi1>, vector<1x128xf32>
        %scan3A_1117 = arith.constant 3 : i32
        %scan3A_1118 = arith.addi %scan3A_61, %scan3A_1117 : i32
        %get3A_1119 = arith.constant 0 : index
        %get3A_1120 = arith.constant 0 : index
        %get3A_1121 = vector.load %arg7[%get3A_1119, %get3A_1120] : memref<80x128xf32, #tpu.memory_space<vmem>>, vector<80x128xf32>
        %get3A_1122 = arith.constant 0 : index
        %get3A_1123 = arith.constant 0 : index
        %get3A_1124 = vector.load %arg8[%get3A_1122, %get3A_1123] : memref<80x128xf32, #tpu.memory_space<vmem>>, vector<80x128xf32>
        %get3A_1125 = arith.constant 0 : index
        %get3A_1126 = arith.constant 0 : index
        %get3A_1127 = vector.load %arg9[%get3A_1125, %get3A_1126] : memref<80x128xf32, #tpu.memory_space<vmem>>, vector<80x128xf32>
        %get3A_1128 = arith.constant 0 : index
        %get3A_1129 = arith.constant 0 : index
        %get3A_1130 = vector.load %arg10[%get3A_1128, %get3A_1129] : memref<80x128xf32, #tpu.memory_space<vmem>>, vector<80x128xf32>
        %reduce_max3A_1131 = vector.shape_cast %get3A_1121 : vector<80x128xf32> to vector<1x80x128xf32>
        %reduce_max3A_1132 = arith.constant dense<0xFF800000> : vector<1xf32>
        %reduce_max3A_1133 = vector.multi_reduction <maximumf>, %reduce_max3A_1131, %reduce_max3A_1132 [1, 2] : vector<1x80x128xf32> to vector<1xf32>
        %reduce_max3A_1134 = vector.shape_cast %reduce_max3A_1133 : vector<1xf32> to vector<1x1x1xf32>
        %reduce_max3A_1135 = vector.extract %reduce_max3A_1134[0, 0, 0] : f32 from vector<1x1x1xf32>
        %reduce_max3A_1136 = vector.shape_cast %get3A_1124 : vector<80x128xf32> to vector<1x80x128xf32>
        %reduce_max3A_1137 = arith.constant dense<0xFF800000> : vector<1xf32>
        %reduce_max3A_1138 = vector.multi_reduction <maximumf>, %reduce_max3A_1136, %reduce_max3A_1137 [1, 2] : vector<1x80x128xf32> to vector<1xf32>
        %reduce_max3A_1139 = vector.shape_cast %reduce_max3A_1138 : vector<1xf32> to vector<1x1x1xf32>
        %reduce_max3A_1140 = vector.extract %reduce_max3A_1139[0, 0, 0] : f32 from vector<1x1x1xf32>
        %reduce_max3A_1141 = vector.shape_cast %get3A_1127 : vector<80x128xf32> to vector<1x80x128xf32>
        %reduce_max3A_1142 = arith.constant dense<0xFF800000> : vector<1xf32>
        %reduce_max3A_1143 = vector.multi_reduction <maximumf>, %reduce_max3A_1141, %reduce_max3A_1142 [1, 2] : vector<1x80x128xf32> to vector<1xf32>
        %reduce_max3A_1144 = vector.shape_cast %reduce_max3A_1143 : vector<1xf32> to vector<1x1x1xf32>
        %reduce_max3A_1145 = vector.extract %reduce_max3A_1144[0, 0, 0] : f32 from vector<1x1x1xf32>
        %reduce_max3A_1146 = vector.shape_cast %get3A_1130 : vector<80x128xf32> to vector<1x80x128xf32>
        %reduce_max3A_1147 = arith.constant dense<0xFF800000> : vector<1xf32>
        %reduce_max3A_1148 = vector.multi_reduction <maximumf>, %reduce_max3A_1146, %reduce_max3A_1147 [1, 2] : vector<1x80x128xf32> to vector<1xf32>
        %reduce_max3A_1149 = vector.shape_cast %reduce_max3A_1148 : vector<1xf32> to vector<1x1x1xf32>
        %reduce_max3A_1150 = vector.extract %reduce_max3A_1149[0, 0, 0] : f32 from vector<1x1x1xf32>
        %eq3A_1151 = vector.broadcast %reduce_max3A_1135 : f32 to vector<80x128xf32>
        %eq3A_1152 = arith.cmpf oeq, %get3A_1121, %eq3A_1151 : vector<80x128xf32>
        %jit3A_1153 = arith.constant 10240 : i32
        %broadcast_in_dim3A_1154 = vector.broadcast %jit3A_1153 : i32 to vector<80x128xi32>
        %select_n3A_1155 = arith.select %eq3A_1152, %add3A, %broadcast_in_dim3A_1154 : vector<80x128xi1>, vector<80x128xi32>
        %reduce_min3A_1156 = vector.shape_cast %select_n3A_1155 : vector<80x128xi32> to vector<1x80x128xi32>
        %reduce_min3A_1157 = arith.constant dense<2147483647> : vector<1xi32>
        %reduce_min3A_1158 = vector.multi_reduction <minsi>, %reduce_min3A_1156, %reduce_min3A_1157 [1, 2] : vector<1x80x128xi32> to vector<1xi32>
        %reduce_min3A_1159 = vector.shape_cast %reduce_min3A_1158 : vector<1xi32> to vector<1x1x1xi32>
        %reduce_min3A_1160 = vector.extract %reduce_min3A_1159[0, 0, 0] : i32 from vector<1x1x1xi32>
        %eq3A_1161 = vector.broadcast %reduce_max3A_1140 : f32 to vector<80x128xf32>
        %eq3A_1162 = arith.cmpf oeq, %get3A_1124, %eq3A_1161 : vector<80x128xf32>
        %jit3A_1163 = arith.constant 10240 : i32
        %broadcast_in_dim3A_1164 = vector.broadcast %jit3A_1163 : i32 to vector<80x128xi32>
        %select_n3A_1165 = arith.select %eq3A_1162, %add3A, %broadcast_in_dim3A_1164 : vector<80x128xi1>, vector<80x128xi32>
        %reduce_min3A_1166 = vector.shape_cast %select_n3A_1165 : vector<80x128xi32> to vector<1x80x128xi32>
        %reduce_min3A_1167 = arith.constant dense<2147483647> : vector<1xi32>
        %reduce_min3A_1168 = vector.multi_reduction <minsi>, %reduce_min3A_1166, %reduce_min3A_1167 [1, 2] : vector<1x80x128xi32> to vector<1xi32>
        %reduce_min3A_1169 = vector.shape_cast %reduce_min3A_1168 : vector<1xi32> to vector<1x1x1xi32>
        %reduce_min3A_1170 = vector.extract %reduce_min3A_1169[0, 0, 0] : i32 from vector<1x1x1xi32>
        %eq3A_1171 = vector.broadcast %reduce_max3A_1145 : f32 to vector<80x128xf32>
        %eq3A_1172 = arith.cmpf oeq, %get3A_1127, %eq3A_1171 : vector<80x128xf32>
        %jit3A_1173 = arith.constant 10240 : i32
        %broadcast_in_dim3A_1174 = vector.broadcast %jit3A_1173 : i32 to vector<80x128xi32>
        %select_n3A_1175 = arith.select %eq3A_1172, %add3A, %broadcast_in_dim3A_1174 : vector<80x128xi1>, vector<80x128xi32>
        %reduce_min3A_1176 = vector.shape_cast %select_n3A_1175 : vector<80x128xi32> to vector<1x80x128xi32>
        %reduce_min3A_1177 = arith.constant dense<2147483647> : vector<1xi32>
        %reduce_min3A_1178 = vector.multi_reduction <minsi>, %reduce_min3A_1176, %reduce_min3A_1177 [1, 2] : vector<1x80x128xi32> to vector<1xi32>
        %reduce_min3A_1179 = vector.shape_cast %reduce_min3A_1178 : vector<1xi32> to vector<1x1x1xi32>
        %reduce_min3A_1180 = vector.extract %reduce_min3A_1179[0, 0, 0] : i32 from vector<1x1x1xi32>
        %eq3A_1181 = vector.broadcast %reduce_max3A_1150 : f32 to vector<80x128xf32>
        %eq3A_1182 = arith.cmpf oeq, %get3A_1130, %eq3A_1181 : vector<80x128xf32>
        %jit3A_1183 = arith.constant 10240 : i32
        %broadcast_in_dim3A_1184 = vector.broadcast %jit3A_1183 : i32 to vector<80x128xi32>
        %select_n3A_1185 = arith.select %eq3A_1182, %add3A, %broadcast_in_dim3A_1184 : vector<80x128xi1>, vector<80x128xi32>
        %reduce_min3A_1186 = vector.shape_cast %select_n3A_1185 : vector<80x128xi32> to vector<1x80x128xi32>
        %reduce_min3A_1187 = arith.constant dense<2147483647> : vector<1xi32>
        %reduce_min3A_1188 = vector.multi_reduction <minsi>, %reduce_min3A_1186, %reduce_min3A_1187 [1, 2] : vector<1x80x128xi32> to vector<1xi32>
        %reduce_min3A_1189 = vector.shape_cast %reduce_min3A_1188 : vector<1xi32> to vector<1x1x1xi32>
        %reduce_min3A_1190 = vector.extract %reduce_min3A_1189[0, 0, 0] : i32 from vector<1x1x1xi32>
        %get3A_1191 = arith.index_cast %reduce_min3A_1160 : i32 to index
        %get3A_1192 = arith.constant 0 : index
        %get3A_1193 = vector.load %arg3[%get3A_1191, %get3A_1192] : memref<10240x128xf32, #tpu.memory_space<vmem>>, vector<1x128xf32>
        %get3A_1194 = arith.index_cast %reduce_min3A_1170 : i32 to index
        %get3A_1195 = arith.constant 0 : index
        %get3A_1196 = vector.load %arg4[%get3A_1194, %get3A_1195] : memref<10240x128xf32, #tpu.memory_space<vmem>>, vector<1x128xf32>
        %get3A_1197 = arith.index_cast %reduce_min3A_1180 : i32 to index
        %get3A_1198 = arith.constant 0 : index
        %get3A_1199 = vector.load %arg5[%get3A_1197, %get3A_1198] : memref<10240x128xf32, #tpu.memory_space<vmem>>, vector<1x128xf32>
        %get3A_1200 = arith.index_cast %reduce_min3A_1190 : i32 to index
        %get3A_1201 = arith.constant 0 : index
        %get3A_1202 = vector.load %arg6[%get3A_1200, %get3A_1201] : memref<10240x128xf32, #tpu.memory_space<vmem>>, vector<1x128xf32>
        %eq3A_1203 = vector.broadcast %reduce_max3A_1135 : f32 to vector<1x128xf32>
        %eq3A_1204 = arith.cmpf oeq, %get3A_1193, %eq3A_1203 : vector<1x128xf32>
        %jit3A_1205 = arith.constant 128 : i32
        %broadcast_in_dim3A_1206 = vector.broadcast %jit3A_1205 : i32 to vector<1x128xi32>
        %select_n3A_1207 = arith.select %eq3A_1204, %iota3A, %broadcast_in_dim3A_1206 : vector<1x128xi1>, vector<1x128xi32>
        %reduce_min3A_1208 = arith.constant dense<2147483647> : vector<1xi32>
        %reduce_min3A_1209 = vector.multi_reduction <minsi>, %select_n3A_1207, %reduce_min3A_1208 [1] : vector<1x128xi32> to vector<1xi32>
        %broadcast_in_dim3A_1210 = vector.shape_cast %reduce_min3A_1209 : vector<1xi32> to vector<1x1xi32>
        %eq3A_1211 = vector.broadcast %reduce_max3A_1140 : f32 to vector<1x128xf32>
        %eq3A_1212 = arith.cmpf oeq, %get3A_1196, %eq3A_1211 : vector<1x128xf32>
        %jit3A_1213 = arith.constant 128 : i32
        %broadcast_in_dim3A_1214 = vector.broadcast %jit3A_1213 : i32 to vector<1x128xi32>
        %select_n3A_1215 = arith.select %eq3A_1212, %iota3A, %broadcast_in_dim3A_1214 : vector<1x128xi1>, vector<1x128xi32>
        %reduce_min3A_1216 = arith.constant dense<2147483647> : vector<1xi32>
        %reduce_min3A_1217 = vector.multi_reduction <minsi>, %select_n3A_1215, %reduce_min3A_1216 [1] : vector<1x128xi32> to vector<1xi32>
        %broadcast_in_dim3A_1218 = vector.shape_cast %reduce_min3A_1217 : vector<1xi32> to vector<1x1xi32>
        %eq3A_1219 = vector.broadcast %reduce_max3A_1145 : f32 to vector<1x128xf32>
        %eq3A_1220 = arith.cmpf oeq, %get3A_1199, %eq3A_1219 : vector<1x128xf32>
        %jit3A_1221 = arith.constant 128 : i32
        %broadcast_in_dim3A_1222 = vector.broadcast %jit3A_1221 : i32 to vector<1x128xi32>
        %select_n3A_1223 = arith.select %eq3A_1220, %iota3A, %broadcast_in_dim3A_1222 : vector<1x128xi1>, vector<1x128xi32>
        %reduce_min3A_1224 = arith.constant dense<2147483647> : vector<1xi32>
        %reduce_min3A_1225 = vector.multi_reduction <minsi>, %select_n3A_1223, %reduce_min3A_1224 [1] : vector<1x128xi32> to vector<1xi32>
        %broadcast_in_dim3A_1226 = vector.shape_cast %reduce_min3A_1225 : vector<1xi32> to vector<1x1xi32>
        %eq3A_1227 = vector.broadcast %reduce_max3A_1150 : f32 to vector<1x128xf32>
        %eq3A_1228 = arith.cmpf oeq, %get3A_1202, %eq3A_1227 : vector<1x128xf32>
        %jit3A_1229 = arith.constant 128 : i32
        %broadcast_in_dim3A_1230 = vector.broadcast %jit3A_1229 : i32 to vector<1x128xi32>
        %select_n3A_1231 = arith.select %eq3A_1228, %iota3A, %broadcast_in_dim3A_1230 : vector<1x128xi1>, vector<1x128xi32>
        %reduce_min3A_1232 = arith.constant dense<2147483647> : vector<1xi32>
        %reduce_min3A_1233 = vector.multi_reduction <minsi>, %select_n3A_1231, %reduce_min3A_1232 [1] : vector<1x128xi32> to vector<1xi32>
        %broadcast_in_dim3A_1234 = vector.shape_cast %reduce_min3A_1233 : vector<1xi32> to vector<1x1xi32>
        %eq3A_1235 = vector.broadcast %broadcast_in_dim3A_1210 : vector<1x1xi32> to vector<1x128xi32>
        %eq3A_1236 = arith.cmpi eq, %iota3A, %eq3A_1235 : vector<1x128xi32>
        %jit3A_1237 = arith.constant -1.000000e+00 : f32
        %broadcast_in_dim3A_1238 = vector.broadcast %jit3A_1237 : f32 to vector<1x128xf32>
        %select_n3A_1239 = arith.select %eq3A_1236, %broadcast_in_dim3A_1238, %get3A_1193 : vector<1x128xi1>, vector<1x128xf32>
        %eq3A_1240 = vector.broadcast %broadcast_in_dim3A_1218 : vector<1x1xi32> to vector<1x128xi32>
        %eq3A_1241 = arith.cmpi eq, %iota3A, %eq3A_1240 : vector<1x128xi32>
        %jit3A_1242 = arith.constant -1.000000e+00 : f32
        %broadcast_in_dim3A_1243 = vector.broadcast %jit3A_1242 : f32 to vector<1x128xf32>
        %select_n3A_1244 = arith.select %eq3A_1241, %broadcast_in_dim3A_1243, %get3A_1196 : vector<1x128xi1>, vector<1x128xf32>
        %eq3A_1245 = vector.broadcast %broadcast_in_dim3A_1226 : vector<1x1xi32> to vector<1x128xi32>
        %eq3A_1246 = arith.cmpi eq, %iota3A, %eq3A_1245 : vector<1x128xi32>
        %jit3A_1247 = arith.constant -1.000000e+00 : f32
        %broadcast_in_dim3A_1248 = vector.broadcast %jit3A_1247 : f32 to vector<1x128xf32>
        %select_n3A_1249 = arith.select %eq3A_1246, %broadcast_in_dim3A_1248, %get3A_1199 : vector<1x128xi1>, vector<1x128xf32>
        %eq3A_1250 = vector.broadcast %broadcast_in_dim3A_1234 : vector<1x1xi32> to vector<1x128xi32>
        %eq3A_1251 = arith.cmpi eq, %iota3A, %eq3A_1250 : vector<1x128xi32>
        %jit3A_1252 = arith.constant -1.000000e+00 : f32
        %broadcast_in_dim3A_1253 = vector.broadcast %jit3A_1252 : f32 to vector<1x128xf32>
        %select_n3A_1254 = arith.select %eq3A_1251, %broadcast_in_dim3A_1253, %get3A_1202 : vector<1x128xi1>, vector<1x128xf32>
        %swap3A_1255 = arith.index_cast %reduce_min3A_1160 : i32 to index
        %swap3A_1256 = arith.constant 0 : index
        %swap3A_1257 = vector.load %arg3[%swap3A_1255, %swap3A_1256] : memref<10240x128xf32, #tpu.memory_space<vmem>>, vector<1x128xf32>
        tpu.vector_store %arg3[%swap3A_1255, %swap3A_1256], %select_n3A_1239 {strides = array<i32>} : memref<10240x128xf32, #tpu.memory_space<vmem>>, vector<1x128xf32>,
        %swap3A_1258 = arith.index_cast %reduce_min3A_1170 : i32 to index
        %swap3A_1259 = arith.constant 0 : index
        %swap3A_1260 = vector.load %arg4[%swap3A_1258, %swap3A_1259] : memref<10240x128xf32, #tpu.memory_space<vmem>>, vector<1x128xf32>
        tpu.vector_store %arg4[%swap3A_1258, %swap3A_1259], %select_n3A_1244 {strides = array<i32>} : memref<10240x128xf32, #tpu.memory_space<vmem>>, vector<1x128xf32>,
        %swap3A_1261 = arith.index_cast %reduce_min3A_1180 : i32 to index
        %swap3A_1262 = arith.constant 0 : index
        %swap3A_1263 = vector.load %arg5[%swap3A_1261, %swap3A_1262] : memref<10240x128xf32, #tpu.memory_space<vmem>>, vector<1x128xf32>
        tpu.vector_store %arg5[%swap3A_1261, %swap3A_1262], %select_n3A_1249 {strides = array<i32>} : memref<10240x128xf32, #tpu.memory_space<vmem>>, vector<1x128xf32>,
        %swap3A_1264 = arith.index_cast %reduce_min3A_1190 : i32 to index
        %swap3A_1265 = arith.constant 0 : index
        %swap3A_1266 = vector.load %arg6[%swap3A_1264, %swap3A_1265] : memref<10240x128xf32, #tpu.memory_space<vmem>>, vector<1x128xf32>
        tpu.vector_store %arg6[%swap3A_1264, %swap3A_1265], %select_n3A_1254 {strides = array<i32>} : memref<10240x128xf32, #tpu.memory_space<vmem>>, vector<1x128xf32>,
        %reduce_max3A_1267 = arith.constant dense<0xFF800000> : vector<1xf32>
        %reduce_max3A_1268 = vector.multi_reduction <maximumf>, %select_n3A_1239, %reduce_max3A_1267 [1] : vector<1x128xf32> to vector<1xf32>
        %broadcast_in_dim3A_1269 = vector.shape_cast %reduce_max3A_1268 : vector<1xf32> to vector<1x1xf32>
        %reduce_max3A_1270 = arith.constant dense<0xFF800000> : vector<1xf32>
        %reduce_max3A_1271 = vector.multi_reduction <maximumf>, %select_n3A_1244, %reduce_max3A_1270 [1] : vector<1x128xf32> to vector<1xf32>
        %broadcast_in_dim3A_1272 = vector.shape_cast %reduce_max3A_1271 : vector<1xf32> to vector<1x1xf32>
        %reduce_max3A_1273 = arith.constant dense<0xFF800000> : vector<1xf32>
        %reduce_max3A_1274 = vector.multi_reduction <maximumf>, %select_n3A_1249, %reduce_max3A_1273 [1] : vector<1x128xf32> to vector<1xf32>
        %broadcast_in_dim3A_1275 = vector.shape_cast %reduce_max3A_1274 : vector<1xf32> to vector<1x1xf32>
        %reduce_max3A_1276 = arith.constant dense<0xFF800000> : vector<1xf32>
        %reduce_max3A_1277 = vector.multi_reduction <maximumf>, %select_n3A_1254, %reduce_max3A_1276 [1] : vector<1x128xf32> to vector<1xf32>
        %broadcast_in_dim3A_1278 = vector.shape_cast %reduce_max3A_1277 : vector<1xf32> to vector<1x1xf32>
        %jit3A_1279 = arith.constant 128 : i32
        %div3A_1280 = arith.divsi %reduce_min3A_1160, %jit3A_1279 : i32
        %sign3A_1281 = arith.constant 0 : i32
        %sign3A_1282 = arith.cmpi sgt, %reduce_min3A_1160, %sign3A_1281 : i32
        %sign3A_1283 = arith.extui %sign3A_1282 : i1 to i32
        %sign3A_1284 = arith.constant 0 : i32
        %sign3A_1285 = arith.cmpi slt, %reduce_min3A_1160, %sign3A_1284 : i32
        %sign3A_1286 = arith.extui %sign3A_1285 : i1 to i32
        %sign3A_1287 = arith.subi %sign3A_1283, %sign3A_1286 : i32
        %sign3A_1288 = arith.constant 0 : i32
        %sign3A_1289 = arith.cmpi sgt, %jit3A_1279, %sign3A_1288 : i32
        %sign3A_1290 = arith.extui %sign3A_1289 : i1 to i32
        %sign3A_1291 = arith.constant 0 : i32
        %sign3A_1292 = arith.cmpi slt, %jit3A_1279, %sign3A_1291 : i32
        %sign3A_1293 = arith.extui %sign3A_1292 : i1 to i32
        %sign3A_1294 = arith.subi %sign3A_1290, %sign3A_1293 : i32
        %ne3A_1295 = arith.cmpi ne, %sign3A_1287, %sign3A_1294 : i32
        %rem3A_1296 = arith.remsi %reduce_min3A_1160, %jit3A_1279 : i32
        %ne3A_1297 = arith.constant 0 : i32
        %ne3A_1298 = arith.cmpi ne, %rem3A_1296, %ne3A_1297 : i32
        %and3A_1299 = arith.andi %ne3A_1295, %ne3A_1298 : i1
        %sub3A_1300 = arith.constant 1 : i32
        %sub3A_1301 = arith.subi %div3A_1280, %sub3A_1300 : i32
        %select_n3A_1302 = arith.select %and3A_1299, %sub3A_1301, %div3A_1280 : i32
        %jit3A_1303 = arith.constant 128 : i32
        %div3A_1304 = arith.divsi %reduce_min3A_1170, %jit3A_1303 : i32
        %sign3A_1305 = arith.constant 0 : i32
        %sign3A_1306 = arith.cmpi sgt, %reduce_min3A_1170, %sign3A_1305 : i32
        %sign3A_1307 = arith.extui %sign3A_1306 : i1 to i32
        %sign3A_1308 = arith.constant 0 : i32
        %sign3A_1309 = arith.cmpi slt, %reduce_min3A_1170, %sign3A_1308 : i32
        %sign3A_1310 = arith.extui %sign3A_1309 : i1 to i32
        %sign3A_1311 = arith.subi %sign3A_1307, %sign3A_1310 : i32
        %sign3A_1312 = arith.constant 0 : i32
        %sign3A_1313 = arith.cmpi sgt, %jit3A_1303, %sign3A_1312 : i32
        %sign3A_1314 = arith.extui %sign3A_1313 : i1 to i32
        %sign3A_1315 = arith.constant 0 : i32
        %sign3A_1316 = arith.cmpi slt, %jit3A_1303, %sign3A_1315 : i32
        %sign3A_1317 = arith.extui %sign3A_1316 : i1 to i32
        %sign3A_1318 = arith.subi %sign3A_1314, %sign3A_1317 : i32
        %ne3A_1319 = arith.cmpi ne, %sign3A_1311, %sign3A_1318 : i32
        %rem3A_1320 = arith.remsi %reduce_min3A_1170, %jit3A_1303 : i32
        %ne3A_1321 = arith.constant 0 : i32
        %ne3A_1322 = arith.cmpi ne, %rem3A_1320, %ne3A_1321 : i32
        %and3A_1323 = arith.andi %ne3A_1319, %ne3A_1322 : i1
        %sub3A_1324 = arith.constant 1 : i32
        %sub3A_1325 = arith.subi %div3A_1304, %sub3A_1324 : i32
        %select_n3A_1326 = arith.select %and3A_1323, %sub3A_1325, %div3A_1304 : i32
        %jit3A_1327 = arith.constant 128 : i32
        %div3A_1328 = arith.divsi %reduce_min3A_1180, %jit3A_1327 : i32
        %sign3A_1329 = arith.constant 0 : i32
        %sign3A_1330 = arith.cmpi sgt, %reduce_min3A_1180, %sign3A_1329 : i32
        %sign3A_1331 = arith.extui %sign3A_1330 : i1 to i32
        %sign3A_1332 = arith.constant 0 : i32
        %sign3A_1333 = arith.cmpi slt, %reduce_min3A_1180, %sign3A_1332 : i32
        %sign3A_1334 = arith.extui %sign3A_1333 : i1 to i32
        %sign3A_1335 = arith.subi %sign3A_1331, %sign3A_1334 : i32
        %sign3A_1336 = arith.constant 0 : i32
        %sign3A_1337 = arith.cmpi sgt, %jit3A_1327, %sign3A_1336 : i32
        %sign3A_1338 = arith.extui %sign3A_1337 : i1 to i32
        %sign3A_1339 = arith.constant 0 : i32
        %sign3A_1340 = arith.cmpi slt, %jit3A_1327, %sign3A_1339 : i32
        %sign3A_1341 = arith.extui %sign3A_1340 : i1 to i32
        %sign3A_1342 = arith.subi %sign3A_1338, %sign3A_1341 : i32
        %ne3A_1343 = arith.cmpi ne, %sign3A_1335, %sign3A_1342 : i32
        %rem3A_1344 = arith.remsi %reduce_min3A_1180, %jit3A_1327 : i32
        %ne3A_1345 = arith.constant 0 : i32
        %ne3A_1346 = arith.cmpi ne, %rem3A_1344, %ne3A_1345 : i32
        %and3A_1347 = arith.andi %ne3A_1343, %ne3A_1346 : i1
        %sub3A_1348 = arith.constant 1 : i32
        %sub3A_1349 = arith.subi %div3A_1328, %sub3A_1348 : i32
        %select_n3A_1350 = arith.select %and3A_1347, %sub3A_1349, %div3A_1328 : i32
        %jit3A_1351 = arith.constant 128 : i32
        %div3A_1352 = arith.divsi %reduce_min3A_1190, %jit3A_1351 : i32
        %sign3A_1353 = arith.constant 0 : i32
        %sign3A_1354 = arith.cmpi sgt, %reduce_min3A_1190, %sign3A_1353 : i32
        %sign3A_1355 = arith.extui %sign3A_1354 : i1 to i32
        %sign3A_1356 = arith.constant 0 : i32
        %sign3A_1357 = arith.cmpi slt, %reduce_min3A_1190, %sign3A_1356 : i32
        %sign3A_1358 = arith.extui %sign3A_1357 : i1 to i32
        %sign3A_1359 = arith.subi %sign3A_1355, %sign3A_1358 : i32
        %sign3A_1360 = arith.constant 0 : i32
        %sign3A_1361 = arith.cmpi sgt, %jit3A_1351, %sign3A_1360 : i32
        %sign3A_1362 = arith.extui %sign3A_1361 : i1 to i32
        %sign3A_1363 = arith.constant 0 : i32
        %sign3A_1364 = arith.cmpi slt, %jit3A_1351, %sign3A_1363 : i32
        %sign3A_1365 = arith.extui %sign3A_1364 : i1 to i32
        %sign3A_1366 = arith.subi %sign3A_1362, %sign3A_1365 : i32
        %ne3A_1367 = arith.cmpi ne, %sign3A_1359, %sign3A_1366 : i32
        %rem3A_1368 = arith.remsi %reduce_min3A_1190, %jit3A_1351 : i32
        %ne3A_1369 = arith.constant 0 : i32
        %ne3A_1370 = arith.cmpi ne, %rem3A_1368, %ne3A_1369 : i32
        %and3A_1371 = arith.andi %ne3A_1367, %ne3A_1370 : i1
        %sub3A_1372 = arith.constant 1 : i32
        %sub3A_1373 = arith.subi %div3A_1352, %sub3A_1372 : i32
        %select_n3A_1374 = arith.select %and3A_1371, %sub3A_1373, %div3A_1352 : i32
        %mul3A_1375 = arith.constant 128 : i32
        %mul3A_1376 = arith.muli %select_n3A_1302, %mul3A_1375 : i32
        %sub3A_1377 = arith.subi %reduce_min3A_1160, %mul3A_1376 : i32
        %mul3A_1378 = arith.constant 128 : i32
        %mul3A_1379 = arith.muli %select_n3A_1326, %mul3A_1378 : i32
        %sub3A_1380 = arith.subi %reduce_min3A_1170, %mul3A_1379 : i32
        %mul3A_1381 = arith.constant 128 : i32
        %mul3A_1382 = arith.muli %select_n3A_1350, %mul3A_1381 : i32
        %sub3A_1383 = arith.subi %reduce_min3A_1180, %mul3A_1382 : i32
        %mul3A_1384 = arith.constant 128 : i32
        %mul3A_1385 = arith.muli %select_n3A_1374, %mul3A_1384 : i32
        %sub3A_1386 = arith.subi %reduce_min3A_1190, %mul3A_1385 : i32
        %get3A_1387 = arith.index_cast %select_n3A_1302 : i32 to index
        %get3A_1388 = arith.constant 0 : index
        %get3A_1389 = vector.load %arg7[%get3A_1387, %get3A_1388] : memref<80x128xf32, #tpu.memory_space<vmem>>, vector<1x128xf32>
        %get3A_1390 = arith.index_cast %select_n3A_1326 : i32 to index
        %get3A_1391 = arith.constant 0 : index
        %get3A_1392 = vector.load %arg8[%get3A_1390, %get3A_1391] : memref<80x128xf32, #tpu.memory_space<vmem>>, vector<1x128xf32>
        %get3A_1393 = arith.index_cast %select_n3A_1350 : i32 to index
        %get3A_1394 = arith.constant 0 : index
        %get3A_1395 = vector.load %arg9[%get3A_1393, %get3A_1394] : memref<80x128xf32, #tpu.memory_space<vmem>>, vector<1x128xf32>
        %get3A_1396 = arith.index_cast %select_n3A_1374 : i32 to index
        %get3A_1397 = arith.constant 0 : index
        %get3A_1398 = vector.load %arg10[%get3A_1396, %get3A_1397] : memref<80x128xf32, #tpu.memory_space<vmem>>, vector<1x128xf32>
        %eq3A_1399 = vector.broadcast %sub3A_1377 : i32 to vector<1x128xi32>
        %eq3A_1400 = arith.cmpi eq, %iota3A_22, %eq3A_1399 : vector<1x128xi32>
        %broadcast_in_dim3A_1401 = vector.shape_cast %broadcast_in_dim3A_1269 : vector<1x1xf32> to vector<1x1xf32>
        %broadcast_in_dim3A_1402 = vector.broadcast %broadcast_in_dim3A_1401 : vector<1x1xf32> to vector<1x128xf32>
        %select_n3A_1403 = arith.select %eq3A_1400, %broadcast_in_dim3A_1402, %get3A_1389 : vector<1x128xi1>, vector<1x128xf32>
        %swap3A_1404 = arith.index_cast %select_n3A_1302 : i32 to index
        %swap3A_1405 = arith.constant 0 : index
        %swap3A_1406 = vector.load %arg7[%swap3A_1404, %swap3A_1405] : memref<80x128xf32, #tpu.memory_space<vmem>>, vector<1x128xf32>
        tpu.vector_store %arg7[%swap3A_1404, %swap3A_1405], %select_n3A_1403 {strides = array<i32>} : memref<80x128xf32, #tpu.memory_space<vmem>>, vector<1x128xf32>,
        %eq3A_1407 = vector.broadcast %sub3A_1380 : i32 to vector<1x128xi32>
        %eq3A_1408 = arith.cmpi eq, %iota3A_22, %eq3A_1407 : vector<1x128xi32>
        %broadcast_in_dim3A_1409 = vector.shape_cast %broadcast_in_dim3A_1272 : vector<1x1xf32> to vector<1x1xf32>
        %broadcast_in_dim3A_1410 = vector.broadcast %broadcast_in_dim3A_1409 : vector<1x1xf32> to vector<1x128xf32>
        %select_n3A_1411 = arith.select %eq3A_1408, %broadcast_in_dim3A_1410, %get3A_1392 : vector<1x128xi1>, vector<1x128xf32>
        %swap3A_1412 = arith.index_cast %select_n3A_1326 : i32 to index
        %swap3A_1413 = arith.constant 0 : index
        %swap3A_1414 = vector.load %arg8[%swap3A_1412, %swap3A_1413] : memref<80x128xf32, #tpu.memory_space<vmem>>, vector<1x128xf32>
        tpu.vector_store %arg8[%swap3A_1412, %swap3A_1413], %select_n3A_1411 {strides = array<i32>} : memref<80x128xf32, #tpu.memory_space<vmem>>, vector<1x128xf32>,
        %eq3A_1415 = vector.broadcast %sub3A_1383 : i32 to vector<1x128xi32>
        %eq3A_1416 = arith.cmpi eq, %iota3A_22, %eq3A_1415 : vector<1x128xi32>
        %broadcast_in_dim3A_1417 = vector.shape_cast %broadcast_in_dim3A_1275 : vector<1x1xf32> to vector<1x1xf32>
        %broadcast_in_dim3A_1418 = vector.broadcast %broadcast_in_dim3A_1417 : vector<1x1xf32> to vector<1x128xf32>
        %select_n3A_1419 = arith.select %eq3A_1416, %broadcast_in_dim3A_1418, %get3A_1395 : vector<1x128xi1>, vector<1x128xf32>
        %swap3A_1420 = arith.index_cast %select_n3A_1350 : i32 to index
        %swap3A_1421 = arith.constant 0 : index
        %swap3A_1422 = vector.load %arg9[%swap3A_1420, %swap3A_1421] : memref<80x128xf32, #tpu.memory_space<vmem>>, vector<1x128xf32>
        tpu.vector_store %arg9[%swap3A_1420, %swap3A_1421], %select_n3A_1419 {strides = array<i32>} : memref<80x128xf32, #tpu.memory_space<vmem>>, vector<1x128xf32>,
        %eq3A_1423 = vector.broadcast %sub3A_1386 : i32 to vector<1x128xi32>
        %eq3A_1424 = arith.cmpi eq, %iota3A_22, %eq3A_1423 : vector<1x128xi32>
        %broadcast_in_dim3A_1425 = vector.shape_cast %broadcast_in_dim3A_1278 : vector<1x1xf32> to vector<1x1xf32>
        %broadcast_in_dim3A_1426 = vector.broadcast %broadcast_in_dim3A_1425 : vector<1x1xf32> to vector<1x128xf32>
        %select_n3A_1427 = arith.select %eq3A_1424, %broadcast_in_dim3A_1426, %get3A_1398 : vector<1x128xi1>, vector<1x128xf32>
        %swap3A_1428 = arith.index_cast %select_n3A_1374 : i32 to index
        %swap3A_1429 = arith.constant 0 : index
        %swap3A_1430 = vector.load %arg10[%swap3A_1428, %swap3A_1429] : memref<80x128xf32, #tpu.memory_space<vmem>>, vector<1x128xf32>
        tpu.vector_store %arg10[%swap3A_1428, %swap3A_1429], %select_n3A_1427 {strides = array<i32>} : memref<80x128xf32, #tpu.memory_space<vmem>>, vector<1x128xf32>,
        %eq3A_1431 = vector.broadcast %scan3A_1118 : i32 to vector<1x128xi32>
        %eq3A_1432 = arith.cmpi eq, %iota3A, %eq3A_1431 : vector<1x128xi32>
        %broadcast_in_dim3A_1433 = vector.broadcast %reduce_max3A_1135 : f32 to vector<1x128xf32>
        %select_n3A_1434 = arith.select %eq3A_1432, %broadcast_in_dim3A_1433, %select_n3A_1082 : vector<1x128xi1>, vector<1x128xf32>
        %convert_element_type3A_1435 = arith.sitofp %reduce_min3A_1160 : i32 to f32
        %broadcast_in_dim3A_1436 = vector.broadcast %convert_element_type3A_1435 : f32 to vector<1x128xf32>
        %select_n3A_1437 = arith.select %eq3A_1432, %broadcast_in_dim3A_1436, %select_n3A_1085 : vector<1x128xi1>, vector<1x128xf32>
        %convert_element_type3A_1438 = arith.sitofp %broadcast_in_dim3A_1210 : vector<1x1xi32> to vector<1x1xf32>
        %broadcast_in_dim3A_1439 = vector.shape_cast %convert_element_type3A_1438 : vector<1x1xf32> to vector<1x1xf32>
        %broadcast_in_dim3A_1440 = vector.broadcast %broadcast_in_dim3A_1439 : vector<1x1xf32> to vector<1x128xf32>
        %select_n3A_1441 = arith.select %eq3A_1432, %broadcast_in_dim3A_1440, %select_n3A_1089 : vector<1x128xi1>, vector<1x128xf32>
        %broadcast_in_dim3A_1442 = vector.broadcast %reduce_max3A_1140 : f32 to vector<1x128xf32>
        %select_n3A_1443 = arith.select %eq3A_1432, %broadcast_in_dim3A_1442, %select_n3A_1091 : vector<1x128xi1>, vector<1x128xf32>
        %convert_element_type3A_1444 = arith.sitofp %reduce_min3A_1170 : i32 to f32
        %broadcast_in_dim3A_1445 = vector.broadcast %convert_element_type3A_1444 : f32 to vector<1x128xf32>
        %select_n3A_1446 = arith.select %eq3A_1432, %broadcast_in_dim3A_1445, %select_n3A_1094 : vector<1x128xi1>, vector<1x128xf32>
        %convert_element_type3A_1447 = arith.sitofp %broadcast_in_dim3A_1218 : vector<1x1xi32> to vector<1x1xf32>
        %broadcast_in_dim3A_1448 = vector.shape_cast %convert_element_type3A_1447 : vector<1x1xf32> to vector<1x1xf32>
        %broadcast_in_dim3A_1449 = vector.broadcast %broadcast_in_dim3A_1448 : vector<1x1xf32> to vector<1x128xf32>
        %select_n3A_1450 = arith.select %eq3A_1432, %broadcast_in_dim3A_1449, %select_n3A_1098 : vector<1x128xi1>, vector<1x128xf32>
        %broadcast_in_dim3A_1451 = vector.broadcast %reduce_max3A_1145 : f32 to vector<1x128xf32>
        %select_n3A_1452 = arith.select %eq3A_1432, %broadcast_in_dim3A_1451, %select_n3A_1100 : vector<1x128xi1>, vector<1x128xf32>
        %convert_element_type3A_1453 = arith.sitofp %reduce_min3A_1180 : i32 to f32
        %broadcast_in_dim3A_1454 = vector.broadcast %convert_element_type3A_1453 : f32 to vector<1x128xf32>
        %select_n3A_1455 = arith.select %eq3A_1432, %broadcast_in_dim3A_1454, %select_n3A_1103 : vector<1x128xi1>, vector<1x128xf32>
        %convert_element_type3A_1456 = arith.sitofp %broadcast_in_dim3A_1226 : vector<1x1xi32> to vector<1x1xf32>
        %broadcast_in_dim3A_1457 = vector.shape_cast %convert_element_type3A_1456 : vector<1x1xf32> to vector<1x1xf32>
        %broadcast_in_dim3A_1458 = vector.broadcast %broadcast_in_dim3A_1457 : vector<1x1xf32> to vector<1x128xf32>
        %select_n3A_1459 = arith.select %eq3A_1432, %broadcast_in_dim3A_1458, %select_n3A_1107 : vector<1x128xi1>, vector<1x128xf32>
        %broadcast_in_dim3A_1460 = vector.broadcast %reduce_max3A_1150 : f32 to vector<1x128xf32>
        %select_n3A_1461 = arith.select %eq3A_1432, %broadcast_in_dim3A_1460, %select_n3A_1109 : vector<1x128xi1>, vector<1x128xf32>
        %convert_element_type3A_1462 = arith.sitofp %reduce_min3A_1190 : i32 to f32
        %broadcast_in_dim3A_1463 = vector.broadcast %convert_element_type3A_1462 : f32 to vector<1x128xf32>
        %select_n3A_1464 = arith.select %eq3A_1432, %broadcast_in_dim3A_1463, %select_n3A_1112 : vector<1x128xi1>, vector<1x128xf32>
        %convert_element_type3A_1465 = arith.sitofp %broadcast_in_dim3A_1234 : vector<1x1xi32> to vector<1x1xf32>
        %broadcast_in_dim3A_1466 = vector.shape_cast %convert_element_type3A_1465 : vector<1x1xf32> to vector<1x1xf32>
        %broadcast_in_dim3A_1467 = vector.broadcast %broadcast_in_dim3A_1466 : vector<1x1xf32> to vector<1x128xf32>
        %select_n3A_1468 = arith.select %eq3A_1432, %broadcast_in_dim3A_1467, %select_n3A_1116 : vector<1x128xi1>, vector<1x128xf32>
        scf.yield %select_n3A_1434, %select_n3A_1437, %select_n3A_1441, %select_n3A_1443, %select_n3A_1446, %select_n3A_1450, %select_n3A_1452, %select_n3A_1455, %select_n3A_1459, %select_n3A_1461, %select_n3A_1464, %select_n3A_1468 : vector<1x128xf32>, vector<1x128xf32>, vector<1x128xf32>, vector<1x128xf32>, vector<1x128xf32>, vector<1x128xf32>, vector<1x128xf32>, vector<1x128xf32>, vector<1x128xf32>, vector<1x128xf32>, vector<1x128xf32>, vector<1x128xf32>
      }
      %scan3A_32 = arith.constant 100 : i32
      %broadcast_in_dim3A_33 = arith.constant 0.000000e+00 : f32
      %broadcast_in_dim3A_34 = vector.broadcast %broadcast_in_dim3A_33 : f32 to vector<5x128xf32>
      %concatenate3A = tpu.concatenate %scan3A_31#0, %scan3A_31#1, %scan3A_31#2, %broadcast_in_dim3A_34 in 0 : vector<1x128xf32>, vector<1x128xf32>, vector<1x128xf32>, vector<5x128xf32> -> vector<8x128xf32>
      %swap3A = arith.constant 0 : index
      %swap3A_35 = arith.constant 0 : index
      %swap3A_36 = arith.constant 0 : index
      %swap3A_37 = vector.load %arg2[%swap3A, %swap3A_35, %swap3A_36] : memref<4x8x128xf32, #tpu.memory_space<vmem>>, vector<1x8x128xf32>
      %swap3A_38 = vector.shape_cast %swap3A_37 : vector<1x8x128xf32> to vector<8x128xf32>
      %swap3A_39 = vector.shape_cast %concatenate3A : vector<8x128xf32> to vector<1x8x128xf32>
      tpu.vector_store %arg2[%swap3A, %swap3A_35, %swap3A_36], %swap3A_39 {strides = array<i32>} : memref<4x8x128xf32, #tpu.memory_space<vmem>>, vector<1x8x128xf32>,
      %concatenate3A_40 = tpu.concatenate %scan3A_31#3, %scan3A_31#4, %scan3A_31#5, %broadcast_in_dim3A_34 in 0 : vector<1x128xf32>, vector<1x128xf32>, vector<1x128xf32>, vector<5x128xf32> -> vector<8x128xf32>
      %swap3A_41 = arith.constant 1 : index
      %swap3A_42 = arith.constant 0 : index
      %swap3A_43 = arith.constant 0 : index
      %swap3A_44 = vector.load %arg2[%swap3A_41, %swap3A_42, %swap3A_43] : memref<4x8x128xf32, #tpu.memory_space<vmem>>, vector<1x8x128xf32>
      %swap3A_45 = vector.shape_cast %swap3A_44 : vector<1x8x128xf32> to vector<8x128xf32>
      %swap3A_46 = vector.shape_cast %concatenate3A_40 : vector<8x128xf32> to vector<1x8x128xf32>
      tpu.vector_store %arg2[%swap3A_41, %swap3A_42, %swap3A_43], %swap3A_46 {strides = array<i32>} : memref<4x8x128xf32, #tpu.memory_space<vmem>>, vector<1x8x128xf32>,
      %concatenate3A_47 = tpu.concatenate %scan3A_31#6, %scan3A_31#7, %scan3A_31#8, %broadcast_in_dim3A_34 in 0 : vector<1x128xf32>, vector<1x128xf32>, vector<1x128xf32>, vector<5x128xf32> -> vector<8x128xf32>
      %swap3A_48 = arith.constant 2 : index
      %swap3A_49 = arith.constant 0 : index
      %swap3A_50 = arith.constant 0 : index
      %swap3A_51 = vector.load %arg2[%swap3A_48, %swap3A_49, %swap3A_50] : memref<4x8x128xf32, #tpu.memory_space<vmem>>, vector<1x8x128xf32>
      %swap3A_52 = vector.shape_cast %swap3A_51 : vector<1x8x128xf32> to vector<8x128xf32>
      %swap3A_53 = vector.shape_cast %concatenate3A_47 : vector<8x128xf32> to vector<1x8x128xf32>
      tpu.vector_store %arg2[%swap3A_48, %swap3A_49, %swap3A_50], %swap3A_53 {strides = array<i32>} : memref<4x8x128xf32, #tpu.memory_space<vmem>>, vector<1x8x128xf32>,
      %concatenate3A_54 = tpu.concatenate %scan3A_31#9, %scan3A_31#10, %scan3A_31#11, %broadcast_in_dim3A_34 in 0 : vector<1x128xf32>, vector<1x128xf32>, vector<1x128xf32>, vector<5x128xf32> -> vector<8x128xf32>
      %swap3A_55 = arith.constant 3 : index
      %swap3A_56 = arith.constant 0 : index
      %swap3A_57 = arith.constant 0 : index
      %swap3A_58 = vector.load %arg2[%swap3A_55, %swap3A_56, %swap3A_57] : memref<4x8x128xf32, #tpu.memory_space<vmem>>, vector<1x8x128xf32>
      %swap3A_59 = vector.shape_cast %swap3A_58 : vector<1x8x128xf32> to vector<8x128xf32>
      %swap3A_60 = vector.shape_cast %concatenate3A_54 : vector<8x128xf32> to vector<1x8x128xf32>
      tpu.vector_store %arg2[%swap3A_55, %swap3A_56, %swap3A_57], %swap3A_60 {strides = array<i32>} : memref<4x8x128xf32, #tpu.memory_space<vmem>>, vector<1x8x128xf32>,
    } else {
    }
    return
  }
  func.func @transform_0(%arg0: i32) -> (i32, i32, i32, i32) {
    %min3A = arith.constant 3 : i32
    %min3A_0 = arith.minsi %arg0, %min3A : i32
    %c0_i32 = arith.constant 0 : i32
    %c0_i32_1 = arith.constant 0 : i32
    %c0_i32_2 = arith.constant 0 : i32
    %c0_i32_3 = arith.constant 0 : i32
    return %min3A_0, %c0_i32, %c0_i32_1, %c0_i32_2 : i32, i32, i32, i32
  }
  func.func @transform_1(%arg0: i32) -> (i32, i32, i32) {
    %c0_i32 = arith.constant 0 : i32
    %c0_i32_0 = arith.constant 0 : i32
    %c0_i32_1 = arith.constant 0 : i32
    %c0_i32_2 = arith.constant 0 : i32
    return %c0_i32, %c0_i32_0, %c0_i32_1 : i32, i32, i32
  }
}

</mosaic_0001>

<sc_bundles>
// kernel: kernel.4.cloned.1.call-start
scs
__scs_entry_jumppad:
0x0: {  	(pc) =	sbr.rel $0x88, $3  }
0x1: {  	(tag) =	ssettag $0x0;
	lr =	simm.s32 $0x1  }
0x2: {  	[smem:$0x3F9E] =	sst lr;
	_ =	strace $0xD0000000  }
0x3: {  	_ = 	snop  }
0x4: {  	_ = 	snop  }
0x5: {  	_ = 	snop  }
0x6: {  	_ = 	snop  }
0x7: {  	_ = 	snop  }
__scs_overlays_trampoline_lowered:
0x8: {  	[smem:$0x3FAD] =	sst s0  }
0x9: {  	[smem:$0x3FAE] =	sst s1  }
0xa: {  	[smem:$0x3FAF] =	sst s2  }
0xb: {  	[smem:$0x3FB0] =	sst s3  }
0xc: {  	[smem:$0x3FB1] =	sst s4  }
0xd: {  	[smem:$0x3FB2] =	sst s5  }
0xe: {  	[smem:$0x3FB3] =	sst s6  }
0xf: {  	[smem:$0x3FB4] =	sst s7  }
0x10: {  	[smem:$0x3FB5] =	sst s8  }
0x11: {  	[smem:$0x3FB6] =	sst s9;
	s0 =	simm.s32 @!p0 $0x0  }
0x12: {  	s1 =	sld [smem:$0x3F9C];
	s0 =	simm.s32 @p0 $0x1  }
0x13: {  	[smem:$0x3FB7] =	sst s0;
	s0 =	simm.s32 @!p1 $0x0  }
0x14: {  	s2 =	sld [smem:$0x3F9B];
	s0 =	simm.s32 @p1 $0x1  }
0x15: {  	[smem:$0x3FB8] =	sst s0;
	s0 =	simm.s32 @!p2 $0x0  }
0x16: {  	s3 =	sld [smem:$0x3FDB];
	s0 =	simm.s32 @p2 $0x1  }
0x17: {  	s4 =	simm.s32 $0x1BF5;
	[smem:$0x3FBA] =	sst s0  }
0x18: {  	s0 =	sld [smem:$0x3F9D];
	_ =	swait.ge [sflag:s4], $0x0  }
0x19: {  	s7 =	sld [smem:$0x3F9E]  }
0x1a: {  	s8 =	sadd.s32 $0xFFFFE003, lr  }
0x1b: {  	s9 =	sadd.s32 $0xFFFFFEF7, lr;
	s5 =	simm.s32 $0xFFFFFFFF;
	p2 =	slt.u32 s8, $0xFFFFF086  }
0x1c: {  	p1 =	slt.u32 s9, $0xF7A;
	s5 =	simm.s32 @!p2 $0x0  }
0x1d: {  	s5 =	simm.s32 @p1 $0x1;
	p0 =	seq.s32 s7, s2  }
0x1e: {  	s7 =	smul.u32 @!p0 $0xF7A, s2;
	p2 =	seq.s32 @!p0 s5, $0x0  }
0x1f: {  	s9 =	smul.u32 $0xF7A, s1;
	s8 =	simm.s32 @!p0 $0x1BF5;
	p2 =	por !p2, p0  }
0x20: {  	[sflag:s8] =	ssyncset.s32 @!p0 $0xFFFFF086;
	s6 =	sadd.s32 @!p0 s3, s7;
	s7 =	simm.s32 @!p0 $0x108  }
0x21: {  	s3 =	sadd.s32 s3, s9;
	s6 =	sadd.s32 @!p0 $0x88, s6;
	s7 =	simm.s32 @p2 $0x1082  }
0x22: {  	[simem:s7], [sflag:s8] =	dma.local @!p0 [hbm:s6], $0xF7A  }
0x23: {  	s9 =	sor.u32 $0xD0000000, s2;
	s6 =	simm.s32 $0x108;
	_ =	swait.ge @!p0 [sflag:s8], $0x0  }
0x24: {  	s3 =	sadd.s32 $0x88, s3;
	s6 =	simm.s32 @!p1 $0x1082;
	[sflag:s4] =	ssyncset.s32 $0xFFFFF086  }
0x25: {  	[simem:s6], [sflag:s4] =	dma.local [hbm:s3], $0xF7A  }
0x26: {  	[smem:$0x3F9E] =	sst s1;
	(tag) =	ssettag s2;
	_ =	strace s9  }
0x27: {  	s1 =	sld [smem:$0x3FAE]  }
0x28: {  	s2 =	sld [smem:$0x3FAF]  }
0x29: {  	s4 =	sld [smem:$0x3FB1]  }
0x2a: {  	p0 =	seq.s32 s5, $0x0;
	s5 =	sld [smem:$0x3FB2]  }
0x2b: {  	s6 =	sld [smem:$0x3FB3]  }
0x2c: {  	s7 =	sld [smem:$0x3FB4]  }
0x2d: {  	s3 =	simm.s32 $0x108;
	s8 =	sld [smem:$0x3FB5]  }
0x2e: {  	s3 =	simm.s32 @!p0 $0x1082;
	s9 =	sld [smem:$0x3FB6]  }
0x2f: {  	lr =	sadd.s32 s0, s3;
	s0 =	sld [smem:$0x3FAD]  }
0x30: {  	s3 =	sld [smem:$0x3FB0]  }
0x31: {  	[smem:$0x3FB9] =	sst s10  }
0x32: {  	s10 =	sld [smem:$0x3FB7];
	_ =	sdelay $0x3  }
0x33: {  	p0 =	seq.s32 s10, $0x1;
	s10 =	sld [smem:$0x3FB9];
	_ =	sdelay $0x3  }
0x34: {  	[smem:$0x3FB9] =	sst s10  }
0x35: {  	s10 =	sld [smem:$0x3FB8];
	_ =	sdelay $0x3  }
0x36: {  	p1 =	seq.s32 s10, $0x1;
	s10 =	sld [smem:$0x3FB9];
	_ =	sdelay $0x3  }
0x37: {  	[smem:$0x3FB9] =	sst s10  }
0x38: {  	s10 =	sld [smem:$0x3FBA]  }
0x39: {  	_ = 	snop;
	(pc) =	sbr.ind lr, $3  }
0x3a: {  	_ = 	snop  }
0x3b: {  	_ = 	snop  }
0x3c: {  	p2 =	seq.s32 s10, $0x1;
	s10 =	sld [smem:$0x3FB9]  }
0x3d: {  	_ =	shalt  }
0x3e: {  	_ =	shalt  }
0x3f: {  	_ =	shalt  }
0x40: {  	_ =	shalt  }
0x41: {  	_ =	shalt  }
0x42: {  	_ =	shalt  }
0x43: {  	_ =	shalt  }
0x44: {  	_ =	shalt  }
0x45: {  	_ =	shalt  }
0x46: {  	_ =	shalt  }
0x47: {  	_ =	shalt  }
0x48: {  	_ =	shalt  }
0x49: {  	_ =	shalt  }
0x4a: {  	_ =	shalt  }
0x4b: {  	_ =	shalt  }
0x4c: {  	_ =	shalt  }
0x4d: {  	_ =	shalt  }
0x4e: {  	_ =	shalt  }
0x4f: {  	_ =	shalt  }
0x50: {  	_ =	shalt  }
0x51: {  	_ =	shalt  }
0x52: {  	_ =	shalt  }
0x53: {  	_ =	shalt  }
0x54: {  	_ =	shalt  }
0x55: {  	_ =	shalt  }
0x56: {  	_ =	shalt  }
0x57: {  	_ =	shalt  }
0x58: {  	_ =	shalt  }
0x59: {  	_ =	shalt  }
0x5a: {  	_ =	shalt  }
0x5b: {  	_ =	shalt  }
0x5c: {  	_ =	shalt  }
0x5d: {  	_ =	shalt  }
0x5e: {  	_ =	shalt  }
0x5f: {  	_ =	shalt  }
0x60: {  	_ =	shalt  }
0x61: {  	_ =	shalt  }
0x62: {  	_ =	shalt  }
0x63: {  	_ =	shalt  }
0x64: {  	_ =	shalt  }
0x65: {  	_ =	shalt  }
0x66: {  	_ =	shalt  }
0x67: {  	_ =	shalt  }
0x68: {  	_ =	shalt  }
0x69: {  	_ =	shalt  }
0x6a: {  	_ =	shalt  }
0x6b: {  	_ =	shalt  }
0x6c: {  	_ =	shalt  }
0x6d: {  	_ =	shalt  }
0x6e: {  	_ =	shalt  }
0x6f: {  	_ =	shalt  }
0x70: {  	_ =	shalt  }
0x71: {  	_ =	shalt  }
0x72: {  	_ =	shalt  }
0x73: {  	_ =	shalt  }
0x74: {  	_ =	shalt  }
0x75: {  	_ =	shalt  }
0x76: {  	_ =	shalt  }
0x77: {  	_ =	shalt  }
0x78: {  	_ =	shalt  }
0x79: {  	_ =	shalt  }
0x7a: {  	_ =	shalt  }
0x7b: {  	_ =	shalt  }
0x7c: {  	_ =	shalt  }
0x7d: {  	_ =	shalt  }
0x7e: {  	_ =	shalt  }
0x7f: {  	_ =	shalt  }
0x80: {  	_ =	shalt  }
0x81: {  	_ =	shalt  }
0x82: {  	_ =	shalt  }
0x83: {  	_ =	shalt  }
0x84: {  	_ =	shalt  }
0x85: {  	_ =	shalt  }
0x86: {  	_ =	shalt  }
0x87: {  	_ =	shalt  }
.Lfunc_end0:
.L_simem_size_0:
called_computation_lowered:
.L_overlay_start_0:
0x88: {  	s2 =	sld [smem:$0x3FD9]  }
0x89: {  	s3 =	sld [smem:$0x3FFE];
	_ =	sdelay $0x1  }
0x8a: {  	s1 =	srdreg.scid  }
0x8b: {  	s0 =	sand.u32 $0x1, s1  }
0x8c: {  	s17 =	sshll.u32 s0, $0xA;
	s2 =	sadd.s32 s3, s2  }
0x8d: {  	s2 =	sadd.s32 s2, s17  }
0x8e: {  	[smem:$0x3FC5] =	sst s2  }
0x8f: {  	_ = 	snop  }
0x90: {  	s2 =	sld [smem:$0x3FC8]  }
0x91: {  	s18 =	sld [smem:$0x3FC7];
	(tm) =	ssettm $0x1  }
0x92: {  	s4 =	sld [smem:$0x3FFB];
	_ =	sdelay $0x3  }
0x93: {  	_ =	strace s4  }
0x94: {  	s4 =	sld [smem:$0x3FFC];
	_ =	sdelay $0x3  }
0x95: {  	_ =	strace s4  }
0x96: {  	s4 =	sld [smem:$0x3FFD];
	_ =	sdelay $0x3  }
0x97: {  	_ =	strace s4  }
0x98: {  	_ =	strace $0x8FFFFFFF  }
0x99: {  	s19 =	sld [smem:$0x3FDB];
	_ =	sdelay $0x1  }
0x9a: {  	s5 =	simm.s32 $_scs_section_size  }
0x9b: {  	s6 =	simm.s32 $_size__tile_overlayer_lowered;
	s7 =	simm.s32 $_tile_overlayer_lowered  }
0x9c: {  	s22 =	simm.s32 $0x1BFF;
	s21 =	sshll.u32 s7, $0x1;
	s4 =	sadd.s32 s5, s19  }
0x9d: {  	s8 =	simm.s32 $0x0;
	s20 =	sshll.u32 s6, $0x1;
	s6 =	sadd.s32 s21, s4  }
0x9e: {  	[timem:s8], [sflag:s22] =	dma.local [hbm:s6], s20  }
0x9f: {  	_ =	swait.ge [sflag:s22], s20  }
0xa0: {  	s5 =	ssub.s32 $0x0, s20;
	[sflag:s22] =	ssyncset.done $0x0  }
0xa1: {  	[sflag:s22] =	ssyncadd.s32 s5;
	_ =	sdelay $0x1  }
0xa2: {  	s23 =	simm.s32 $0x1B8B  }
0xa3: {  	_ =	swait.ge [sflag:s23], $0x1  }
0xa4: {  	[sflag:s23] =	ssyncset.done $0x0  }
0xa5: {  	s25 =	simm.s32 $0x1B8E;
	s24 =	sld [smem:$0x3FFE];
	[sflag:s23] =	ssyncadd.s32 $0xFFFFFFFF  }
0xa6: {  	s26 =	simm.s32 $execute0_lowered;
	[smem:$0x3FD2] =	sst s25  }
0xa7: {  	s6 =	sshll.u32 s26, $0x1;
	_ =	strace $0x80000046;
	[dreg:$0x1] =	wrdreg $0xFFFFFFFF  }
0xa8: {  	s28 =	simm.s32 $_size_execute0_lowered;
	s4 =	sadd.s32 s4, s6;
	[dreg:$0x0] =	wrdreg $0x0  }
0xa9: {  	s6 =	sshll.u32 s28, $0x1;
	[dreg:$0x2] =	wrdreg s4  }
0xaa: {  	[dreg:$0x3] =	wrdreg s6  }
0xab: {  	[dreg:$0x4] =	wrdreg $0xC0  }
0xac: {  	_ =	task [dreg:s8], $0x5FFFF  }
0xad: {  	[dreg:$0x1] =	wrdreg $0xFFFFFFFF  }
0xae: {  	[dreg:$0x0] =	wrdreg $0x60  }
0xaf: {  	[dreg:$0x2] =	wrdreg s24  }
0xb0: {  	[dreg:$0x3] =	wrdreg s2  }
0xb1: {  	[dreg:$0x4] =	wrdreg s18  }
0xb2: {  	[dreg:$0x5] =	wrdreg $0x9  }
0xb3: {  	_ =	task.clear_ibuf [dreg:s8], $0x6FFFF;
	_ =	strace $0x90000046  }
0xb4: {  	s29 =	simm.s32 $0x9;
	_ =	strace $0x80000048  }
0xb5: {  	_ =	swait.ge [sflag:s29], $0x1  }
0xb6: {  	[sflag:s29] =	ssyncadd.s32 $0xFFFFFFFF  }
0xb7: {  	_ =	strace $0x90000048  }
0xb8: {  	_ =	sfence  }
0xb9: {  	s30 =	sld [smem:$0x0];
	_ =	sdelay $0x2  }
0xba: {  	s31 =	sshll.u32 s1, $0xD;
	s1 =	sshrl.u32 s1, $0x2  }
0xbb: {  	s3 =	sand.u32 $0x4000, s31;
	s1 =	sadd.s32 s1, s30  }
0xbc: {  	s0 =	sor.u32 s3, s0;
	s1 =	sshll.u32 s1, $0x11  }
0xbd: {  	s0 =	sor.u32 s1, s0  }
0xbe: {  	s0 =	sadd.s32 $0x8F2B, s0  }
0xbf: {  	[sflag:s0] =	ssyncadd.remote.s32 $0x1  }
0xc0: {  	_ =	sfence.sel $0xFFFF  }
0xc1: {  	[dreg:$0x0] =	wrdreg $0xFFFFFFFF;
	(pc) =	sbr.abs _section_cstart, $3  }
0xc2: {  	[dreg:$0x1] =	wrdreg $0xFFFFFFFF  }
0xc3: {  	_ =	task.clear_ibuf [dreg:s8], $0x2FFFF;
	_ =	strace $0x9FFFFFFF  }
0xc4: {  	(tm) =	ssettm $0x7FFFFFFF  }
0xc5: {  	_ =	shalt  }
tec
execute0_lowered:
.L_overlay_start_1:
0x0: {  	(tag) =	ssettag $0x1  }
0x1: {  	s1 =	srdreg.scid  }
0x2: {  	s0 =	stileid.u32;
	s24 =	sand.u32 $0x1, s1  }
0x3: {  	s8 =	sshrl.u32 s0, $0x2;
	s19 =	sshll.u32 s0, $0x5;
	s2 =	sshll.u32 s24, $0x4  }
0x4: {  	s18 =	rddreg [dreg:$0x0];
	s20 =	sshll.u32 s8, $0x7;
	s1 =	sor.u32 s2, s19  }
0x5: {  	s11 =	rddreg [dreg:$0x1];
	s4 =	sshll.u32 s8, $0xA;
	s3 =	ssub.s32 s1, s20  }
0x6: {  	s15 =	rddreg [dreg:$0x2];
	s26 =	sadd.s32 s4, s3  }
0x7: {  	s6 =	sadd.s32 $0xA00, s18;
	s2 =	simm.s32 $0x0;
	s19 =	sshrl.u32 s26, $0x3  }
0x8: {  	[smem:$0x7FF] =	sst s2;
	s21 =	sadd.s32 s6, s19  }
0x9: {  	_ =	strace $0x80000047;
	[dreg:$0x4] =	wrdreg s21  }
0xa: {  	s3 =	simm.s32 $0x2;
	s22 =	rddreg [dreg:$0x4]  }
0xb: {  	[tilespmem:s2], [sflag:$0x2] =	stream.linear.gather [hbm4b:s22+s2], $0x10, $0x38;
	[tilespmem:$0x20C0] =	vst v63  }
0xc: {  	s23 =	sadd.s32 $0x80, s26;
	_ =	swait.ge [sflag:s3], $0x10  }
0xd: {  	s20 =	sshrl.u32 s23, $0x3;
	[sflag:s3] =	ssyncset.done $0x0  }
0xe: {  	s5 =	simm.s32 $0x10;
	s4 =	sadd.s32 s6, s20;
	[sflag:s3] =	ssyncadd.s32 $0xFFFFFFF0  }
0xf: {  	[tilespmem:s5], [sflag:$0x2] =	stream.linear.gather [hbm4b:s4+s2], $0x10, $0x38;
	[tilespmem:$0x20C0] =	vst v63  }
0x10: {  	s7 =	sadd.s32 $0x100, s26;
	_ =	swait.ge [sflag:s3], $0x10  }
0x11: {  	s22 =	sshrl.u32 s7, $0x3;
	[sflag:s3] =	ssyncset.done $0x0  }
0x12: {  	s7 =	simm.s32 $0x20;
	s6 =	sadd.s32 s6, s22;
	[sflag:s3] =	ssyncadd.s32 $0xFFFFFFF0  }
0x13: {  	[tilespmem:s7], [sflag:$0x2] =	stream.linear.gather [hbm4b:s6+s2], $0x10, $0x38;
	[tilespmem:$0x20C0] =	vst v63  }
0x14: {  	_ =	swait.ge [sflag:s3], $0x10  }
0x15: {  	[sflag:s3] =	ssyncset.done $0x0  }
0x16: {  	[sflag:s3] =	ssyncadd.s32 $0xFFFFFFF0  }
0x17: {  	v0 =	vld [tilespmem:$0x10];
	_ =	sdelay $0x4  }
0x18: {  	v0 =	vtrunc.f32 v0  }
0x19: {  	v1 =	vcvt.f32.s32 v0;
	_ =	sdelay $0x1  }
0x1a: {  	v0 =	vshra.s32 v1, $0x1F;
	v2 =	vand.u32 $0x7F, v1  }
0x1b: {  	vm0 =	vlt.s32 v1, $0x1;
	v3 =	vshrl.u32 v0, $0x19;
	vm1 =	vne.s32 v2, $0x0  }
0x1c: {  	v0 =	vimm.s32 $0x0;
	v2 =	vadd.s32 v3, v1;
	vm0 =	vmand vm0, vm1  }
0x1d: {  	v2 =	vshra.s32 v2, $0x7;
	v3 =	vsel vm0, $0xFFFFFFFF, v0  }
0x1e: {  	v2 =	vadd.s32 v3, v2  }
0x1f: {  	v3 =	vshll.u32 v2, $0x7  }
0x20: {  	s9 =	simm.s32 $0x30;
	s13 =	sshll.u32 s8, $0xC;
	v3 =	vsub.s32 v1, v3  }
0x21: {  	s10 =	simm.s32 $0x40;
	s8 =	sadd.s32 s11, s13;
	s16 =	sor.u32 $0x800, s13;
	[tilespmem:$0x30] =	vst v3  }
0x22: {  	v1 =	vld [tilespmem:$0x20];
	[tilespmem:s10], [sflag:$0x1] =	stream.indirect.gather [hbm4b:s8+s5], $0x80, s9, s5, $0xb8  }
0x23: {  	s12 =	simm.s32 $0x840;
	s11 =	sadd.s32 s11, s16  }
0x24: {  	[tilespmem:s12], [sflag:$0x1] =	stream.indirect.gather [hbm4b:s11+s5], $0x80, s9, s5, $0xb8;
	[tilespmem:$0x20C0] =	vst v63  }
0x25: {  	s14 =	simm.s32 $0x1040;
	s13 =	sadd.s32 s15, s13  }
0x26: {  	[tilespmem:s14], [sflag:$0x1] =	stream.indirect.gather [hbm4b:s13+s5], $0x80, s9, s5, $0xb8;
	[tilespmem:$0x20C0] =	vst v63  }
0x27: {  	s17 =	simm.s32 $0x1;
	s15 =	sadd.s32 s15, s16;
	s16 =	simm.s32 $0x1840  }
0x28: {  	[tilespmem:s16], [sflag:$0x1] =	stream.indirect.gather [hbm4b:s15+s5], $0x80, s9, s5, $0xb8;
	[tilespmem:$0x20C0] =	vst v63  }
0x29: {  	_ =	swait.ge [sflag:s17], $0x800  }
0x2a: {  	[sflag:s17] =	ssyncset.done $0x0  }
0x2b: {  	[sflag:s17] =	ssyncadd.s32 $0xFFFFF800  }
0x2c: {  	_ =	swait.ge [sflag:s17], $0x800  }
0x2d: {  	v4 =	vlaneseq.u32;
	v5 =	vtrunc.f32 v1;
	[sflag:s17] =	ssyncset.done $0x0  }
0x2e: {  	v1 =	vmul.u32 $0x80, v4;
	v59 =	vcvt.f32.s32 v5;
	[sflag:s17] =	ssyncadd.s32 $0xFFFFF800  }
0x2f: {  	_ =	swait.ge [sflag:s17], $0x800  }
0x30: {  	v5 =	vadd.s32 v1, v59;
	[sflag:s17] =	ssyncset.done $0x0  }
0x31: {  	[sflag:s17] =	ssyncadd.s32 $0xFFFFF800  }
0x32: {  	_ =	swait.ge [sflag:s17], $0x800  }
0x33: {  	[sflag:s17] =	ssyncset.done $0x0  }
0x34: {  	[sflag:s17] =	ssyncadd.s32 $0xFFFFF800  }
0x35: {  	v6 =	vld.idx.msk [tilespmem:v5+s14+$0x0], $0xffff  }
0x36: {  	v7 =	vld.idx.msk [tilespmem:v5+s10+$0x0], $0xffff  }
0x37: {  	v8 =	vld.idx.msk [tilespmem:v5+s16+$0x0], $0xffff  }
0x38: {  	v5 =	vld.idx.msk [tilespmem:v5+s12+$0x0], $0xffff  }
0x39: {  	v4 =	vcvt.s32.f32 v59;
	_ =	sdelay $0x1  }
0x3a: {  	v3 =	vcvt.s32.f32 v3;
	v60 =	vld [tilespmem:$0x0];
	v4 =	vadd.f32 v4, v7;
	v6 =	vmul.f32 $5.000000000e-01, v6  }
0x3b: {  	v2 =	vcvt.s32.f32 v2  }
0x3c: {  	v3 =	vadd.f32 v3, v5;
	v61 =	vmul.f32 $5.000000000e-01, v8;
	v62 =	vsub.f32 v4, v6  }
0x3d: {  	v4 =	vadd.f32 v6, v4  }
0x3e: {  	[tilespmem:$0x2040] =	vst v2;
	v2 =	vsub.f32 v3, v61;
	v63 =	vmul.f32 $4.000000000e+00, v62  }
0x3f: {  	[tilespmem:$0x2050] =	vst v60;
	v3 =	vadd.f32 v61, v3;
	v4 =	vmul.f32 $4.000000000e+00, v4  }
0x40: {  	v2 =	vmul.f32 $4.000000000e+00, v2;
	[tilespmem:$0x2060] =	vst v63  }
0x41: {  	v3 =	vmul.f32 $4.000000000e+00, v3;
	[tilespmem:$0x2080] =	vst v4  }
0x42: {  	s28 =	sadd.s32 $0xC00, s18;
	[tilespmem:$0x2070] =	vst v2  }
0x43: {  	s29 =	ssub.s32 $0x2, s24;
	s18 =	sadd.s32 s28, s19;
	s19 =	simm.s32 $0x2040;
	[tilespmem:$0x2090] =	vst v3  }
0x44: {  	[hbm4b:s18+s2] =	stream.linear.scatter [tilespmem:s19], [sflag:$0x2], $0x10, $0x38;
	[tilespmem:$0x20C0] =	vst v63  }
0x45: {  	s30 =	sshrl.u32 s29, $0x1;
	_ =	swait.ge [sflag:s3], $0x10  }
0x46: {  	s29 =	ssub.s32 s29, s30;
	s25 =	sadd.s32 $0x180, s26;
	[sflag:s3] =	ssyncset.done $0x0  }
0x47: {  	s20 =	sadd.s32 s28, s20;
	s21 =	simm.s32 $0x2050;
	[sflag:s3] =	ssyncadd.s32 $0xFFFFFFF0  }
0x48: {  	[hbm4b:s20+s2] =	stream.linear.scatter [tilespmem:s21], [sflag:$0x2], $0x10, $0x38;
	[tilespmem:$0x20C0] =	vst v63  }
0x49: {  	s30 =	sadd.s32 $0x200, s26;
	s31 =	sadd.s32 $0x280, s26;
	_ =	swait.ge [sflag:s3], $0x10  }
0x4a: {  	s23 =	simm.s32 $0x2060;
	s25 =	sshrl.u32 s25, $0x3;
	[sflag:s3] =	ssyncset.done $0x0  }
0x4b: {  	s30 =	sshrl.u32 s30, $0x3;
	s22 =	sadd.s32 s28, s22;
	[sflag:s3] =	ssyncadd.s32 $0xFFFFFFF0  }
0x4c: {  	[hbm4b:s22+s2] =	stream.linear.scatter [tilespmem:s23], [sflag:$0x2], $0x10, $0x38;
	[tilespmem:$0x20C0] =	vst v63  }
0x4d: {  	s24 =	sadd.s32 s28, s25;
	s26 =	sadd.s32 s28, s30;
	_ =	swait.ge [sflag:s3], $0x10  }
0x4e: {  	s30 =	sshrl.u32 s31, $0x3;
	s31 =	smax.u32 s29, $0x1;
	[sflag:s3] =	ssyncset.done $0x0  }
0x4f: {  	s25 =	simm.s32 $0x2070;
	p0 =	sne.s32 s31, $0x1;
	[sflag:s3] =	ssyncadd.s32 $0xFFFFFFF0  }
0x50: {  	[hbm4b:s24+s2] =	stream.linear.scatter [tilespmem:s25], [sflag:$0x2], $0x10, $0x38;
	[tilespmem:$0x20C0] =	vst v63  }
.Ltmp0:
0x51: {  	_ =	swait.ge [sflag:s3], $0x10;
	(pc) =	sbr.rel @!p0 .LBB2_2-.Ltmp0, $4  }
0x52: {  	[sflag:s3] =	ssyncset.done $0x0  }
0x53: {  	s29 =	simm.s32 $0x2080;
	s31 =	sadd.s32 $0xFFFFFFFF, s31;
	[sflag:s3] =	ssyncadd.s32 $0xFFFFFFF0  }
0x54: {  	[hbm4b:s26+s2] =	stream.linear.scatter [tilespmem:s29], [sflag:$0x2], $0x10, $0x38;
	[tilespmem:$0x20C0] =	vst v63  }
0x55: {  	s28 =	sadd.s32 s28, s30;
	s30 =	simm.s32 $0x2090;
	_ =	swait.ge [sflag:s3], $0x10  }
.LBB2_1:
0x56: {  	[sflag:s3] =	ssyncset.done $0x0  }
0x57: {  	[sflag:s3] =	ssyncadd.s32 $0xFFFFFFF0  }
0x58: {  	[hbm4b:s28+s2] =	stream.linear.scatter [tilespmem:s30], [sflag:$0x2], $0x10, $0x38;
	[tilespmem:$0x20C0] =	vst v63  }
0x59: {  	_ =	swait.ge [sflag:s3], $0x10  }
0x5a: {  	[sflag:s3] =	ssyncset.done $0x0  }
0x5b: {  	s1 =	rddreg [dreg:$0x4];
	[sflag:s3] =	ssyncadd.s32 $0xFFFFFFF0  }
0x5c: {  	[tilespmem:s2], [sflag:$0x2] =	stream.linear.gather [hbm4b:s1+s2], $0x10, $0x38;
	[tilespmem:$0x20C0] =	vst v63  }
0x5d: {  	_ =	swait.ge [sflag:s3], $0x10  }
0x5e: {  	[sflag:s3] =	ssyncset.done $0x0  }
0x5f: {  	[sflag:s3] =	ssyncadd.s32 $0xFFFFFFF0  }
0x60: {  	[tilespmem:s5], [sflag:$0x2] =	stream.linear.gather [hbm4b:s4+s2], $0x10, $0x38;
	[tilespmem:$0x20C0] =	vst v63  }
0x61: {  	_ =	swait.ge [sflag:s3], $0x10  }
0x62: {  	[sflag:s3] =	ssyncset.done $0x0  }
0x63: {  	[sflag:s3] =	ssyncadd.s32 $0xFFFFFFF0  }
0x64: {  	[tilespmem:s7], [sflag:$0x2] =	stream.linear.gather [hbm4b:s6+s2], $0x10, $0x38;
	[tilespmem:$0x20C0] =	vst v63  }
0x65: {  	_ =	swait.ge [sflag:s3], $0x10  }
0x66: {  	[sflag:s3] =	ssyncset.done $0x0  }
0x67: {  	[sflag:s3] =	ssyncadd.s32 $0xFFFFFFF0  }
0x68: {  	v2 =	vld [tilespmem:$0x10];
	_ =	sdelay $0x4  }
0x69: {  	v2 =	vtrunc.f32 v2  }
0x6a: {  	v2 =	vcvt.f32.s32 v2;
	_ =	sdelay $0x1  }
0x6b: {  	v3 =	vshra.s32 v2, $0x1F;
	v4 =	vand.u32 $0x7F, v2  }
0x6c: {  	vm0 =	vlt.s32 v2, $0x1;
	v3 =	vshrl.u32 v3, $0x19;
	vm1 =	vne.s32 v4, $0x0  }
0x6d: {  	v3 =	vadd.s32 v3, v2;
	vm0 =	vmand vm0, vm1  }
0x6e: {  	v3 =	vshra.s32 v3, $0x7;
	v60 =	vsel vm0, $0xFFFFFFFF, v0  }
0x6f: {  	v3 =	vadd.s32 v60, v3  }
0x70: {  	v4 =	vshll.u32 v3, $0x7  }
0x71: {  	v2 =	vsub.s32 v2, v4  }
0x72: {  	[tilespmem:$0x30] =	vst v2  }
0x73: {  	v61 =	vld [tilespmem:$0x20];
	[tilespmem:s10], [sflag:$0x1] =	stream.indirect.gather [hbm4b:s8+s5], $0x80, s9, s5, $0xb8  }
0x74: {  	_ = 	snop  }
0x75: {  	[tilespmem:s12], [sflag:$0x1] =	stream.indirect.gather [hbm4b:s11+s5], $0x80, s9, s5, $0xb8;
	[tilespmem:$0x20C0] =	vst v63  }
0x76: {  	_ = 	snop  }
0x77: {  	[tilespmem:s14], [sflag:$0x1] =	stream.indirect.gather [hbm4b:s13+s5], $0x80, s9, s5, $0xb8;
	[tilespmem:$0x20C0] =	vst v63  }
0x78: {  	_ = 	snop  }
0x79: {  	[tilespmem:s16], [sflag:$0x1] =	stream.indirect.gather [hbm4b:s15+s5], $0x80, s9, s5, $0xb8;
	[tilespmem:$0x20C0] =	vst v63  }
0x7a: {  	_ =	swait.ge [sflag:s17], $0x800  }
0x7b: {  	[sflag:s17] =	ssyncset.done $0x0  }
0x7c: {  	[sflag:s17] =	ssyncadd.s32 $0xFFFFF800  }
0x7d: {  	_ =	swait.ge [sflag:s17], $0x800  }
0x7e: {  	v4 =	vtrunc.f32 v61;
	[sflag:s17] =	ssyncset.done $0x0  }
0x7f: {  	v4 =	vcvt.f32.s32 v4;
	[sflag:s17] =	ssyncadd.s32 $0xFFFFF800  }
0x80: {  	_ =	swait.ge [sflag:s17], $0x800  }
0x81: {  	v5 =	vadd.s32 v1, v4;
	[sflag:s17] =	ssyncset.done $0x0  }
0x82: {  	[sflag:s17] =	ssyncadd.s32 $0xFFFFF800  }
0x83: {  	_ =	swait.ge [sflag:s17], $0x800  }
0x84: {  	[sflag:s17] =	ssyncset.done $0x0  }
0x85: {  	[sflag:s17] =	ssyncadd.s32 $0xFFFFF800  }
0x86: {  	v6 =	vld.idx.msk [tilespmem:v5+s16+$0x0], $0xffff  }
0x87: {  	v7 =	vld.idx.msk [tilespmem:v5+s14+$0x0], $0xffff  }
0x88: {  	v3 =	vcvt.s32.f32 v3;
	v8 =	vld.idx.msk [tilespmem:v5+s10+$0x0], $0xffff  }
0x89: {  	v5 =	vld.idx.msk [tilespmem:v5+s12+$0x0], $0xffff  }
0x8a: {  	[tilespmem:$0x2040] =	vst v3;
	v3 =	vld [tilespmem:$0x0]  }
0x8b: {  	v4 =	vcvt.s32.f32 v4;
	_ =	sdelay $0x1  }
0x8c: {  	v2 =	vcvt.s32.f32 v2;
	v4 =	vadd.f32 v4, v8;
	v7 =	vmul.f32 $5.000000000e-01, v7;
	_ =	sdelay $0x1  }
0x8d: {  	v2 =	vadd.f32 v2, v5;
	[tilespmem:$0x2050] =	vst v3;
	v3 =	vmul.f32 $5.000000000e-01, v6;
	v62 =	vsub.f32 v4, v7  }
0x8e: {  	v4 =	vadd.f32 v7, v4  }
0x8f: {  	v6 =	vsub.f32 v2, v3;
	v2 =	vadd.f32 v3, v2;
	v3 =	vmul.f32 $4.000000000e+00, v62  }
0x90: {  	v4 =	vmul.f32 $4.000000000e+00, v4  }
0x91: {  	v63 =	vmul.f32 $4.000000000e+00, v6;
	[tilespmem:$0x2060] =	vst v3  }
0x92: {  	v2 =	vmul.f32 $4.000000000e+00, v2;
	[tilespmem:$0x2080] =	vst v4  }
0x93: {  	[tilespmem:$0x2070] =	vst v63  }
0x94: {  	[tilespmem:$0x2090] =	vst v2  }
0x95: {  	[hbm4b:s18+s2] =	stream.linear.scatter [tilespmem:s19], [sflag:$0x2], $0x10, $0x38;
	[tilespmem:$0x20C0] =	vst v63  }
0x96: {  	_ =	swait.ge [sflag:s3], $0x10  }
0x97: {  	[sflag:s3] =	ssyncset.done $0x0  }
0x98: {  	[sflag:s3] =	ssyncadd.s32 $0xFFFFFFF0  }
0x99: {  	[hbm4b:s20+s2] =	stream.linear.scatter [tilespmem:s21], [sflag:$0x2], $0x10, $0x38;
	[tilespmem:$0x20C0] =	vst v63  }
0x9a: {  	_ =	swait.ge [sflag:s3], $0x10  }
0x9b: {  	[sflag:s3] =	ssyncset.done $0x0  }
0x9c: {  	[sflag:s3] =	ssyncadd.s32 $0xFFFFFFF0  }
0x9d: {  	[hbm4b:s22+s2] =	stream.linear.scatter [tilespmem:s23], [sflag:$0x2], $0x10, $0x38;
	[tilespmem:$0x20C0] =	vst v63  }
0x9e: {  	_ =	swait.ge [sflag:s3], $0x10  }
0x9f: {  	[sflag:s3] =	ssyncset.done $0x0  }
0xa0: {  	p0 =	sne.s32 s31, $0x1;
	[sflag:s3] =	ssyncadd.s32 $0xFFFFFFF0  }
0xa1: {  	[hbm4b:s24+s2] =	stream.linear.scatter [tilespmem:s25], [sflag:$0x2], $0x10, $0x38;
	[tilespmem:$0x20C0] =	vst v63  }
.Ltmp1:
0xa2: {  	_ =	swait.ge [sflag:s3], $0x10;
	(pc) =	sbr.rel @p0 .LBB2_1-.Ltmp1, $4  }
0xa3: {  	[sflag:s3] =	ssyncset.done $0x0  }
0xa4: {  	[sflag:s3] =	ssyncadd.s32 $0xFFFFFFF0  }
0xa5: {  	[hbm4b:s26+s2] =	stream.linear.scatter [tilespmem:s29], [sflag:$0x2], $0x10, $0x38;
	[tilespmem:$0x20C0] =	vst v63  }
0xa6: {  	s31 =	sadd.s32 $0xFFFFFFFF, s31;
	_ =	swait.ge [sflag:s3], $0x10  }
.LBB2_2:
0xa7: {  	[sflag:s3] =	ssyncset.done $0x0  }
0xa8: {  	[sflag:s3] =	ssyncadd.s32 $0xFFFFFFF0  }
0xa9: {  	[hbm4b:s28+s2] =	stream.linear.scatter [tilespmem:s30], [sflag:$0x2], $0x10, $0x38;
	[tilespmem:$0x20C0] =	vst v63  }
0xaa: {  	_ =	swait.ge [sflag:s3], $0x10  }
0xab: {  	[sflag:s3] =	ssyncset.done $0x0  }
0xac: {  	[sflag:s3] =	ssyncadd.s32 $0xFFFFFFF0  }
0xad: {  	_ =	sfence.sel $0x180000  }
0xae: {  	[bflag:$0x0] =	sbarrier.arrive $0xFFFF  }
0xaf: {  	_ =	strace $0x90000047  }
0xb0: {  	[bflag:$0x2] =	sbarrier.arrive $0xFFFF  }
0xb1: {  	p0 =	sne.s32 s0, $0x0;
	s0 =	rddreg [dreg:$0x3]  }
0xb2: {  	s0 =	sadd.s32 @!p0 $0x100000, s0  }
0xb3: {  	[sflag:s0] =	ssyncadd.tile.s32 @!p0 $0x1;
	_ =	shalt  }
.Lfunc_end2:
_tile_overlayer_lowered:
.L_overlay_start_2:
0xb4: {  	(tag) =	ssettag $0x2  }
0xb5: {  	s0 =	rddreg [dreg:$0x0];
	s2 =	stileid.u32  }
0xb6: {  	s1 =	rddreg [dreg:$0x1];
	p0 =	sne.s32 s2, $0x0  }
0xb7: {  	s3 =	rddreg [dreg:$0x2];
	[bflag:$0x3] =	sbarrier.arrive $0xFFFF;
	s2 =	simm.s32 @!p0 $0x1C02  }
0xb8: {  	[timem:s3], [sflag:s2] =	dma.local @!p0 [hbm:s0], s1  }
0xb9: {  	s0 =	simm.s32 @!p0 $0x2  }
0xba: {  	_ =	swait.ge @!p0 [sflag:s0], s1  }
0xbb: {  	s1 =	ssub.s32 @!p0 $0x0, s1;
	[sflag:s0] =	ssyncset.done @!p0 $0x0  }
0xbc: {  	[sflag:s0] =	ssyncadd.s32 @!p0 s1  }
0xbd: {  	[bflag:$0x3] =	sbarrier.arrive $0xFFFF  }
0xbe: {  	_ =	shalt  }

</sc_bundles>
